<compile_context>
chip_gen: v7x
topology: tpu7x:2x2x1
jax: 0.10.2.dev20260603
libtpu: 0.0.44.dev20260713+nightly
codegen_flags: <defaults>
</compile_context>

<pallas_src>
import functools

import jax
import jax.numpy as jnp
from jax import lax
from jax.experimental import pallas as pl
from jax.experimental.pallas import tpu as pltpu
from jax.experimental.pallas import tpu_sc as plsc
from jax._src.pallas import mpmd as _plmpmd

B, C, H, W = 1, 128, 384, 384
N, K = 10000, 32
HW = H * W

NC = 200
NSTEPS = N // NC
TRB = 4608

NCORES, NSUB = 2, 16
NTILES = NCORES * NSUB
NP1, NP2 = 5000, 5000
GCH = 40

SINK = HW


def _mesh():
    return plsc.VectorSubcoreMesh(core_axis_name="c", subcore_axis_name="s",
                                  num_cores=NCORES, num_subcores=NSUB)


HB = 32


def _trA_body(x_ref, o_ref):
    for h in range(HB):
        o_ref[h] = x_ref[:, h, :].T


def _transpose_cm_to_rm(ft3):
    return pl.pallas_call(
        _trA_body,
        grid=(H // HB,),
        in_specs=[pl.BlockSpec((C, HB, W), lambda i: (0, i, 0))],
        out_specs=pl.BlockSpec((HB, W, C), lambda i: (i, 0, 0)),
        out_shape=jax.ShapeDtypeStruct((H, W, C), jnp.float32),
    )(ft3)


def _trE_body(x_ref, o_ref):
    x3 = x_ref[...].reshape(HB, W, C)
    for h in range(HB):
        o_ref[:, h, :] = x3[h].T


def _transpose_rm_to_cm(x2):
    return pl.pallas_call(
        _trE_body,
        grid=(H // HB,),
        in_specs=[pl.BlockSpec((HB * W, C), lambda i: (i, 0))],
        out_specs=pl.BlockSpec((C, HB, W), lambda i: (0, i, 0)),
        out_shape=jax.ShapeDtypeStruct((C, H, W), jnp.float32),
    )(x2)


def _gather_body(RPT, NCH, table_hbm, idx3_hbm, out_hbm, idx_v, rows0, rows1, rows2, rows3,
                 sg0, sg1, sg2, sg3, sw0, sw1, sw2, sw3):
    wid = lax.axis_index("s") * NCORES + lax.axis_index("c")
    base = wid * RPT
    rows = (rows0, rows1, rows2, rows3)
    sg = (sg0, sg1, sg2, sg3)
    sw = (sw0, sw1, sw2, sw3)
    pltpu.sync_copy(idx3_hbm.at[wid], idx_v)
    for b in range(3):
        pltpu.async_copy(table_hbm.at[idx_v.at[b]], rows[b], sg[b])

    def arm(jj, a):
        nb = (a + 3) % 4
        pltpu.make_async_copy(table_hbm.at[idx_v.at[jj]], rows[a], sg[a]).wait()
        pltpu.async_copy(rows[a], out_hbm.at[pl.ds(base + jj * GCH, GCH)], sw[a])

        @pl.when(jj > 0)
        def _():
            pltpu.make_async_copy(
                rows[nb], out_hbm.at[pl.ds(base, GCH)], sw[nb]).wait()

        @pl.when(jj + 3 < NCH)
        def _():
            pltpu.async_copy(table_hbm.at[idx_v.at[jj + 3]], rows[nb], sg[nb])

    def chunk(jj, carry):
        for a in range(4):
            @pl.when(jj % 4 == a)
            def _():
                arm(jj, a)
        return carry

    lax.fori_loop(0, NCH, chunk, 0)
    a = (NCH - 1) % 4
    pltpu.make_async_copy(rows[a], out_hbm.at[pl.ds(base, GCH)], sw[a]).wait()


def _sc_gather(table, idx3, npts):
    rpt = npts * K // NTILES
    nch = rpt // GCH
    return pl.kernel(
        functools.partial(_gather_body, rpt, nch),
        out_type=jax.ShapeDtypeStruct((npts * K, C), jnp.float32),
        mesh=_mesh(),
        scratch_types=[
            pltpu.VMEM((nch, GCH), jnp.int32),
            pltpu.VMEM((GCH, C), jnp.float32),
            pltpu.VMEM((GCH, C), jnp.float32),
            pltpu.VMEM((GCH, C), jnp.float32),
            pltpu.VMEM((GCH, C), jnp.float32),
        ] + [pltpu.SemaphoreType.DMA] * 8,
    )(table, idx3)


def _main_body(d_ref, f_ref, w1b_ref, w2t_ref, b2_ref, wct_ref, bc_ref,
               bnw_ref, bnb_ref, y_ref, aff_ref, acc_ref):
    i = pl.program_id(0)
    h1 = jnp.maximum(
        lax.dot_general(d_ref[...], w1b_ref[...], (((0,), (0,)), ((), ())),
                        preferred_element_type=jnp.float32), 0.0)
    wk = jnp.maximum(
        jnp.dot(h1.astype(jnp.bfloat16), w2t_ref[...],
                preferred_element_type=jnp.float32) + b2_ref[...], 0.0)
    prod = wk * f_ref[...]
    red = prod.reshape(NC, K, C).sum(axis=1)
    y = jnp.dot(red, wct_ref[...], preferred_element_type=jnp.float32) + bc_ref[...]

    @pl.when(i == 0)
    def _():
        acc_ref[...] = jnp.zeros_like(acc_ref)

    acc_ref[0:1, :] += jnp.sum(y, axis=0, keepdims=True)
    acc_ref[1:2, :] += jnp.sum(y * y, axis=0, keepdims=True)
    y_ref[...] = y

    @pl.when(i == pl.num_programs(0) - 1)
    def _():
        aff_ref[...] = acc_ref[...]


def _tc_main(d4, f, w1b, w2t, b2r, wct, bcr, bnwr, bnbr, npts, step_off):
    return pl.pallas_call(
        _main_body,
        grid=(npts // NC,),
        in_specs=[
            pl.BlockSpec((4, NC * K), lambda i, hoff=step_off: (0, i + hoff)),
            pl.BlockSpec((NC * K, C), lambda i: (i, 0)),
            pl.BlockSpec((4, 64), lambda i: (0, 0)),
            pl.BlockSpec((64, C), lambda i: (0, 0)),
            pl.BlockSpec((1, C), lambda i: (0, 0)),
            pl.BlockSpec((C, C), lambda i: (0, 0)),
            pl.BlockSpec((1, C), lambda i: (0, 0)),
            pl.BlockSpec((1, C), lambda i: (0, 0)),
            pl.BlockSpec((1, C), lambda i: (0, 0)),
        ],
        out_specs=[
            pl.BlockSpec((NC, C), lambda i: (i, 0)),
            pl.BlockSpec((2, C), lambda i: (0, 0)),
        ],
        out_shape=[
            jax.ShapeDtypeStruct((npts, C), jnp.float32),
            jax.ShapeDtypeStruct((2, C), jnp.float32),
        ],
        scratch_shapes=[pltpu.VMEM((2, C), jnp.float32)],
    )(d4, f, w1b, w2t, b2r, wct, bcr, bnwr, bnbr)


def _aff_body(y0_ref, y1_ref, s0_ref, s1_ref, bnw_ref, bnb_ref, x_ref):
    s = s0_ref[...] + s1_ref[...]
    mean = s[0:1, :] / N
    var = s[1:2, :] / N - mean * mean
    scale = bnw_ref[...] * lax.rsqrt(var + 1e-5)
    shift = bnb_ref[...] - mean * scale
    x_ref[0:NP1, :] = jnp.maximum(y0_ref[...] * scale + shift, 0.0)
    x_ref[NP1:, :] = jnp.maximum(y1_ref[...] * scale + shift, 0.0)


def _tc_affine(y0, y1, s0, s1, bnwr, bnbr):
    return pl.pallas_call(
        _aff_body,
        grid=(1,),
        in_specs=[
            pl.BlockSpec((NP1, C), lambda i: (0, 0)),
            pl.BlockSpec((NP2, C), lambda i: (0, 0)),
            pl.BlockSpec((2, C), lambda i: (0, 0)),
            pl.BlockSpec((2, C), lambda i: (0, 0)),
            pl.BlockSpec((1, C), lambda i: (0, 0)),
            pl.BlockSpec((1, C), lambda i: (0, 0)),
        ],
        out_specs=pl.BlockSpec((N, C), lambda i: (0, 0)),
        out_shape=jax.ShapeDtypeStruct((N, C), jnp.float32),
    )(y0, y1, s0, s1, bnwr, bnbr)


SCCH = 80
NSCH = N // SCCH


def _scatter_body(x_hbm, idxo_hbm, base_hbm, out_hbm, idx_v, vals_v, sv, ss):
    wid = lax.axis_index("s") * NCORES + lax.axis_index("c")

    for r in range((NSCH + NTILES - 1) // NTILES):
        cid = wid + r * NTILES

        @pl.when(cid < NSCH)
        def _():
            pltpu.sync_copy(idxo_hbm.at[cid], idx_v)
            pltpu.async_copy(
                x_hbm.at[pl.ds(cid * SCCH, SCCH)], vals_v, sv).wait()
            pltpu.async_copy(vals_v, out_hbm.at[idx_v], ss).wait()


def _sc_scatter(x, idxo, base):
    fn = _plmpmd._mpmd_map(
        ((_mesh(), _scatter_body),),
        jax.ShapeDtypeStruct((HW + 8, C), jnp.float32),
        input_output_aliases={2: 0},
        scratch_types=[
            pltpu.VMEM((SCCH,), jnp.int32),
            pltpu.VMEM((SCCH, C), jnp.float32),
            pltpu.SemaphoreType.DMA,
            pltpu.SemaphoreType.DMA,
        ],
    )
    return fn(x, idxo, base)


def kernel(feature_tensor, nn_diff_pts_3d, pixel_idxs, nn_pixel_idxs,
           W1, b1, W2, b2, Wc, bc, bn_w, bn_b):
    table = _transpose_cm_to_rm(feature_tensor[0]).reshape(HW, C)

    nn_pi = nn_pixel_idxs[0]
    idx = (nn_pi[:, :, 1] * W + nn_pi[:, :, 0]).astype(jnp.int32).reshape(N * K)
    f0 = _sc_gather(table, idx[:NP1 * K].reshape(NTILES, -1, GCH), NP1)
    f1 = _sc_gather(table, idx[NP1 * K:].reshape(NTILES, -1, GCH), NP2)

    d4 = jnp.concatenate(
        [nn_diff_pts_3d[0].reshape(N * K, 3).T,
         jnp.ones((1, N * K), jnp.float32)], axis=0)
    w1b = jnp.concatenate([W1.T, b1[None, :]], axis=0)
    w2tb = W2.T.astype(jnp.bfloat16)
    args = (w1b, w2tb, b2[None, :], Wc.T, bc[None, :], bn_w[None, :], bn_b[None, :])
    y0, s0 = _tc_main(d4, f0, *args, npts=NP1, step_off=0)
    y1, s1 = _tc_main(d4, f1, *args, npts=NP2, step_off=NP1 // NC)

    x = _tc_affine(y0, y1, s0, s1, bn_w[None, :], bn_b[None, :])

    gate = jnp.minimum(jnp.abs(s0[0, 0]), 0.0).astype(jnp.int32)
    pix = (pixel_idxs[0, :, 1] * W + pixel_idxs[0, :, 0]).astype(jnp.int32) + gate
    perm = jnp.argsort(pix, stable=True)
    pix_s = pix[perm]
    is_last = jnp.concatenate(
        [pix_s[1:] != pix_s[:-1], jnp.ones((1,), jnp.bool_)])
    idx_out = jnp.zeros((N,), jnp.int32).at[perm].set(
        jnp.where(is_last, pix_s, SINK))
    base = jnp.zeros((HW + 8, C), jnp.float32)
    scat = _sc_scatter(x, idx_out.reshape(NSCH, SCCH), base)
    out = _transpose_rm_to_cm(scat)
    return out.reshape(B, C, H, W)

# --- scband reference (transcript-rebuilt; emitter-appended) ---
"""Pipeline reference for scband-parametric-continuous-conv-79517024518540 (READ-ONLY COPY).

The authoritative reference and input builder live on the scoring server;
editing this copy changes nothing except your own understanding.
"""

import jax, jax.numpy as jnp
import numpy as np

B, C, H, W = 1, 128, 384, 384
N, K = 10000, 32


def setup_inputs(seed: int = 0) -> dict:
    key = jax.random.key(seed)
    ks = jax.random.split(key, 12)
    inp = {}
    inp["feature_tensor"] = jax.random.normal(ks[0], (B, C, H, W), dtype=jnp.float32)
    inp["nn_diff_pts_3d"] = jax.random.normal(ks[1], (B, N, K, 3), dtype=jnp.float32)
    inp["pixel_idxs"] = jax.random.randint(ks[2], (B, N, 2), 0, W, dtype=jnp.int64 if jax.config.jax_enable_x64 else jnp.int32).astype(jnp.int32)
    inp["nn_pixel_idxs"] = jax.random.randint(ks[3], (B, N, K, 2), 0, W).astype(jnp.int32)
    # learned params (torch defaults: Linear(3, C//2), Linear(C//2, C), Conv2d(C, C, 1), BatchNorm2d(C))
    inp["W1"] = (jax.random.normal(ks[4], (C // 2, 3), dtype=jnp.float32) * 0.1)
    inp["b1"] = (jax.random.normal(ks[5], (C // 2,), dtype=jnp.float32) * 0.1)
    inp["W2"] = (jax.random.normal(ks[6], (C, C // 2), dtype=jnp.float32) * 0.1)
    inp["b2"] = (jax.random.normal(ks[7], (C,), dtype=jnp.float32) * 0.1)
    inp["Wc"] = (jax.random.normal(ks[8], (C, C), dtype=jnp.float32) * 0.1)
    inp["bc"] = (jax.random.normal(ks[9], (C,), dtype=jnp.float32) * 0.1)
    inp["bn_w"] = jnp.ones((C,), dtype=jnp.float32)
    inp["bn_b"] = jnp.zeros((C,), dtype=jnp.float32)
    return inp


def reference(feature_tensor, nn_diff_pts_3d, pixel_idxs, nn_pixel_idxs, W1, b1, W2, b2, Wc, bc, bn_w, bn_b):
    b, n, k, _ = nn_diff_pts_3d.shape
    flat = nn_pixel_idxs.reshape(b, n * k, 2)
    # gather neighbor features: feature_tensor.permute(0,2,3,1)[:, iy, ix]
    ftp = jnp.transpose(feature_tensor, (0, 2, 3, 1))  # [B,H,W,C]
    f_flat = ftp[:, flat[:, :, 1], flat[:, :, 0]]       # [B, B, N*K, C] (B==1)
    f = f_flat.reshape(b, n, k, -1)                     # [B,N,K,C]
    # MLP on 3D offsets
    h1 = jax.nn.relu(nn_diff_pts_3d @ W1.T + b1)
    w = jax.nn.relu(h1 @ W2.T + b2)                     # [B,N,K,C]
    out = w * f
    out = out.sum(axis=2, keepdims=True)                # [B,N,1,C]
    x = jnp.transpose(out, (0, 3, 1, 2))                # [B,C,N,1]
    # 1x1 conv
    x = jnp.einsum('oc,bcnm->bonm', Wc, x) + bc[None, :, None, None]
    # BatchNorm2d (training-mode batch stats, biased variance, eps=1e-5)
    mean = x.mean(axis=(0, 2, 3), keepdims=True)
    var = ((x - mean) ** 2).mean(axis=(0, 2, 3), keepdims=True)
    x = (x - mean) / jnp.sqrt(var + 1e-5)
    x = x * bn_w[None, :, None, None] + bn_b[None, :, None, None]
    x = jax.nn.relu(x)
    x = jnp.transpose(x, (0, 1, 3, 2))                  # [B,C,1,N]
    # scatter-overwrite into dense map
    h = jnp.zeros(feature_tensor.shape, dtype=feature_tensor.dtype)
    py = pixel_idxs[:, :, 1]
    px = pixel_idxs[:, :, 0]
    h = h.at[:, :, py, px].set(x)
    return h

if __name__ == "__main__":
    import jax
    _d = setup_inputs()
    print(jax.jit(kernel)(*tuple(_d.values())))

</pallas_src>

<mosaic_0001>
#map = affine_map<(d0, d1) -> (0, 0)>
#map1 = affine_map<(d0, d1) -> (0, 0, 0)>
module attributes {stable_mosaic.version = 14 : i64} {
  func.func @_gather_body(%arg0: i32, %arg1: i32, %arg2: memref<147456x128xf32, #tpu.memory_space<hbm>>, %arg3: memref<32x125x40xi32, #tpu.memory_space<hbm>>, %arg4: memref<160000x128xf32, #tpu.memory_space<hbm>>, %arg5: memref<125x40xi32, #tpu.memory_space<vmem>>, %arg6: memref<40x128xf32, #tpu.memory_space<vmem>>, %arg7: memref<40x128xf32, #tpu.memory_space<vmem>>, %arg8: memref<40x128xf32, #tpu.memory_space<vmem>>, %arg9: memref<40x128xf32, #tpu.memory_space<vmem>>, %arg10: memref<!tpu.dma_semaphore, #tpu.memory_space<semaphore_mem>>, %arg11: memref<!tpu.dma_semaphore, #tpu.memory_space<semaphore_mem>>, %arg12: memref<!tpu.dma_semaphore, #tpu.memory_space<semaphore_mem>>, %arg13: memref<!tpu.dma_semaphore, #tpu.memory_space<semaphore_mem>>, %arg14: memref<!tpu.dma_semaphore, #tpu.memory_space<semaphore_mem>>, %arg15: memref<!tpu.dma_semaphore, #tpu.memory_space<semaphore_mem>>, %arg16: memref<!tpu.dma_semaphore, #tpu.memory_space<semaphore_mem>>, %arg17: memref<!tpu.dma_semaphore, #tpu.memory_space<semaphore_mem>>) attributes {dimension_semantics = [#tpu.dimension_semantics<core_parallel>, #tpu.dimension_semantics<subcore_parallel>], iteration_bounds = array<i64: 2, 16>, scalar_prefetch = 0 : i64, scratch_operands = 13 : i64, tpu.core_type = #tpu.core_type<sc_vector_subcore>, window_params = [{transform_indices = #map}, {transform_indices = #map1}, {transform_indices = #map}]} {
    %mul3A = arith.constant 2 : i32
    %mul3A_0 = arith.muli %arg1, %mul3A : i32
    %add3A = arith.addi %mul3A_0, %arg0 : i32
    %mul3A_1 = arith.constant 5000 : i32
    %mul3A_2 = arith.muli %add3A, %mul3A_1 : i32
    "tpu.region"() ({
      %run_scoped3A = tpu.sem_alloc : memref<!tpu.dma_semaphore, #tpu.memory_space<semaphore_mem>>
      %dma_start3A_31 = arith.constant 0 : i32
      %dma_start3A_32 = arith.constant 0 : i32
      %dma_start3A_33 = tpu.memref_slice %arg3[%add3A, %dma_start3A_31, %dma_start3A_32] : memref<32x125x40xi32, #tpu.memory_space<hbm>> -> memref<1x125x40xi32, #tpu.memory_space<hbm>>
      %dma_start3A_34 = tpu.memref_squeeze %dma_start3A_33 : memref<1x125x40xi32, #tpu.memory_space<hbm>> -> memref<125x40xi32, #tpu.memory_space<hbm>>
      %dma_start3A_35 = arith.constant 0 : i32
      %dma_start3A_36 = arith.constant 0 : i32
      %dma_start3A_37 = tpu.memref_slice %arg3[%add3A, %dma_start3A_35, %dma_start3A_36] : memref<32x125x40xi32, #tpu.memory_space<hbm>> -> memref<1x125x40xi32, #tpu.memory_space<hbm>>
      %dma_start3A_38 = tpu.memref_squeeze %dma_start3A_37 : memref<1x125x40xi32, #tpu.memory_space<hbm>> -> memref<125x40xi32, #tpu.memory_space<hbm>>
      tpu.enqueue_dma source(%dma_start3A_38 : memref<125x40xi32, #tpu.memory_space<hbm>>) target(%arg5 : memref<125x40xi32, #tpu.memory_space<vmem>>) target_semaphore(%run_scoped3A : memref<!tpu.dma_semaphore, #tpu.memory_space<semaphore_mem>>)
      %dma_wait3A_39 = arith.constant 0 : i32
      %dma_wait3A_40 = arith.constant 0 : i32
      %dma_wait3A_41 = tpu.memref_slice %arg3[%add3A, %dma_wait3A_39, %dma_wait3A_40] : memref<32x125x40xi32, #tpu.memory_space<hbm>> -> memref<1x125x40xi32, #tpu.memory_space<hbm>>
      %dma_wait3A_42 = tpu.memref_squeeze %dma_wait3A_41 : memref<1x125x40xi32, #tpu.memory_space<hbm>> -> memref<125x40xi32, #tpu.memory_space<hbm>>
      %dma_wait3A_43 = arith.constant 0 : i32
      %dma_wait3A_44 = arith.constant 0 : i32
      %dma_wait3A_45 = tpu.memref_slice %arg3[%add3A, %dma_wait3A_43, %dma_wait3A_44] : memref<32x125x40xi32, #tpu.memory_space<hbm>> -> memref<1x125x40xi32, #tpu.memory_space<hbm>>
      %dma_wait3A_46 = tpu.memref_squeeze %dma_wait3A_45 : memref<1x125x40xi32, #tpu.memory_space<hbm>> -> memref<125x40xi32, #tpu.memory_space<hbm>>
      tpu.wait_dma2 semaphore(%run_scoped3A : memref<!tpu.dma_semaphore, #tpu.memory_space<semaphore_mem>>) src(%dma_wait3A_46 : memref<125x40xi32, #tpu.memory_space<hbm>>) dst(%arg5 : memref<125x40xi32, #tpu.memory_space<vmem>>)
      tpu.yield
    }) : () -> ()
    %dma_start3A = arith.constant 0 : i32
    %dma_start3A_3 = arith.constant 0 : i32
    %dma_start3A_4 = tpu.memref_slice %arg5[%dma_start3A, %dma_start3A_3] : memref<125x40xi32, #tpu.memory_space<vmem>> -> memref<1x40xi32, #tpu.memory_space<vmem>>
    %dma_start3A_5 = tpu.memref_squeeze %dma_start3A_4 : memref<1x40xi32, #tpu.memory_space<vmem>> -> memref<40xi32, #tpu.memory_space<vmem>>
    %dma_start3A_6 = arith.constant 0 : i32
    %dma_start3A_7 = arith.constant 0 : i32
    %dma_start3A_8 = tpu.memref_slice %arg2[%dma_start3A_6, %dma_start3A_7] : memref<147456x128xf32, #tpu.memory_space<hbm>> -> memref<147456x128xf32, #tpu.memory_space<hbm>>
    tpu.enqueue_indirect_dma source(%dma_start3A_8 : memref<147456x128xf32, #tpu.memory_space<hbm>>) target(%arg6 : memref<40x128xf32, #tpu.memory_space<vmem>>) offsets(%dma_start3A_5 : memref<40xi32, #tpu.memory_space<vmem>>) semaphore(%arg10 : memref<!tpu.dma_semaphore, #tpu.memory_space<semaphore_mem>>)
    %dma_start3A_9 = arith.constant 1 : i32
    %dma_start3A_10 = arith.constant 0 : i32
    %dma_start3A_11 = tpu.memref_slice %arg5[%dma_start3A_9, %dma_start3A_10] : memref<125x40xi32, #tpu.memory_space<vmem>> -> memref<1x40xi32, #tpu.memory_space<vmem>>
    %dma_start3A_12 = tpu.memref_squeeze %dma_start3A_11 : memref<1x40xi32, #tpu.memory_space<vmem>> -> memref<40xi32, #tpu.memory_space<vmem>>
    %dma_start3A_13 = arith.constant 0 : i32
    %dma_start3A_14 = arith.constant 0 : i32
    %dma_start3A_15 = tpu.memref_slice %arg2[%dma_start3A_13, %dma_start3A_14] : memref<147456x128xf32, #tpu.memory_space<hbm>> -> memref<147456x128xf32, #tpu.memory_space<hbm>>
    tpu.enqueue_indirect_dma source(%dma_start3A_15 : memref<147456x128xf32, #tpu.memory_space<hbm>>) target(%arg7 : memref<40x128xf32, #tpu.memory_space<vmem>>) offsets(%dma_start3A_12 : memref<40xi32, #tpu.memory_space<vmem>>) semaphore(%arg11 : memref<!tpu.dma_semaphore, #tpu.memory_space<semaphore_mem>>)
    %dma_start3A_16 = arith.constant 2 : i32
    %dma_start3A_17 = arith.constant 0 : i32
    %dma_start3A_18 = tpu.memref_slice %arg5[%dma_start3A_16, %dma_start3A_17] : memref<125x40xi32, #tpu.memory_space<vmem>> -> memref<1x40xi32, #tpu.memory_space<vmem>>
    %dma_start3A_19 = tpu.memref_squeeze %dma_start3A_18 : memref<1x40xi32, #tpu.memory_space<vmem>> -> memref<40xi32, #tpu.memory_space<vmem>>
    %dma_start3A_20 = arith.constant 0 : i32
    %dma_start3A_21 = arith.constant 0 : i32
    %dma_start3A_22 = tpu.memref_slice %arg2[%dma_start3A_20, %dma_start3A_21] : memref<147456x128xf32, #tpu.memory_space<hbm>> -> memref<147456x128xf32, #tpu.memory_space<hbm>>
    tpu.enqueue_indirect_dma source(%dma_start3A_22 : memref<147456x128xf32, #tpu.memory_space<hbm>>) target(%arg8 : memref<40x128xf32, #tpu.memory_space<vmem>>) offsets(%dma_start3A_19 : memref<40xi32, #tpu.memory_space<vmem>>) semaphore(%arg12 : memref<!tpu.dma_semaphore, #tpu.memory_space<semaphore_mem>>)
    %scan3A = arith.constant 0 : i32
    %scan3A_23 = arith.constant 0 : i32
    %scan3A_24 = arith.constant 125 : i32
    %scan3A_25 = arith.addi %scan3A_23, %scan3A_24 : i32
    %scan3A_26 = arith.constant 1 : i32
    scf.for %scan3A_31 = %scan3A_23 to %scan3A_25 step %scan3A_26  : i32 {
      %jit3A = arith.constant 4 : i32
      %eq3A = arith.constant 0 : i32
      %eq3A_32 = arith.cmpi eq, %jit3A, %eq3A : i32
      %jit3A_33 = arith.constant 1 : i32
      %select_n3A = arith.select %eq3A_32, %jit3A_33, %jit3A : i32
      %rem3A = arith.remsi %scan3A_31, %select_n3A : i32
      %ne3A = arith.constant 0 : i32
      %ne3A_34 = arith.cmpi ne, %rem3A, %ne3A : i32
      %lt3A = arith.constant 0 : i32
      %lt3A_35 = arith.cmpi slt, %rem3A, %lt3A : i32
      %lt3A_36 = arith.constant 0 : i32
      %lt3A_37 = arith.cmpi slt, %select_n3A, %lt3A_36 : i32
      %ne3A_38 = arith.xori %lt3A_35, %lt3A_37 : i1
      %and3A = arith.andi %ne3A_38, %ne3A_34 : i1
      %add3A_39 = arith.addi %rem3A, %select_n3A : i32
      %select_n3A_40 = arith.select %and3A, %add3A_39, %rem3A : i32
      %eq3A_41 = arith.constant 0 : i32
      %eq3A_42 = arith.cmpi eq, %select_n3A_40, %eq3A_41 : i32
      %convert_element_type3A = arith.extui %eq3A_42 : i1 to i32
      %cond3A = arith.constant 0 : i32
      %cond3A_43 = arith.cmpi ne, %convert_element_type3A, %cond3A : i32
      scf.if %cond3A_43 {
        %dma_wait3A_107 = arith.constant 0 : i32
        %dma_wait3A_108 = tpu.memref_slice %arg5[%scan3A_31, %dma_wait3A_107] : memref<125x40xi32, #tpu.memory_space<vmem>> -> memref<1x40xi32, #tpu.memory_space<vmem>>
        %dma_wait3A_109 = tpu.memref_squeeze %dma_wait3A_108 : memref<1x40xi32, #tpu.memory_space<vmem>> -> memref<40xi32, #tpu.memory_space<vmem>>
        %dma_wait3A_110 = arith.constant 0 : i32
        %dma_wait3A_111 = arith.constant 0 : i32
        %dma_wait3A_112 = tpu.memref_slice %arg2[%dma_wait3A_110, %dma_wait3A_111] : memref<147456x128xf32, #tpu.memory_space<hbm>> -> memref<147456x128xf32, #tpu.memory_space<hbm>>
        tpu.wait_indirect_dma semaphore(%arg10 : memref<!tpu.dma_semaphore, #tpu.memory_space<semaphore_mem>>) src(%dma_wait3A_112 : memref<147456x128xf32, #tpu.memory_space<hbm>>) dst(%arg6 : memref<40x128xf32, #tpu.memory_space<vmem>>)
        %mul3A_113 = arith.constant 40 : i32
        %mul3A_114 = arith.muli %scan3A_31, %mul3A_113 : i32
        %add3A_115 = arith.addi %mul3A_2, %mul3A_114 : i32
        %dma_start3A_116 = arith.constant 0 : i32
        %dma_start3A_117 = tpu.memref_slice %arg4[%add3A_115, %dma_start3A_116] : memref<160000x128xf32, #tpu.memory_space<hbm>> -> memref<40x128xf32, #tpu.memory_space<hbm>>
        %dma_start3A_118 = arith.constant 0 : i32
        %dma_start3A_119 = tpu.memref_slice %arg4[%add3A_115, %dma_start3A_118] : memref<160000x128xf32, #tpu.memory_space<hbm>> -> memref<40x128xf32, #tpu.memory_space<hbm>>
        tpu.enqueue_dma source(%arg6 : memref<40x128xf32, #tpu.memory_space<vmem>>) target(%dma_start3A_119 : memref<40x128xf32, #tpu.memory_space<hbm>>) target_semaphore(%arg14 : memref<!tpu.dma_semaphore, #tpu.memory_space<semaphore_mem>>)
        %gt3A = arith.constant 0 : i32
        %gt3A_120 = arith.cmpi sgt, %scan3A_31, %gt3A : i32
        %convert_element_type3A_121 = arith.extui %gt3A_120 : i1 to i32
        %cond3A_122 = arith.constant 0 : i32
        %cond3A_123 = arith.cmpi ne, %convert_element_type3A_121, %cond3A_122 : i32
        scf.if %cond3A_123 {
          %dma_wait3A_131 = arith.constant 0 : i32
          %dma_wait3A_132 = tpu.memref_slice %arg4[%mul3A_2, %dma_wait3A_131] : memref<160000x128xf32, #tpu.memory_space<hbm>> -> memref<40x128xf32, #tpu.memory_space<hbm>>
          %dma_wait3A_133 = arith.constant 0 : i32
          %dma_wait3A_134 = tpu.memref_slice %arg4[%mul3A_2, %dma_wait3A_133] : memref<160000x128xf32, #tpu.memory_space<hbm>> -> memref<40x128xf32, #tpu.memory_space<hbm>>
          tpu.wait_dma2 semaphore(%arg17 : memref<!tpu.dma_semaphore, #tpu.memory_space<semaphore_mem>>) src(%arg9 : memref<40x128xf32, #tpu.memory_space<vmem>>) dst(%dma_wait3A_134 : memref<40x128xf32, #tpu.memory_space<hbm>>)
        } else {
        }
        %add3A_124 = arith.constant 3 : i32
        %add3A_125 = arith.addi %scan3A_31, %add3A_124 : i32
        %lt3A_126 = arith.constant 125 : i32
        %lt3A_127 = arith.cmpi slt, %add3A_125, %lt3A_126 : i32
        %convert_element_type3A_128 = arith.extui %lt3A_127 : i1 to i32
        %cond3A_129 = arith.constant 0 : i32
        %cond3A_130 = arith.cmpi ne, %convert_element_type3A_128, %cond3A_129 : i32
        scf.if %cond3A_130 {
          %add3A_131 = arith.constant 3 : i32
          %add3A_132 = arith.addi %scan3A_31, %add3A_131 : i32
          %dma_start3A_133 = arith.constant 0 : i32
          %dma_start3A_134 = tpu.memref_slice %arg5[%add3A_132, %dma_start3A_133] : memref<125x40xi32, #tpu.memory_space<vmem>> -> memref<1x40xi32, #tpu.memory_space<vmem>>
          %dma_start3A_135 = tpu.memref_squeeze %dma_start3A_134 : memref<1x40xi32, #tpu.memory_space<vmem>> -> memref<40xi32, #tpu.memory_space<vmem>>
          %dma_start3A_136 = arith.constant 0 : i32
          %dma_start3A_137 = arith.constant 0 : i32
          %dma_start3A_138 = tpu.memref_slice %arg2[%dma_start3A_136, %dma_start3A_137] : memref<147456x128xf32, #tpu.memory_space<hbm>> -> memref<147456x128xf32, #tpu.memory_space<hbm>>
          tpu.enqueue_indirect_dma source(%dma_start3A_138 : memref<147456x128xf32, #tpu.memory_space<hbm>>) target(%arg9 : memref<40x128xf32, #tpu.memory_space<vmem>>) offsets(%dma_start3A_135 : memref<40xi32, #tpu.memory_space<vmem>>) semaphore(%arg13 : memref<!tpu.dma_semaphore, #tpu.memory_space<semaphore_mem>>)
        } else {
        }
      } else {
      }
      %jit3A_44 = arith.constant 4 : i32
      %eq3A_45 = arith.constant 0 : i32
      %eq3A_46 = arith.cmpi eq, %jit3A_44, %eq3A_45 : i32
      %jit3A_47 = arith.constant 1 : i32
      %select_n3A_48 = arith.select %eq3A_46, %jit3A_47, %jit3A_44 : i32
      %rem3A_49 = arith.remsi %scan3A_31, %select_n3A_48 : i32
      %ne3A_50 = arith.constant 0 : i32
      %ne3A_51 = arith.cmpi ne, %rem3A_49, %ne3A_50 : i32
      %lt3A_52 = arith.constant 0 : i32
      %lt3A_53 = arith.cmpi slt, %rem3A_49, %lt3A_52 : i32
      %lt3A_54 = arith.constant 0 : i32
      %lt3A_55 = arith.cmpi slt, %select_n3A_48, %lt3A_54 : i32
      %ne3A_56 = arith.xori %lt3A_53, %lt3A_55 : i1
      %and3A_57 = arith.andi %ne3A_56, %ne3A_51 : i1
      %add3A_58 = arith.addi %rem3A_49, %select_n3A_48 : i32
      %select_n3A_59 = arith.select %and3A_57, %add3A_58, %rem3A_49 : i32
      %eq3A_60 = arith.constant 1 : i32
      %eq3A_61 = arith.cmpi eq, %select_n3A_59, %eq3A_60 : i32
      %convert_element_type3A_62 = arith.extui %eq3A_61 : i1 to i32
      %cond3A_63 = arith.constant 0 : i32
      %cond3A_64 = arith.cmpi ne, %convert_element_type3A_62, %cond3A_63 : i32
      scf.if %cond3A_64 {
        %dma_wait3A_107 = arith.constant 0 : i32
        %dma_wait3A_108 = tpu.memref_slice %arg5[%scan3A_31, %dma_wait3A_107] : memref<125x40xi32, #tpu.memory_space<vmem>> -> memref<1x40xi32, #tpu.memory_space<vmem>>
        %dma_wait3A_109 = tpu.memref_squeeze %dma_wait3A_108 : memref<1x40xi32, #tpu.memory_space<vmem>> -> memref<40xi32, #tpu.memory_space<vmem>>
        %dma_wait3A_110 = arith.constant 0 : i32
        %dma_wait3A_111 = arith.constant 0 : i32
        %dma_wait3A_112 = tpu.memref_slice %arg2[%dma_wait3A_110, %dma_wait3A_111] : memref<147456x128xf32, #tpu.memory_space<hbm>> -> memref<147456x128xf32, #tpu.memory_space<hbm>>
        tpu.wait_indirect_dma semaphore(%arg11 : memref<!tpu.dma_semaphore, #tpu.memory_space<semaphore_mem>>) src(%dma_wait3A_112 : memref<147456x128xf32, #tpu.memory_space<hbm>>) dst(%arg7 : memref<40x128xf32, #tpu.memory_space<vmem>>)
        %mul3A_113 = arith.constant 40 : i32
        %mul3A_114 = arith.muli %scan3A_31, %mul3A_113 : i32
        %add3A_115 = arith.addi %mul3A_2, %mul3A_114 : i32
        %dma_start3A_116 = arith.constant 0 : i32
        %dma_start3A_117 = tpu.memref_slice %arg4[%add3A_115, %dma_start3A_116] : memref<160000x128xf32, #tpu.memory_space<hbm>> -> memref<40x128xf32, #tpu.memory_space<hbm>>
        %dma_start3A_118 = arith.constant 0 : i32
        %dma_start3A_119 = tpu.memref_slice %arg4[%add3A_115, %dma_start3A_118] : memref<160000x128xf32, #tpu.memory_space<hbm>> -> memref<40x128xf32, #tpu.memory_space<hbm>>
        tpu.enqueue_dma source(%arg7 : memref<40x128xf32, #tpu.memory_space<vmem>>) target(%dma_start3A_119 : memref<40x128xf32, #tpu.memory_space<hbm>>) target_semaphore(%arg15 : memref<!tpu.dma_semaphore, #tpu.memory_space<semaphore_mem>>)
        %gt3A = arith.constant 0 : i32
        %gt3A_120 = arith.cmpi sgt, %scan3A_31, %gt3A : i32
        %convert_element_type3A_121 = arith.extui %gt3A_120 : i1 to i32
        %cond3A_122 = arith.constant 0 : i32
        %cond3A_123 = arith.cmpi ne, %convert_element_type3A_121, %cond3A_122 : i32
        scf.if %cond3A_123 {
          %dma_wait3A_131 = arith.constant 0 : i32
          %dma_wait3A_132 = tpu.memref_slice %arg4[%mul3A_2, %dma_wait3A_131] : memref<160000x128xf32, #tpu.memory_space<hbm>> -> memref<40x128xf32, #tpu.memory_space<hbm>>
          %dma_wait3A_133 = arith.constant 0 : i32
          %dma_wait3A_134 = tpu.memref_slice %arg4[%mul3A_2, %dma_wait3A_133] : memref<160000x128xf32, #tpu.memory_space<hbm>> -> memref<40x128xf32, #tpu.memory_space<hbm>>
          tpu.wait_dma2 semaphore(%arg14 : memref<!tpu.dma_semaphore, #tpu.memory_space<semaphore_mem>>) src(%arg6 : memref<40x128xf32, #tpu.memory_space<vmem>>) dst(%dma_wait3A_134 : memref<40x128xf32, #tpu.memory_space<hbm>>)
        } else {
        }
        %add3A_124 = arith.constant 3 : i32
        %add3A_125 = arith.addi %scan3A_31, %add3A_124 : i32
        %lt3A_126 = arith.constant 125 : i32
        %lt3A_127 = arith.cmpi slt, %add3A_125, %lt3A_126 : i32
        %convert_element_type3A_128 = arith.extui %lt3A_127 : i1 to i32
        %cond3A_129 = arith.constant 0 : i32
        %cond3A_130 = arith.cmpi ne, %convert_element_type3A_128, %cond3A_129 : i32
        scf.if %cond3A_130 {
          %add3A_131 = arith.constant 3 : i32
          %add3A_132 = arith.addi %scan3A_31, %add3A_131 : i32
          %dma_start3A_133 = arith.constant 0 : i32
          %dma_start3A_134 = tpu.memref_slice %arg5[%add3A_132, %dma_start3A_133] : memref<125x40xi32, #tpu.memory_space<vmem>> -> memref<1x40xi32, #tpu.memory_space<vmem>>
          %dma_start3A_135 = tpu.memref_squeeze %dma_start3A_134 : memref<1x40xi32, #tpu.memory_space<vmem>> -> memref<40xi32, #tpu.memory_space<vmem>>
          %dma_start3A_136 = arith.constant 0 : i32
          %dma_start3A_137 = arith.constant 0 : i32
          %dma_start3A_138 = tpu.memref_slice %arg2[%dma_start3A_136, %dma_start3A_137] : memref<147456x128xf32, #tpu.memory_space<hbm>> -> memref<147456x128xf32, #tpu.memory_space<hbm>>
          tpu.enqueue_indirect_dma source(%dma_start3A_138 : memref<147456x128xf32, #tpu.memory_space<hbm>>) target(%arg6 : memref<40x128xf32, #tpu.memory_space<vmem>>) offsets(%dma_start3A_135 : memref<40xi32, #tpu.memory_space<vmem>>) semaphore(%arg10 : memref<!tpu.dma_semaphore, #tpu.memory_space<semaphore_mem>>)
        } else {
        }
      } else {
      }
      %jit3A_65 = arith.constant 4 : i32
      %eq3A_66 = arith.constant 0 : i32
      %eq3A_67 = arith.cmpi eq, %jit3A_65, %eq3A_66 : i32
      %jit3A_68 = arith.constant 1 : i32
      %select_n3A_69 = arith.select %eq3A_67, %jit3A_68, %jit3A_65 : i32
      %rem3A_70 = arith.remsi %scan3A_31, %select_n3A_69 : i32
      %ne3A_71 = arith.constant 0 : i32
      %ne3A_72 = arith.cmpi ne, %rem3A_70, %ne3A_71 : i32
      %lt3A_73 = arith.constant 0 : i32
      %lt3A_74 = arith.cmpi slt, %rem3A_70, %lt3A_73 : i32
      %lt3A_75 = arith.constant 0 : i32
      %lt3A_76 = arith.cmpi slt, %select_n3A_69, %lt3A_75 : i32
      %ne3A_77 = arith.xori %lt3A_74, %lt3A_76 : i1
      %and3A_78 = arith.andi %ne3A_77, %ne3A_72 : i1
      %add3A_79 = arith.addi %rem3A_70, %select_n3A_69 : i32
      %select_n3A_80 = arith.select %and3A_78, %add3A_79, %rem3A_70 : i32
      %eq3A_81 = arith.constant 2 : i32
      %eq3A_82 = arith.cmpi eq, %select_n3A_80, %eq3A_81 : i32
      %convert_element_type3A_83 = arith.extui %eq3A_82 : i1 to i32
      %cond3A_84 = arith.constant 0 : i32
      %cond3A_85 = arith.cmpi ne, %convert_element_type3A_83, %cond3A_84 : i32
      scf.if %cond3A_85 {
        %dma_wait3A_107 = arith.constant 0 : i32
        %dma_wait3A_108 = tpu.memref_slice %arg5[%scan3A_31, %dma_wait3A_107] : memref<125x40xi32, #tpu.memory_space<vmem>> -> memref<1x40xi32, #tpu.memory_space<vmem>>
        %dma_wait3A_109 = tpu.memref_squeeze %dma_wait3A_108 : memref<1x40xi32, #tpu.memory_space<vmem>> -> memref<40xi32, #tpu.memory_space<vmem>>
        %dma_wait3A_110 = arith.constant 0 : i32
        %dma_wait3A_111 = arith.constant 0 : i32
        %dma_wait3A_112 = tpu.memref_slice %arg2[%dma_wait3A_110, %dma_wait3A_111] : memref<147456x128xf32, #tpu.memory_space<hbm>> -> memref<147456x128xf32, #tpu.memory_space<hbm>>
        tpu.wait_indirect_dma semaphore(%arg12 : memref<!tpu.dma_semaphore, #tpu.memory_space<semaphore_mem>>) src(%dma_wait3A_112 : memref<147456x128xf32, #tpu.memory_space<hbm>>) dst(%arg8 : memref<40x128xf32, #tpu.memory_space<vmem>>)
        %mul3A_113 = arith.constant 40 : i32
        %mul3A_114 = arith.muli %scan3A_31, %mul3A_113 : i32
        %add3A_115 = arith.addi %mul3A_2, %mul3A_114 : i32
        %dma_start3A_116 = arith.constant 0 : i32
        %dma_start3A_117 = tpu.memref_slice %arg4[%add3A_115, %dma_start3A_116] : memref<160000x128xf32, #tpu.memory_space<hbm>> -> memref<40x128xf32, #tpu.memory_space<hbm>>
        %dma_start3A_118 = arith.constant 0 : i32
        %dma_start3A_119 = tpu.memref_slice %arg4[%add3A_115, %dma_start3A_118] : memref<160000x128xf32, #tpu.memory_space<hbm>> -> memref<40x128xf32, #tpu.memory_space<hbm>>
        tpu.enqueue_dma source(%arg8 : memref<40x128xf32, #tpu.memory_space<vmem>>) target(%dma_start3A_119 : memref<40x128xf32, #tpu.memory_space<hbm>>) target_semaphore(%arg16 : memref<!tpu.dma_semaphore, #tpu.memory_space<semaphore_mem>>)
        %gt3A = arith.constant 0 : i32
        %gt3A_120 = arith.cmpi sgt, %scan3A_31, %gt3A : i32
        %convert_element_type3A_121 = arith.extui %gt3A_120 : i1 to i32
        %cond3A_122 = arith.constant 0 : i32
        %cond3A_123 = arith.cmpi ne, %convert_element_type3A_121, %cond3A_122 : i32
        scf.if %cond3A_123 {
          %dma_wait3A_131 = arith.constant 0 : i32
          %dma_wait3A_132 = tpu.memref_slice %arg4[%mul3A_2, %dma_wait3A_131] : memref<160000x128xf32, #tpu.memory_space<hbm>> -> memref<40x128xf32, #tpu.memory_space<hbm>>
          %dma_wait3A_133 = arith.constant 0 : i32
          %dma_wait3A_134 = tpu.memref_slice %arg4[%mul3A_2, %dma_wait3A_133] : memref<160000x128xf32, #tpu.memory_space<hbm>> -> memref<40x128xf32, #tpu.memory_space<hbm>>
          tpu.wait_dma2 semaphore(%arg15 : memref<!tpu.dma_semaphore, #tpu.memory_space<semaphore_mem>>) src(%arg7 : memref<40x128xf32, #tpu.memory_space<vmem>>) dst(%dma_wait3A_134 : memref<40x128xf32, #tpu.memory_space<hbm>>)
        } else {
        }
        %add3A_124 = arith.constant 3 : i32
        %add3A_125 = arith.addi %scan3A_31, %add3A_124 : i32
        %lt3A_126 = arith.constant 125 : i32
        %lt3A_127 = arith.cmpi slt, %add3A_125, %lt3A_126 : i32
        %convert_element_type3A_128 = arith.extui %lt3A_127 : i1 to i32
        %cond3A_129 = arith.constant 0 : i32
        %cond3A_130 = arith.cmpi ne, %convert_element_type3A_128, %cond3A_129 : i32
        scf.if %cond3A_130 {
          %add3A_131 = arith.constant 3 : i32
          %add3A_132 = arith.addi %scan3A_31, %add3A_131 : i32
          %dma_start3A_133 = arith.constant 0 : i32
          %dma_start3A_134 = tpu.memref_slice %arg5[%add3A_132, %dma_start3A_133] : memref<125x40xi32, #tpu.memory_space<vmem>> -> memref<1x40xi32, #tpu.memory_space<vmem>>
          %dma_start3A_135 = tpu.memref_squeeze %dma_start3A_134 : memref<1x40xi32, #tpu.memory_space<vmem>> -> memref<40xi32, #tpu.memory_space<vmem>>
          %dma_start3A_136 = arith.constant 0 : i32
          %dma_start3A_137 = arith.constant 0 : i32
          %dma_start3A_138 = tpu.memref_slice %arg2[%dma_start3A_136, %dma_start3A_137] : memref<147456x128xf32, #tpu.memory_space<hbm>> -> memref<147456x128xf32, #tpu.memory_space<hbm>>
          tpu.enqueue_indirect_dma source(%dma_start3A_138 : memref<147456x128xf32, #tpu.memory_space<hbm>>) target(%arg7 : memref<40x128xf32, #tpu.memory_space<vmem>>) offsets(%dma_start3A_135 : memref<40xi32, #tpu.memory_space<vmem>>) semaphore(%arg11 : memref<!tpu.dma_semaphore, #tpu.memory_space<semaphore_mem>>)
        } else {
        }
      } else {
      }
      %jit3A_86 = arith.constant 4 : i32
      %eq3A_87 = arith.constant 0 : i32
      %eq3A_88 = arith.cmpi eq, %jit3A_86, %eq3A_87 : i32
      %jit3A_89 = arith.constant 1 : i32
      %select_n3A_90 = arith.select %eq3A_88, %jit3A_89, %jit3A_86 : i32
      %rem3A_91 = arith.remsi %scan3A_31, %select_n3A_90 : i32
      %ne3A_92 = arith.constant 0 : i32
      %ne3A_93 = arith.cmpi ne, %rem3A_91, %ne3A_92 : i32
      %lt3A_94 = arith.constant 0 : i32
      %lt3A_95 = arith.cmpi slt, %rem3A_91, %lt3A_94 : i32
      %lt3A_96 = arith.constant 0 : i32
      %lt3A_97 = arith.cmpi slt, %select_n3A_90, %lt3A_96 : i32
      %ne3A_98 = arith.xori %lt3A_95, %lt3A_97 : i1
      %and3A_99 = arith.andi %ne3A_98, %ne3A_93 : i1
      %add3A_100 = arith.addi %rem3A_91, %select_n3A_90 : i32
      %select_n3A_101 = arith.select %and3A_99, %add3A_100, %rem3A_91 : i32
      %eq3A_102 = arith.constant 3 : i32
      %eq3A_103 = arith.cmpi eq, %select_n3A_101, %eq3A_102 : i32
      %convert_element_type3A_104 = arith.extui %eq3A_103 : i1 to i32
      %cond3A_105 = arith.constant 0 : i32
      %cond3A_106 = arith.cmpi ne, %convert_element_type3A_104, %cond3A_105 : i32
      scf.if %cond3A_106 {
        %dma_wait3A_107 = arith.constant 0 : i32
        %dma_wait3A_108 = tpu.memref_slice %arg5[%scan3A_31, %dma_wait3A_107] : memref<125x40xi32, #tpu.memory_space<vmem>> -> memref<1x40xi32, #tpu.memory_space<vmem>>
        %dma_wait3A_109 = tpu.memref_squeeze %dma_wait3A_108 : memref<1x40xi32, #tpu.memory_space<vmem>> -> memref<40xi32, #tpu.memory_space<vmem>>
        %dma_wait3A_110 = arith.constant 0 : i32
        %dma_wait3A_111 = arith.constant 0 : i32
        %dma_wait3A_112 = tpu.memref_slice %arg2[%dma_wait3A_110, %dma_wait3A_111] : memref<147456x128xf32, #tpu.memory_space<hbm>> -> memref<147456x128xf32, #tpu.memory_space<hbm>>
        tpu.wait_indirect_dma semaphore(%arg13 : memref<!tpu.dma_semaphore, #tpu.memory_space<semaphore_mem>>) src(%dma_wait3A_112 : memref<147456x128xf32, #tpu.memory_space<hbm>>) dst(%arg9 : memref<40x128xf32, #tpu.memory_space<vmem>>)
        %mul3A_113 = arith.constant 40 : i32
        %mul3A_114 = arith.muli %scan3A_31, %mul3A_113 : i32
        %add3A_115 = arith.addi %mul3A_2, %mul3A_114 : i32
        %dma_start3A_116 = arith.constant 0 : i32
        %dma_start3A_117 = tpu.memref_slice %arg4[%add3A_115, %dma_start3A_116] : memref<160000x128xf32, #tpu.memory_space<hbm>> -> memref<40x128xf32, #tpu.memory_space<hbm>>
        %dma_start3A_118 = arith.constant 0 : i32
        %dma_start3A_119 = tpu.memref_slice %arg4[%add3A_115, %dma_start3A_118] : memref<160000x128xf32, #tpu.memory_space<hbm>> -> memref<40x128xf32, #tpu.memory_space<hbm>>
        tpu.enqueue_dma source(%arg9 : memref<40x128xf32, #tpu.memory_space<vmem>>) target(%dma_start3A_119 : memref<40x128xf32, #tpu.memory_space<hbm>>) target_semaphore(%arg17 : memref<!tpu.dma_semaphore, #tpu.memory_space<semaphore_mem>>)
        %gt3A = arith.constant 0 : i32
        %gt3A_120 = arith.cmpi sgt, %scan3A_31, %gt3A : i32
        %convert_element_type3A_121 = arith.extui %gt3A_120 : i1 to i32
        %cond3A_122 = arith.constant 0 : i32
        %cond3A_123 = arith.cmpi ne, %convert_element_type3A_121, %cond3A_122 : i32
        scf.if %cond3A_123 {
          %dma_wait3A_131 = arith.constant 0 : i32
          %dma_wait3A_132 = tpu.memref_slice %arg4[%mul3A_2, %dma_wait3A_131] : memref<160000x128xf32, #tpu.memory_space<hbm>> -> memref<40x128xf32, #tpu.memory_space<hbm>>
          %dma_wait3A_133 = arith.constant 0 : i32
          %dma_wait3A_134 = tpu.memref_slice %arg4[%mul3A_2, %dma_wait3A_133] : memref<160000x128xf32, #tpu.memory_space<hbm>> -> memref<40x128xf32, #tpu.memory_space<hbm>>
          tpu.wait_dma2 semaphore(%arg16 : memref<!tpu.dma_semaphore, #tpu.memory_space<semaphore_mem>>) src(%arg8 : memref<40x128xf32, #tpu.memory_space<vmem>>) dst(%dma_wait3A_134 : memref<40x128xf32, #tpu.memory_space<hbm>>)
        } else {
        }
        %add3A_124 = arith.constant 3 : i32
        %add3A_125 = arith.addi %scan3A_31, %add3A_124 : i32
        %lt3A_126 = arith.constant 125 : i32
        %lt3A_127 = arith.cmpi slt, %add3A_125, %lt3A_126 : i32
        %convert_element_type3A_128 = arith.extui %lt3A_127 : i1 to i32
        %cond3A_129 = arith.constant 0 : i32
        %cond3A_130 = arith.cmpi ne, %convert_element_type3A_128, %cond3A_129 : i32
        scf.if %cond3A_130 {
          %add3A_131 = arith.constant 3 : i32
          %add3A_132 = arith.addi %scan3A_31, %add3A_131 : i32
          %dma_start3A_133 = arith.constant 0 : i32
          %dma_start3A_134 = tpu.memref_slice %arg5[%add3A_132, %dma_start3A_133] : memref<125x40xi32, #tpu.memory_space<vmem>> -> memref<1x40xi32, #tpu.memory_space<vmem>>
          %dma_start3A_135 = tpu.memref_squeeze %dma_start3A_134 : memref<1x40xi32, #tpu.memory_space<vmem>> -> memref<40xi32, #tpu.memory_space<vmem>>
          %dma_start3A_136 = arith.constant 0 : i32
          %dma_start3A_137 = arith.constant 0 : i32
          %dma_start3A_138 = tpu.memref_slice %arg2[%dma_start3A_136, %dma_start3A_137] : memref<147456x128xf32, #tpu.memory_space<hbm>> -> memref<147456x128xf32, #tpu.memory_space<hbm>>
          tpu.enqueue_indirect_dma source(%dma_start3A_138 : memref<147456x128xf32, #tpu.memory_space<hbm>>) target(%arg8 : memref<40x128xf32, #tpu.memory_space<vmem>>) offsets(%dma_start3A_135 : memref<40xi32, #tpu.memory_space<vmem>>) semaphore(%arg12 : memref<!tpu.dma_semaphore, #tpu.memory_space<semaphore_mem>>)
        } else {
        }
      } else {
      }
    }
    %scan3A_27 = arith.constant 125 : i32
    %dma_wait3A = arith.constant 0 : i32
    %dma_wait3A_28 = tpu.memref_slice %arg4[%mul3A_2, %dma_wait3A] : memref<160000x128xf32, #tpu.memory_space<hbm>> -> memref<40x128xf32, #tpu.memory_space<hbm>>
    %dma_wait3A_29 = arith.constant 0 : i32
    %dma_wait3A_30 = tpu.memref_slice %arg4[%mul3A_2, %dma_wait3A_29] : memref<160000x128xf32, #tpu.memory_space<hbm>> -> memref<40x128xf32, #tpu.memory_space<hbm>>
    tpu.wait_dma2 semaphore(%arg14 : memref<!tpu.dma_semaphore, #tpu.memory_space<semaphore_mem>>) src(%arg6 : memref<40x128xf32, #tpu.memory_space<vmem>>) dst(%dma_wait3A_30 : memref<40x128xf32, #tpu.memory_space<hbm>>)
    return
  }
}

#map = affine_map<(d0, d1) -> (0, 0)>
#map1 = affine_map<(d0, d1) -> (0, 0, 0)>
module attributes {stable_mosaic.version = 14 : i64} {
  func.func @_gather_body(%arg0: i32, %arg1: i32, %arg2: memref<147456x128xf32, #tpu.memory_space<hbm>>, %arg3: memref<32x125x40xi32, #tpu.memory_space<hbm>>, %arg4: memref<160000x128xf32, #tpu.memory_space<hbm>>, %arg5: memref<125x40xi32, #tpu.memory_space<vmem>>, %arg6: memref<40x128xf32, #tpu.memory_space<vmem>>, %arg7: memref<40x128xf32, #tpu.memory_space<vmem>>, %arg8: memref<40x128xf32, #tpu.memory_space<vmem>>, %arg9: memref<40x128xf32, #tpu.memory_space<vmem>>, %arg10: memref<!tpu.dma_semaphore, #tpu.memory_space<semaphore_mem>>, %arg11: memref<!tpu.dma_semaphore, #tpu.memory_space<semaphore_mem>>, %arg12: memref<!tpu.dma_semaphore, #tpu.memory_space<semaphore_mem>>, %arg13: memref<!tpu.dma_semaphore, #tpu.memory_space<semaphore_mem>>, %arg14: memref<!tpu.dma_semaphore, #tpu.memory_space<semaphore_mem>>, %arg15: memref<!tpu.dma_semaphore, #tpu.memory_space<semaphore_mem>>, %arg16: memref<!tpu.dma_semaphore, #tpu.memory_space<semaphore_mem>>, %arg17: memref<!tpu.dma_semaphore, #tpu.memory_space<semaphore_mem>>) attributes {dimension_semantics = [#tpu.dimension_semantics<core_parallel>, #tpu.dimension_semantics<subcore_parallel>], iteration_bounds = array<i64: 2, 16>, scalar_prefetch = 0 : i64, scratch_operands = 13 : i64, tpu.core_type = #tpu.core_type<sc_vector_subcore>, window_params = [{transform_indices = #map}, {transform_indices = #map1}, {transform_indices = #map}]} {
    %mul3A = arith.constant 2 : i32
    %mul3A_0 = arith.muli %arg1, %mul3A : i32
    %add3A = arith.addi %mul3A_0, %arg0 : i32
    %mul3A_1 = arith.constant 5000 : i32
    %mul3A_2 = arith.muli %add3A, %mul3A_1 : i32
    "tpu.region"() ({
      %run_scoped3A = tpu.sem_alloc : memref<!tpu.dma_semaphore, #tpu.memory_space<semaphore_mem>>
      %dma_start3A_31 = arith.constant 0 : i32
      %dma_start3A_32 = arith.constant 0 : i32
      %dma_start3A_33 = tpu.memref_slice %arg3[%add3A, %dma_start3A_31, %dma_start3A_32] : memref<32x125x40xi32, #tpu.memory_space<hbm>> -> memref<1x125x40xi32, #tpu.memory_space<hbm>>
      %dma_start3A_34 = tpu.memref_squeeze %dma_start3A_33 : memref<1x125x40xi32, #tpu.memory_space<hbm>> -> memref<125x40xi32, #tpu.memory_space<hbm>>
      %dma_start3A_35 = arith.constant 0 : i32
      %dma_start3A_36 = arith.constant 0 : i32
      %dma_start3A_37 = tpu.memref_slice %arg3[%add3A, %dma_start3A_35, %dma_start3A_36] : memref<32x125x40xi32, #tpu.memory_space<hbm>> -> memref<1x125x40xi32, #tpu.memory_space<hbm>>
      %dma_start3A_38 = tpu.memref_squeeze %dma_start3A_37 : memref<1x125x40xi32, #tpu.memory_space<hbm>> -> memref<125x40xi32, #tpu.memory_space<hbm>>
      tpu.enqueue_dma source(%dma_start3A_38 : memref<125x40xi32, #tpu.memory_space<hbm>>) target(%arg5 : memref<125x40xi32, #tpu.memory_space<vmem>>) target_semaphore(%run_scoped3A : memref<!tpu.dma_semaphore, #tpu.memory_space<semaphore_mem>>)
      %dma_wait3A_39 = arith.constant 0 : i32
      %dma_wait3A_40 = arith.constant 0 : i32
      %dma_wait3A_41 = tpu.memref_slice %arg3[%add3A, %dma_wait3A_39, %dma_wait3A_40] : memref<32x125x40xi32, #tpu.memory_space<hbm>> -> memref<1x125x40xi32, #tpu.memory_space<hbm>>
      %dma_wait3A_42 = tpu.memref_squeeze %dma_wait3A_41 : memref<1x125x40xi32, #tpu.memory_space<hbm>> -> memref<125x40xi32, #tpu.memory_space<hbm>>
      %dma_wait3A_43 = arith.constant 0 : i32
      %dma_wait3A_44 = arith.constant 0 : i32
      %dma_wait3A_45 = tpu.memref_slice %arg3[%add3A, %dma_wait3A_43, %dma_wait3A_44] : memref<32x125x40xi32, #tpu.memory_space<hbm>> -> memref<1x125x40xi32, #tpu.memory_space<hbm>>
      %dma_wait3A_46 = tpu.memref_squeeze %dma_wait3A_45 : memref<1x125x40xi32, #tpu.memory_space<hbm>> -> memref<125x40xi32, #tpu.memory_space<hbm>>
      tpu.wait_dma2 semaphore(%run_scoped3A : memref<!tpu.dma_semaphore, #tpu.memory_space<semaphore_mem>>) src(%dma_wait3A_46 : memref<125x40xi32, #tpu.memory_space<hbm>>) dst(%arg5 : memref<125x40xi32, #tpu.memory_space<vmem>>)
      tpu.yield
    }) : () -> ()
    %dma_start3A = arith.constant 0 : i32
    %dma_start3A_3 = arith.constant 0 : i32
    %dma_start3A_4 = tpu.memref_slice %arg5[%dma_start3A, %dma_start3A_3] : memref<125x40xi32, #tpu.memory_space<vmem>> -> memref<1x40xi32, #tpu.memory_space<vmem>>
    %dma_start3A_5 = tpu.memref_squeeze %dma_start3A_4 : memref<1x40xi32, #tpu.memory_space<vmem>> -> memref<40xi32, #tpu.memory_space<vmem>>
    %dma_start3A_6 = arith.constant 0 : i32
    %dma_start3A_7 = arith.constant 0 : i32
    %dma_start3A_8 = tpu.memref_slice %arg2[%dma_start3A_6, %dma_start3A_7] : memref<147456x128xf32, #tpu.memory_space<hbm>> -> memref<147456x128xf32, #tpu.memory_space<hbm>>
    tpu.enqueue_indirect_dma source(%dma_start3A_8 : memref<147456x128xf32, #tpu.memory_space<hbm>>) target(%arg6 : memref<40x128xf32, #tpu.memory_space<vmem>>) offsets(%dma_start3A_5 : memref<40xi32, #tpu.memory_space<vmem>>) semaphore(%arg10 : memref<!tpu.dma_semaphore, #tpu.memory_space<semaphore_mem>>)
    %dma_start3A_9 = arith.constant 1 : i32
    %dma_start3A_10 = arith.constant 0 : i32
    %dma_start3A_11 = tpu.memref_slice %arg5[%dma_start3A_9, %dma_start3A_10] : memref<125x40xi32, #tpu.memory_space<vmem>> -> memref<1x40xi32, #tpu.memory_space<vmem>>
    %dma_start3A_12 = tpu.memref_squeeze %dma_start3A_11 : memref<1x40xi32, #tpu.memory_space<vmem>> -> memref<40xi32, #tpu.memory_space<vmem>>
    %dma_start3A_13 = arith.constant 0 : i32
    %dma_start3A_14 = arith.constant 0 : i32
    %dma_start3A_15 = tpu.memref_slice %arg2[%dma_start3A_13, %dma_start3A_14] : memref<147456x128xf32, #tpu.memory_space<hbm>> -> memref<147456x128xf32, #tpu.memory_space<hbm>>
    tpu.enqueue_indirect_dma source(%dma_start3A_15 : memref<147456x128xf32, #tpu.memory_space<hbm>>) target(%arg7 : memref<40x128xf32, #tpu.memory_space<vmem>>) offsets(%dma_start3A_12 : memref<40xi32, #tpu.memory_space<vmem>>) semaphore(%arg11 : memref<!tpu.dma_semaphore, #tpu.memory_space<semaphore_mem>>)
    %dma_start3A_16 = arith.constant 2 : i32
    %dma_start3A_17 = arith.constant 0 : i32
    %dma_start3A_18 = tpu.memref_slice %arg5[%dma_start3A_16, %dma_start3A_17] : memref<125x40xi32, #tpu.memory_space<vmem>> -> memref<1x40xi32, #tpu.memory_space<vmem>>
    %dma_start3A_19 = tpu.memref_squeeze %dma_start3A_18 : memref<1x40xi32, #tpu.memory_space<vmem>> -> memref<40xi32, #tpu.memory_space<vmem>>
    %dma_start3A_20 = arith.constant 0 : i32
    %dma_start3A_21 = arith.constant 0 : i32
    %dma_start3A_22 = tpu.memref_slice %arg2[%dma_start3A_20, %dma_start3A_21] : memref<147456x128xf32, #tpu.memory_space<hbm>> -> memref<147456x128xf32, #tpu.memory_space<hbm>>
    tpu.enqueue_indirect_dma source(%dma_start3A_22 : memref<147456x128xf32, #tpu.memory_space<hbm>>) target(%arg8 : memref<40x128xf32, #tpu.memory_space<vmem>>) offsets(%dma_start3A_19 : memref<40xi32, #tpu.memory_space<vmem>>) semaphore(%arg12 : memref<!tpu.dma_semaphore, #tpu.memory_space<semaphore_mem>>)
    %scan3A = arith.constant 0 : i32
    %scan3A_23 = arith.constant 0 : i32
    %scan3A_24 = arith.constant 125 : i32
    %scan3A_25 = arith.addi %scan3A_23, %scan3A_24 : i32
    %scan3A_26 = arith.constant 1 : i32
    scf.for %scan3A_31 = %scan3A_23 to %scan3A_25 step %scan3A_26  : i32 {
      %jit3A = arith.constant 4 : i32
      %eq3A = arith.constant 0 : i32
      %eq3A_32 = arith.cmpi eq, %jit3A, %eq3A : i32
      %jit3A_33 = arith.constant 1 : i32
      %select_n3A = arith.select %eq3A_32, %jit3A_33, %jit3A : i32
      %rem3A = arith.remsi %scan3A_31, %select_n3A : i32
      %ne3A = arith.constant 0 : i32
      %ne3A_34 = arith.cmpi ne, %rem3A, %ne3A : i32
      %lt3A = arith.constant 0 : i32
      %lt3A_35 = arith.cmpi slt, %rem3A, %lt3A : i32
      %lt3A_36 = arith.constant 0 : i32
      %lt3A_37 = arith.cmpi slt, %select_n3A, %lt3A_36 : i32
      %ne3A_38 = arith.xori %lt3A_35, %lt3A_37 : i1
      %and3A = arith.andi %ne3A_38, %ne3A_34 : i1
      %add3A_39 = arith.addi %rem3A, %select_n3A : i32
      %select_n3A_40 = arith.select %and3A, %add3A_39, %rem3A : i32
      %eq3A_41 = arith.constant 0 : i32
      %eq3A_42 = arith.cmpi eq, %select_n3A_40, %eq3A_41 : i32
      %convert_element_type3A = arith.extui %eq3A_42 : i1 to i32
      %cond3A = arith.constant 0 : i32
      %cond3A_43 = arith.cmpi ne, %convert_element_type3A, %cond3A : i32
      scf.if %cond3A_43 {
        %dma_wait3A_107 = arith.constant 0 : i32
        %dma_wait3A_108 = tpu.memref_slice %arg5[%scan3A_31, %dma_wait3A_107] : memref<125x40xi32, #tpu.memory_space<vmem>> -> memref<1x40xi32, #tpu.memory_space<vmem>>
        %dma_wait3A_109 = tpu.memref_squeeze %dma_wait3A_108 : memref<1x40xi32, #tpu.memory_space<vmem>> -> memref<40xi32, #tpu.memory_space<vmem>>
        %dma_wait3A_110 = arith.constant 0 : i32
        %dma_wait3A_111 = arith.constant 0 : i32
        %dma_wait3A_112 = tpu.memref_slice %arg2[%dma_wait3A_110, %dma_wait3A_111] : memref<147456x128xf32, #tpu.memory_space<hbm>> -> memref<147456x128xf32, #tpu.memory_space<hbm>>
        tpu.wait_indirect_dma semaphore(%arg10 : memref<!tpu.dma_semaphore, #tpu.memory_space<semaphore_mem>>) src(%dma_wait3A_112 : memref<147456x128xf32, #tpu.memory_space<hbm>>) dst(%arg6 : memref<40x128xf32, #tpu.memory_space<vmem>>)
        %mul3A_113 = arith.constant 40 : i32
        %mul3A_114 = arith.muli %scan3A_31, %mul3A_113 : i32
        %add3A_115 = arith.addi %mul3A_2, %mul3A_114 : i32
        %dma_start3A_116 = arith.constant 0 : i32
        %dma_start3A_117 = tpu.memref_slice %arg4[%add3A_115, %dma_start3A_116] : memref<160000x128xf32, #tpu.memory_space<hbm>> -> memref<40x128xf32, #tpu.memory_space<hbm>>
        %dma_start3A_118 = arith.constant 0 : i32
        %dma_start3A_119 = tpu.memref_slice %arg4[%add3A_115, %dma_start3A_118] : memref<160000x128xf32, #tpu.memory_space<hbm>> -> memref<40x128xf32, #tpu.memory_space<hbm>>
        tpu.enqueue_dma source(%arg6 : memref<40x128xf32, #tpu.memory_space<vmem>>) target(%dma_start3A_119 : memref<40x128xf32, #tpu.memory_space<hbm>>) target_semaphore(%arg14 : memref<!tpu.dma_semaphore, #tpu.memory_space<semaphore_mem>>)
        %gt3A = arith.constant 0 : i32
        %gt3A_120 = arith.cmpi sgt, %scan3A_31, %gt3A : i32
        %convert_element_type3A_121 = arith.extui %gt3A_120 : i1 to i32
        %cond3A_122 = arith.constant 0 : i32
        %cond3A_123 = arith.cmpi ne, %convert_element_type3A_121, %cond3A_122 : i32
        scf.if %cond3A_123 {
          %dma_wait3A_131 = arith.constant 0 : i32
          %dma_wait3A_132 = tpu.memref_slice %arg4[%mul3A_2, %dma_wait3A_131] : memref<160000x128xf32, #tpu.memory_space<hbm>> -> memref<40x128xf32, #tpu.memory_space<hbm>>
          %dma_wait3A_133 = arith.constant 0 : i32
          %dma_wait3A_134 = tpu.memref_slice %arg4[%mul3A_2, %dma_wait3A_133] : memref<160000x128xf32, #tpu.memory_space<hbm>> -> memref<40x128xf32, #tpu.memory_space<hbm>>
          tpu.wait_dma2 semaphore(%arg17 : memref<!tpu.dma_semaphore, #tpu.memory_space<semaphore_mem>>) src(%arg9 : memref<40x128xf32, #tpu.memory_space<vmem>>) dst(%dma_wait3A_134 : memref<40x128xf32, #tpu.memory_space<hbm>>)
        } else {
        }
        %add3A_124 = arith.constant 3 : i32
        %add3A_125 = arith.addi %scan3A_31, %add3A_124 : i32
        %lt3A_126 = arith.constant 125 : i32
        %lt3A_127 = arith.cmpi slt, %add3A_125, %lt3A_126 : i32
        %convert_element_type3A_128 = arith.extui %lt3A_127 : i1 to i32
        %cond3A_129 = arith.constant 0 : i32
        %cond3A_130 = arith.cmpi ne, %convert_element_type3A_128, %cond3A_129 : i32
        scf.if %cond3A_130 {
          %add3A_131 = arith.constant 3 : i32
          %add3A_132 = arith.addi %scan3A_31, %add3A_131 : i32
          %dma_start3A_133 = arith.constant 0 : i32
          %dma_start3A_134 = tpu.memref_slice %arg5[%add3A_132, %dma_start3A_133] : memref<125x40xi32, #tpu.memory_space<vmem>> -> memref<1x40xi32, #tpu.memory_space<vmem>>
          %dma_start3A_135 = tpu.memref_squeeze %dma_start3A_134 : memref<1x40xi32, #tpu.memory_space<vmem>> -> memref<40xi32, #tpu.memory_space<vmem>>
          %dma_start3A_136 = arith.constant 0 : i32
          %dma_start3A_137 = arith.constant 0 : i32
          %dma_start3A_138 = tpu.memref_slice %arg2[%dma_start3A_136, %dma_start3A_137] : memref<147456x128xf32, #tpu.memory_space<hbm>> -> memref<147456x128xf32, #tpu.memory_space<hbm>>
          tpu.enqueue_indirect_dma source(%dma_start3A_138 : memref<147456x128xf32, #tpu.memory_space<hbm>>) target(%arg9 : memref<40x128xf32, #tpu.memory_space<vmem>>) offsets(%dma_start3A_135 : memref<40xi32, #tpu.memory_space<vmem>>) semaphore(%arg13 : memref<!tpu.dma_semaphore, #tpu.memory_space<semaphore_mem>>)
        } else {
        }
      } else {
      }
      %jit3A_44 = arith.constant 4 : i32
      %eq3A_45 = arith.constant 0 : i32
      %eq3A_46 = arith.cmpi eq, %jit3A_44, %eq3A_45 : i32
      %jit3A_47 = arith.constant 1 : i32
      %select_n3A_48 = arith.select %eq3A_46, %jit3A_47, %jit3A_44 : i32
      %rem3A_49 = arith.remsi %scan3A_31, %select_n3A_48 : i32
      %ne3A_50 = arith.constant 0 : i32
      %ne3A_51 = arith.cmpi ne, %rem3A_49, %ne3A_50 : i32
      %lt3A_52 = arith.constant 0 : i32
      %lt3A_53 = arith.cmpi slt, %rem3A_49, %lt3A_52 : i32
      %lt3A_54 = arith.constant 0 : i32
      %lt3A_55 = arith.cmpi slt, %select_n3A_48, %lt3A_54 : i32
      %ne3A_56 = arith.xori %lt3A_53, %lt3A_55 : i1
      %and3A_57 = arith.andi %ne3A_56, %ne3A_51 : i1
      %add3A_58 = arith.addi %rem3A_49, %select_n3A_48 : i32
      %select_n3A_59 = arith.select %and3A_57, %add3A_58, %rem3A_49 : i32
      %eq3A_60 = arith.constant 1 : i32
      %eq3A_61 = arith.cmpi eq, %select_n3A_59, %eq3A_60 : i32
      %convert_element_type3A_62 = arith.extui %eq3A_61 : i1 to i32
      %cond3A_63 = arith.constant 0 : i32
      %cond3A_64 = arith.cmpi ne, %convert_element_type3A_62, %cond3A_63 : i32
      scf.if %cond3A_64 {
        %dma_wait3A_107 = arith.constant 0 : i32
        %dma_wait3A_108 = tpu.memref_slice %arg5[%scan3A_31, %dma_wait3A_107] : memref<125x40xi32, #tpu.memory_space<vmem>> -> memref<1x40xi32, #tpu.memory_space<vmem>>
        %dma_wait3A_109 = tpu.memref_squeeze %dma_wait3A_108 : memref<1x40xi32, #tpu.memory_space<vmem>> -> memref<40xi32, #tpu.memory_space<vmem>>
        %dma_wait3A_110 = arith.constant 0 : i32
        %dma_wait3A_111 = arith.constant 0 : i32
        %dma_wait3A_112 = tpu.memref_slice %arg2[%dma_wait3A_110, %dma_wait3A_111] : memref<147456x128xf32, #tpu.memory_space<hbm>> -> memref<147456x128xf32, #tpu.memory_space<hbm>>
        tpu.wait_indirect_dma semaphore(%arg11 : memref<!tpu.dma_semaphore, #tpu.memory_space<semaphore_mem>>) src(%dma_wait3A_112 : memref<147456x128xf32, #tpu.memory_space<hbm>>) dst(%arg7 : memref<40x128xf32, #tpu.memory_space<vmem>>)
        %mul3A_113 = arith.constant 40 : i32
        %mul3A_114 = arith.muli %scan3A_31, %mul3A_113 : i32
        %add3A_115 = arith.addi %mul3A_2, %mul3A_114 : i32
        %dma_start3A_116 = arith.constant 0 : i32
        %dma_start3A_117 = tpu.memref_slice %arg4[%add3A_115, %dma_start3A_116] : memref<160000x128xf32, #tpu.memory_space<hbm>> -> memref<40x128xf32, #tpu.memory_space<hbm>>
        %dma_start3A_118 = arith.constant 0 : i32
        %dma_start3A_119 = tpu.memref_slice %arg4[%add3A_115, %dma_start3A_118] : memref<160000x128xf32, #tpu.memory_space<hbm>> -> memref<40x128xf32, #tpu.memory_space<hbm>>
        tpu.enqueue_dma source(%arg7 : memref<40x128xf32, #tpu.memory_space<vmem>>) target(%dma_start3A_119 : memref<40x128xf32, #tpu.memory_space<hbm>>) target_semaphore(%arg15 : memref<!tpu.dma_semaphore, #tpu.memory_space<semaphore_mem>>)
        %gt3A = arith.constant 0 : i32
        %gt3A_120 = arith.cmpi sgt, %scan3A_31, %gt3A : i32
        %convert_element_type3A_121 = arith.extui %gt3A_120 : i1 to i32
        %cond3A_122 = arith.constant 0 : i32
        %cond3A_123 = arith.cmpi ne, %convert_element_type3A_121, %cond3A_122 : i32
        scf.if %cond3A_123 {
          %dma_wait3A_131 = arith.constant 0 : i32
          %dma_wait3A_132 = tpu.memref_slice %arg4[%mul3A_2, %dma_wait3A_131] : memref<160000x128xf32, #tpu.memory_space<hbm>> -> memref<40x128xf32, #tpu.memory_space<hbm>>
          %dma_wait3A_133 = arith.constant 0 : i32
          %dma_wait3A_134 = tpu.memref_slice %arg4[%mul3A_2, %dma_wait3A_133] : memref<160000x128xf32, #tpu.memory_space<hbm>> -> memref<40x128xf32, #tpu.memory_space<hbm>>
          tpu.wait_dma2 semaphore(%arg14 : memref<!tpu.dma_semaphore, #tpu.memory_space<semaphore_mem>>) src(%arg6 : memref<40x128xf32, #tpu.memory_space<vmem>>) dst(%dma_wait3A_134 : memref<40x128xf32, #tpu.memory_space<hbm>>)
        } else {
        }
        %add3A_124 = arith.constant 3 : i32
        %add3A_125 = arith.addi %scan3A_31, %add3A_124 : i32
        %lt3A_126 = arith.constant 125 : i32
        %lt3A_127 = arith.cmpi slt, %add3A_125, %lt3A_126 : i32
        %convert_element_type3A_128 = arith.extui %lt3A_127 : i1 to i32
        %cond3A_129 = arith.constant 0 : i32
        %cond3A_130 = arith.cmpi ne, %convert_element_type3A_128, %cond3A_129 : i32
        scf.if %cond3A_130 {
          %add3A_131 = arith.constant 3 : i32
          %add3A_132 = arith.addi %scan3A_31, %add3A_131 : i32
          %dma_start3A_133 = arith.constant 0 : i32
          %dma_start3A_134 = tpu.memref_slice %arg5[%add3A_132, %dma_start3A_133] : memref<125x40xi32, #tpu.memory_space<vmem>> -> memref<1x40xi32, #tpu.memory_space<vmem>>
          %dma_start3A_135 = tpu.memref_squeeze %dma_start3A_134 : memref<1x40xi32, #tpu.memory_space<vmem>> -> memref<40xi32, #tpu.memory_space<vmem>>
          %dma_start3A_136 = arith.constant 0 : i32
          %dma_start3A_137 = arith.constant 0 : i32
          %dma_start3A_138 = tpu.memref_slice %arg2[%dma_start3A_136, %dma_start3A_137] : memref<147456x128xf32, #tpu.memory_space<hbm>> -> memref<147456x128xf32, #tpu.memory_space<hbm>>
          tpu.enqueue_indirect_dma source(%dma_start3A_138 : memref<147456x128xf32, #tpu.memory_space<hbm>>) target(%arg6 : memref<40x128xf32, #tpu.memory_space<vmem>>) offsets(%dma_start3A_135 : memref<40xi32, #tpu.memory_space<vmem>>) semaphore(%arg10 : memref<!tpu.dma_semaphore, #tpu.memory_space<semaphore_mem>>)
        } else {
        }
      } else {
      }
      %jit3A_65 = arith.constant 4 : i32
      %eq3A_66 = arith.constant 0 : i32
      %eq3A_67 = arith.cmpi eq, %jit3A_65, %eq3A_66 : i32
      %jit3A_68 = arith.constant 1 : i32
      %select_n3A_69 = arith.select %eq3A_67, %jit3A_68, %jit3A_65 : i32
      %rem3A_70 = arith.remsi %scan3A_31, %select_n3A_69 : i32
      %ne3A_71 = arith.constant 0 : i32
      %ne3A_72 = arith.cmpi ne, %rem3A_70, %ne3A_71 : i32
      %lt3A_73 = arith.constant 0 : i32
      %lt3A_74 = arith.cmpi slt, %rem3A_70, %lt3A_73 : i32
      %lt3A_75 = arith.constant 0 : i32
      %lt3A_76 = arith.cmpi slt, %select_n3A_69, %lt3A_75 : i32
      %ne3A_77 = arith.xori %lt3A_74, %lt3A_76 : i1
      %and3A_78 = arith.andi %ne3A_77, %ne3A_72 : i1
      %add3A_79 = arith.addi %rem3A_70, %select_n3A_69 : i32
      %select_n3A_80 = arith.select %and3A_78, %add3A_79, %rem3A_70 : i32
      %eq3A_81 = arith.constant 2 : i32
      %eq3A_82 = arith.cmpi eq, %select_n3A_80, %eq3A_81 : i32
      %convert_element_type3A_83 = arith.extui %eq3A_82 : i1 to i32
      %cond3A_84 = arith.constant 0 : i32
      %cond3A_85 = arith.cmpi ne, %convert_element_type3A_83, %cond3A_84 : i32
      scf.if %cond3A_85 {
        %dma_wait3A_107 = arith.constant 0 : i32
        %dma_wait3A_108 = tpu.memref_slice %arg5[%scan3A_31, %dma_wait3A_107] : memref<125x40xi32, #tpu.memory_space<vmem>> -> memref<1x40xi32, #tpu.memory_space<vmem>>
        %dma_wait3A_109 = tpu.memref_squeeze %dma_wait3A_108 : memref<1x40xi32, #tpu.memory_space<vmem>> -> memref<40xi32, #tpu.memory_space<vmem>>
        %dma_wait3A_110 = arith.constant 0 : i32
        %dma_wait3A_111 = arith.constant 0 : i32
        %dma_wait3A_112 = tpu.memref_slice %arg2[%dma_wait3A_110, %dma_wait3A_111] : memref<147456x128xf32, #tpu.memory_space<hbm>> -> memref<147456x128xf32, #tpu.memory_space<hbm>>
        tpu.wait_indirect_dma semaphore(%arg12 : memref<!tpu.dma_semaphore, #tpu.memory_space<semaphore_mem>>) src(%dma_wait3A_112 : memref<147456x128xf32, #tpu.memory_space<hbm>>) dst(%arg8 : memref<40x128xf32, #tpu.memory_space<vmem>>)
        %mul3A_113 = arith.constant 40 : i32
        %mul3A_114 = arith.muli %scan3A_31, %mul3A_113 : i32
        %add3A_115 = arith.addi %mul3A_2, %mul3A_114 : i32
        %dma_start3A_116 = arith.constant 0 : i32
        %dma_start3A_117 = tpu.memref_slice %arg4[%add3A_115, %dma_start3A_116] : memref<160000x128xf32, #tpu.memory_space<hbm>> -> memref<40x128xf32, #tpu.memory_space<hbm>>
        %dma_start3A_118 = arith.constant 0 : i32
        %dma_start3A_119 = tpu.memref_slice %arg4[%add3A_115, %dma_start3A_118] : memref<160000x128xf32, #tpu.memory_space<hbm>> -> memref<40x128xf32, #tpu.memory_space<hbm>>
        tpu.enqueue_dma source(%arg8 : memref<40x128xf32, #tpu.memory_space<vmem>>) target(%dma_start3A_119 : memref<40x128xf32, #tpu.memory_space<hbm>>) target_semaphore(%arg16 : memref<!tpu.dma_semaphore, #tpu.memory_space<semaphore_mem>>)
        %gt3A = arith.constant 0 : i32
        %gt3A_120 = arith.cmpi sgt, %scan3A_31, %gt3A : i32
        %convert_element_type3A_121 = arith.extui %gt3A_120 : i1 to i32
        %cond3A_122 = arith.constant 0 : i32
        %cond3A_123 = arith.cmpi ne, %convert_element_type3A_121, %cond3A_122 : i32
        scf.if %cond3A_123 {
          %dma_wait3A_131 = arith.constant 0 : i32
          %dma_wait3A_132 = tpu.memref_slice %arg4[%mul3A_2, %dma_wait3A_131] : memref<160000x128xf32, #tpu.memory_space<hbm>> -> memref<40x128xf32, #tpu.memory_space<hbm>>
          %dma_wait3A_133 = arith.constant 0 : i32
          %dma_wait3A_134 = tpu.memref_slice %arg4[%mul3A_2, %dma_wait3A_133] : memref<160000x128xf32, #tpu.memory_space<hbm>> -> memref<40x128xf32, #tpu.memory_space<hbm>>
          tpu.wait_dma2 semaphore(%arg15 : memref<!tpu.dma_semaphore, #tpu.memory_space<semaphore_mem>>) src(%arg7 : memref<40x128xf32, #tpu.memory_space<vmem>>) dst(%dma_wait3A_134 : memref<40x128xf32, #tpu.memory_space<hbm>>)
        } else {
        }
        %add3A_124 = arith.constant 3 : i32
        %add3A_125 = arith.addi %scan3A_31, %add3A_124 : i32
        %lt3A_126 = arith.constant 125 : i32
        %lt3A_127 = arith.cmpi slt, %add3A_125, %lt3A_126 : i32
        %convert_element_type3A_128 = arith.extui %lt3A_127 : i1 to i32
        %cond3A_129 = arith.constant 0 : i32
        %cond3A_130 = arith.cmpi ne, %convert_element_type3A_128, %cond3A_129 : i32
        scf.if %cond3A_130 {
          %add3A_131 = arith.constant 3 : i32
          %add3A_132 = arith.addi %scan3A_31, %add3A_131 : i32
          %dma_start3A_133 = arith.constant 0 : i32
          %dma_start3A_134 = tpu.memref_slice %arg5[%add3A_132, %dma_start3A_133] : memref<125x40xi32, #tpu.memory_space<vmem>> -> memref<1x40xi32, #tpu.memory_space<vmem>>
          %dma_start3A_135 = tpu.memref_squeeze %dma_start3A_134 : memref<1x40xi32, #tpu.memory_space<vmem>> -> memref<40xi32, #tpu.memory_space<vmem>>
          %dma_start3A_136 = arith.constant 0 : i32
          %dma_start3A_137 = arith.constant 0 : i32
          %dma_start3A_138 = tpu.memref_slice %arg2[%dma_start3A_136, %dma_start3A_137] : memref<147456x128xf32, #tpu.memory_space<hbm>> -> memref<147456x128xf32, #tpu.memory_space<hbm>>
          tpu.enqueue_indirect_dma source(%dma_start3A_138 : memref<147456x128xf32, #tpu.memory_space<hbm>>) target(%arg7 : memref<40x128xf32, #tpu.memory_space<vmem>>) offsets(%dma_start3A_135 : memref<40xi32, #tpu.memory_space<vmem>>) semaphore(%arg11 : memref<!tpu.dma_semaphore, #tpu.memory_space<semaphore_mem>>)
        } else {
        }
      } else {
      }
      %jit3A_86 = arith.constant 4 : i32
      %eq3A_87 = arith.constant 0 : i32
      %eq3A_88 = arith.cmpi eq, %jit3A_86, %eq3A_87 : i32
      %jit3A_89 = arith.constant 1 : i32
      %select_n3A_90 = arith.select %eq3A_88, %jit3A_89, %jit3A_86 : i32
      %rem3A_91 = arith.remsi %scan3A_31, %select_n3A_90 : i32
      %ne3A_92 = arith.constant 0 : i32
      %ne3A_93 = arith.cmpi ne, %rem3A_91, %ne3A_92 : i32
      %lt3A_94 = arith.constant 0 : i32
      %lt3A_95 = arith.cmpi slt, %rem3A_91, %lt3A_94 : i32
      %lt3A_96 = arith.constant 0 : i32
      %lt3A_97 = arith.cmpi slt, %select_n3A_90, %lt3A_96 : i32
      %ne3A_98 = arith.xori %lt3A_95, %lt3A_97 : i1
      %and3A_99 = arith.andi %ne3A_98, %ne3A_93 : i1
      %add3A_100 = arith.addi %rem3A_91, %select_n3A_90 : i32
      %select_n3A_101 = arith.select %and3A_99, %add3A_100, %rem3A_91 : i32
      %eq3A_102 = arith.constant 3 : i32
      %eq3A_103 = arith.cmpi eq, %select_n3A_101, %eq3A_102 : i32
      %convert_element_type3A_104 = arith.extui %eq3A_103 : i1 to i32
      %cond3A_105 = arith.constant 0 : i32
      %cond3A_106 = arith.cmpi ne, %convert_element_type3A_104, %cond3A_105 : i32
      scf.if %cond3A_106 {
        %dma_wait3A_107 = arith.constant 0 : i32
        %dma_wait3A_108 = tpu.memref_slice %arg5[%scan3A_31, %dma_wait3A_107] : memref<125x40xi32, #tpu.memory_space<vmem>> -> memref<1x40xi32, #tpu.memory_space<vmem>>
        %dma_wait3A_109 = tpu.memref_squeeze %dma_wait3A_108 : memref<1x40xi32, #tpu.memory_space<vmem>> -> memref<40xi32, #tpu.memory_space<vmem>>
        %dma_wait3A_110 = arith.constant 0 : i32
        %dma_wait3A_111 = arith.constant 0 : i32
        %dma_wait3A_112 = tpu.memref_slice %arg2[%dma_wait3A_110, %dma_wait3A_111] : memref<147456x128xf32, #tpu.memory_space<hbm>> -> memref<147456x128xf32, #tpu.memory_space<hbm>>
        tpu.wait_indirect_dma semaphore(%arg13 : memref<!tpu.dma_semaphore, #tpu.memory_space<semaphore_mem>>) src(%dma_wait3A_112 : memref<147456x128xf32, #tpu.memory_space<hbm>>) dst(%arg9 : memref<40x128xf32, #tpu.memory_space<vmem>>)
        %mul3A_113 = arith.constant 40 : i32
        %mul3A_114 = arith.muli %scan3A_31, %mul3A_113 : i32
        %add3A_115 = arith.addi %mul3A_2, %mul3A_114 : i32
        %dma_start3A_116 = arith.constant 0 : i32
        %dma_start3A_117 = tpu.memref_slice %arg4[%add3A_115, %dma_start3A_116] : memref<160000x128xf32, #tpu.memory_space<hbm>> -> memref<40x128xf32, #tpu.memory_space<hbm>>
        %dma_start3A_118 = arith.constant 0 : i32
        %dma_start3A_119 = tpu.memref_slice %arg4[%add3A_115, %dma_start3A_118] : memref<160000x128xf32, #tpu.memory_space<hbm>> -> memref<40x128xf32, #tpu.memory_space<hbm>>
        tpu.enqueue_dma source(%arg9 : memref<40x128xf32, #tpu.memory_space<vmem>>) target(%dma_start3A_119 : memref<40x128xf32, #tpu.memory_space<hbm>>) target_semaphore(%arg17 : memref<!tpu.dma_semaphore, #tpu.memory_space<semaphore_mem>>)
        %gt3A = arith.constant 0 : i32
        %gt3A_120 = arith.cmpi sgt, %scan3A_31, %gt3A : i32
        %convert_element_type3A_121 = arith.extui %gt3A_120 : i1 to i32
        %cond3A_122 = arith.constant 0 : i32
        %cond3A_123 = arith.cmpi ne, %convert_element_type3A_121, %cond3A_122 : i32
        scf.if %cond3A_123 {
          %dma_wait3A_131 = arith.constant 0 : i32
          %dma_wait3A_132 = tpu.memref_slice %arg4[%mul3A_2, %dma_wait3A_131] : memref<160000x128xf32, #tpu.memory_space<hbm>> -> memref<40x128xf32, #tpu.memory_space<hbm>>
          %dma_wait3A_133 = arith.constant 0 : i32
          %dma_wait3A_134 = tpu.memref_slice %arg4[%mul3A_2, %dma_wait3A_133] : memref<160000x128xf32, #tpu.memory_space<hbm>> -> memref<40x128xf32, #tpu.memory_space<hbm>>
          tpu.wait_dma2 semaphore(%arg16 : memref<!tpu.dma_semaphore, #tpu.memory_space<semaphore_mem>>) src(%arg8 : memref<40x128xf32, #tpu.memory_space<vmem>>) dst(%dma_wait3A_134 : memref<40x128xf32, #tpu.memory_space<hbm>>)
        } else {
        }
        %add3A_124 = arith.constant 3 : i32
        %add3A_125 = arith.addi %scan3A_31, %add3A_124 : i32
        %lt3A_126 = arith.constant 125 : i32
        %lt3A_127 = arith.cmpi slt, %add3A_125, %lt3A_126 : i32
        %convert_element_type3A_128 = arith.extui %lt3A_127 : i1 to i32
        %cond3A_129 = arith.constant 0 : i32
        %cond3A_130 = arith.cmpi ne, %convert_element_type3A_128, %cond3A_129 : i32
        scf.if %cond3A_130 {
          %add3A_131 = arith.constant 3 : i32
          %add3A_132 = arith.addi %scan3A_31, %add3A_131 : i32
          %dma_start3A_133 = arith.constant 0 : i32
          %dma_start3A_134 = tpu.memref_slice %arg5[%add3A_132, %dma_start3A_133] : memref<125x40xi32, #tpu.memory_space<vmem>> -> memref<1x40xi32, #tpu.memory_space<vmem>>
          %dma_start3A_135 = tpu.memref_squeeze %dma_start3A_134 : memref<1x40xi32, #tpu.memory_space<vmem>> -> memref<40xi32, #tpu.memory_space<vmem>>
          %dma_start3A_136 = arith.constant 0 : i32
          %dma_start3A_137 = arith.constant 0 : i32
          %dma_start3A_138 = tpu.memref_slice %arg2[%dma_start3A_136, %dma_start3A_137] : memref<147456x128xf32, #tpu.memory_space<hbm>> -> memref<147456x128xf32, #tpu.memory_space<hbm>>
          tpu.enqueue_indirect_dma source(%dma_start3A_138 : memref<147456x128xf32, #tpu.memory_space<hbm>>) target(%arg8 : memref<40x128xf32, #tpu.memory_space<vmem>>) offsets(%dma_start3A_135 : memref<40xi32, #tpu.memory_space<vmem>>) semaphore(%arg12 : memref<!tpu.dma_semaphore, #tpu.memory_space<semaphore_mem>>)
        } else {
        }
      } else {
      }
    }
    %scan3A_27 = arith.constant 125 : i32
    %dma_wait3A = arith.constant 0 : i32
    %dma_wait3A_28 = tpu.memref_slice %arg4[%mul3A_2, %dma_wait3A] : memref<160000x128xf32, #tpu.memory_space<hbm>> -> memref<40x128xf32, #tpu.memory_space<hbm>>
    %dma_wait3A_29 = arith.constant 0 : i32
    %dma_wait3A_30 = tpu.memref_slice %arg4[%mul3A_2, %dma_wait3A_29] : memref<160000x128xf32, #tpu.memory_space<hbm>> -> memref<40x128xf32, #tpu.memory_space<hbm>>
    tpu.wait_dma2 semaphore(%arg14 : memref<!tpu.dma_semaphore, #tpu.memory_space<semaphore_mem>>) src(%arg6 : memref<40x128xf32, #tpu.memory_space<vmem>>) dst(%dma_wait3A_30 : memref<40x128xf32, #tpu.memory_space<hbm>>)
    return
  }
}

#map = affine_map<(d0, d1) -> (0, 0)>
module attributes {stable_mosaic.version = 14 : i64} {
  func.func @_scatter_body(%arg0: i32, %arg1: i32, %arg2: memref<10000x128xf32, #tpu.memory_space<hbm>>, %arg3: memref<125x80xi32, #tpu.memory_space<hbm>>, %arg4: memref<147464x128xf32, #tpu.memory_space<hbm>>, %arg5: memref<147464x128xf32, #tpu.memory_space<hbm>>, %arg6: memref<80xi32, #tpu.memory_space<vmem>>, %arg7: memref<80x128xf32, #tpu.memory_space<vmem>>, %arg8: memref<!tpu.dma_semaphore, #tpu.memory_space<semaphore_mem>>, %arg9: memref<!tpu.dma_semaphore, #tpu.memory_space<semaphore_mem>>) attributes {dimension_semantics = [#tpu.dimension_semantics<core_parallel>, #tpu.dimension_semantics<subcore_parallel>], iteration_bounds = array<i64: 2, 16>, scalar_prefetch = 0 : i64, scratch_operands = 4 : i64, tpu.core_type = #tpu.core_type<sc_vector_subcore>, window_params = [{transform_indices = #map}, {transform_indices = #map}, {transform_indices = #map}, {transform_indices = #map}]} {
    %mul3A = arith.constant 2 : i32
    %mul3A_0 = arith.muli %arg1, %mul3A : i32
    %add3A = arith.addi %mul3A_0, %arg0 : i32
    %add3A_1 = arith.constant 0 : i32
    %add3A_2 = arith.addi %add3A, %add3A_1 : i32
    %lt3A = arith.constant 125 : i32
    %lt3A_3 = arith.cmpi slt, %add3A_2, %lt3A : i32
    %convert_element_type3A = arith.extui %lt3A_3 : i1 to i32
    %cond3A = arith.constant 0 : i32
    %cond3A_4 = arith.cmpi ne, %convert_element_type3A, %cond3A : i32
    scf.if %cond3A_4 {
      "tpu.region"() ({
        %run_scoped3A = tpu.sem_alloc : memref<!tpu.dma_semaphore, #tpu.memory_space<semaphore_mem>>
        %dma_start3A_40 = arith.constant 0 : i32
        %dma_start3A_41 = tpu.memref_slice %arg3[%add3A_2, %dma_start3A_40] : memref<125x80xi32, #tpu.memory_space<hbm>> -> memref<1x80xi32, #tpu.memory_space<hbm>>
        %dma_start3A_42 = tpu.memref_squeeze %dma_start3A_41 : memref<1x80xi32, #tpu.memory_space<hbm>> -> memref<80xi32, #tpu.memory_space<hbm>>
        %dma_start3A_43 = arith.constant 0 : i32
        %dma_start3A_44 = tpu.memref_slice %arg3[%add3A_2, %dma_start3A_43] : memref<125x80xi32, #tpu.memory_space<hbm>> -> memref<1x80xi32, #tpu.memory_space<hbm>>
        %dma_start3A_45 = tpu.memref_squeeze %dma_start3A_44 : memref<1x80xi32, #tpu.memory_space<hbm>> -> memref<80xi32, #tpu.memory_space<hbm>>
        tpu.enqueue_dma source(%dma_start3A_45 : memref<80xi32, #tpu.memory_space<hbm>>) target(%arg6 : memref<80xi32, #tpu.memory_space<vmem>>) target_semaphore(%run_scoped3A : memref<!tpu.dma_semaphore, #tpu.memory_space<semaphore_mem>>)
        %dma_wait3A_46 = arith.constant 0 : i32
        %dma_wait3A_47 = tpu.memref_slice %arg3[%add3A_2, %dma_wait3A_46] : memref<125x80xi32, #tpu.memory_space<hbm>> -> memref<1x80xi32, #tpu.memory_space<hbm>>
        %dma_wait3A_48 = tpu.memref_squeeze %dma_wait3A_47 : memref<1x80xi32, #tpu.memory_space<hbm>> -> memref<80xi32, #tpu.memory_space<hbm>>
        %dma_wait3A_49 = arith.constant 0 : i32
        %dma_wait3A_50 = tpu.memref_slice %arg3[%add3A_2, %dma_wait3A_49] : memref<125x80xi32, #tpu.memory_space<hbm>> -> memref<1x80xi32, #tpu.memory_space<hbm>>
        %dma_wait3A_51 = tpu.memref_squeeze %dma_wait3A_50 : memref<1x80xi32, #tpu.memory_space<hbm>> -> memref<80xi32, #tpu.memory_space<hbm>>
        tpu.wait_dma2 semaphore(%run_scoped3A : memref<!tpu.dma_semaphore, #tpu.memory_space<semaphore_mem>>) src(%dma_wait3A_51 : memref<80xi32, #tpu.memory_space<hbm>>) dst(%arg6 : memref<80xi32, #tpu.memory_space<vmem>>)
        tpu.yield
      }) : () -> ()
      %mul3A_26 = arith.constant 80 : i32
      %mul3A_27 = arith.muli %add3A_2, %mul3A_26 : i32
      %dma_start3A = arith.constant 0 : i32
      %dma_start3A_28 = tpu.memref_slice %arg2[%mul3A_27, %dma_start3A] : memref<10000x128xf32, #tpu.memory_space<hbm>> -> memref<80x128xf32, #tpu.memory_space<hbm>>
      %dma_start3A_29 = arith.constant 0 : i32
      %dma_start3A_30 = tpu.memref_slice %arg2[%mul3A_27, %dma_start3A_29] : memref<10000x128xf32, #tpu.memory_space<hbm>> -> memref<80x128xf32, #tpu.memory_space<hbm>>
      tpu.enqueue_dma source(%dma_start3A_30 : memref<80x128xf32, #tpu.memory_space<hbm>>) target(%arg7 : memref<80x128xf32, #tpu.memory_space<vmem>>) target_semaphore(%arg8 : memref<!tpu.dma_semaphore, #tpu.memory_space<semaphore_mem>>)
      %dma_wait3A = arith.constant 0 : i32
      %dma_wait3A_31 = tpu.memref_slice %arg2[%mul3A_27, %dma_wait3A] : memref<10000x128xf32, #tpu.memory_space<hbm>> -> memref<80x128xf32, #tpu.memory_space<hbm>>
      %dma_wait3A_32 = arith.constant 0 : i32
      %dma_wait3A_33 = tpu.memref_slice %arg2[%mul3A_27, %dma_wait3A_32] : memref<10000x128xf32, #tpu.memory_space<hbm>> -> memref<80x128xf32, #tpu.memory_space<hbm>>
      tpu.wait_dma2 semaphore(%arg8 : memref<!tpu.dma_semaphore, #tpu.memory_space<semaphore_mem>>) src(%dma_wait3A_33 : memref<80x128xf32, #tpu.memory_space<hbm>>) dst(%arg7 : memref<80x128xf32, #tpu.memory_space<vmem>>)
      %dma_start3A_34 = arith.constant 0 : i32
      %dma_start3A_35 = arith.constant 0 : i32
      %dma_start3A_36 = tpu.memref_slice %arg5[%dma_start3A_34, %dma_start3A_35] : memref<147464x128xf32, #tpu.memory_space<hbm>> -> memref<147464x128xf32, #tpu.memory_space<hbm>>
      tpu.enqueue_indirect_dma source(%arg7 : memref<80x128xf32, #tpu.memory_space<vmem>>) target(%dma_start3A_36 : memref<147464x128xf32, #tpu.memory_space<hbm>>) offsets(%arg6 : memref<80xi32, #tpu.memory_space<vmem>>) semaphore(%arg9 : memref<!tpu.dma_semaphore, #tpu.memory_space<semaphore_mem>>)
      %dma_wait3A_37 = arith.constant 0 : i32
      %dma_wait3A_38 = arith.constant 0 : i32
      %dma_wait3A_39 = tpu.memref_slice %arg5[%dma_wait3A_37, %dma_wait3A_38] : memref<147464x128xf32, #tpu.memory_space<hbm>> -> memref<147464x128xf32, #tpu.memory_space<hbm>>
      tpu.wait_indirect_dma semaphore(%arg9 : memref<!tpu.dma_semaphore, #tpu.memory_space<semaphore_mem>>) src(%arg7 : memref<80x128xf32, #tpu.memory_space<vmem>>) dst(%dma_wait3A_39 : memref<147464x128xf32, #tpu.memory_space<hbm>>)
    } else {
    }
    %add3A_5 = arith.constant 32 : i32
    %add3A_6 = arith.addi %add3A, %add3A_5 : i32
    %lt3A_7 = arith.constant 125 : i32
    %lt3A_8 = arith.cmpi slt, %add3A_6, %lt3A_7 : i32
    %convert_element_type3A_9 = arith.extui %lt3A_8 : i1 to i32
    %cond3A_10 = arith.constant 0 : i32
    %cond3A_11 = arith.cmpi ne, %convert_element_type3A_9, %cond3A_10 : i32
    scf.if %cond3A_11 {
      "tpu.region"() ({
        %run_scoped3A = tpu.sem_alloc : memref<!tpu.dma_semaphore, #tpu.memory_space<semaphore_mem>>
        %dma_start3A_40 = arith.constant 0 : i32
        %dma_start3A_41 = tpu.memref_slice %arg3[%add3A_6, %dma_start3A_40] : memref<125x80xi32, #tpu.memory_space<hbm>> -> memref<1x80xi32, #tpu.memory_space<hbm>>
        %dma_start3A_42 = tpu.memref_squeeze %dma_start3A_41 : memref<1x80xi32, #tpu.memory_space<hbm>> -> memref<80xi32, #tpu.memory_space<hbm>>
        %dma_start3A_43 = arith.constant 0 : i32
        %dma_start3A_44 = tpu.memref_slice %arg3[%add3A_6, %dma_start3A_43] : memref<125x80xi32, #tpu.memory_space<hbm>> -> memref<1x80xi32, #tpu.memory_space<hbm>>
        %dma_start3A_45 = tpu.memref_squeeze %dma_start3A_44 : memref<1x80xi32, #tpu.memory_space<hbm>> -> memref<80xi32, #tpu.memory_space<hbm>>
        tpu.enqueue_dma source(%dma_start3A_45 : memref<80xi32, #tpu.memory_space<hbm>>) target(%arg6 : memref<80xi32, #tpu.memory_space<vmem>>) target_semaphore(%run_scoped3A : memref<!tpu.dma_semaphore, #tpu.memory_space<semaphore_mem>>)
        %dma_wait3A_46 = arith.constant 0 : i32
        %dma_wait3A_47 = tpu.memref_slice %arg3[%add3A_6, %dma_wait3A_46] : memref<125x80xi32, #tpu.memory_space<hbm>> -> memref<1x80xi32, #tpu.memory_space<hbm>>
        %dma_wait3A_48 = tpu.memref_squeeze %dma_wait3A_47 : memref<1x80xi32, #tpu.memory_space<hbm>> -> memref<80xi32, #tpu.memory_space<hbm>>
        %dma_wait3A_49 = arith.constant 0 : i32
        %dma_wait3A_50 = tpu.memref_slice %arg3[%add3A_6, %dma_wait3A_49] : memref<125x80xi32, #tpu.memory_space<hbm>> -> memref<1x80xi32, #tpu.memory_space<hbm>>
        %dma_wait3A_51 = tpu.memref_squeeze %dma_wait3A_50 : memref<1x80xi32, #tpu.memory_space<hbm>> -> memref<80xi32, #tpu.memory_space<hbm>>
        tpu.wait_dma2 semaphore(%run_scoped3A : memref<!tpu.dma_semaphore, #tpu.memory_space<semaphore_mem>>) src(%dma_wait3A_51 : memref<80xi32, #tpu.memory_space<hbm>>) dst(%arg6 : memref<80xi32, #tpu.memory_space<vmem>>)
        tpu.yield
      }) : () -> ()
      %mul3A_26 = arith.constant 80 : i32
      %mul3A_27 = arith.muli %add3A_6, %mul3A_26 : i32
      %dma_start3A = arith.constant 0 : i32
      %dma_start3A_28 = tpu.memref_slice %arg2[%mul3A_27, %dma_start3A] : memref<10000x128xf32, #tpu.memory_space<hbm>> -> memref<80x128xf32, #tpu.memory_space<hbm>>
      %dma_start3A_29 = arith.constant 0 : i32
      %dma_start3A_30 = tpu.memref_slice %arg2[%mul3A_27, %dma_start3A_29] : memref<10000x128xf32, #tpu.memory_space<hbm>> -> memref<80x128xf32, #tpu.memory_space<hbm>>
      tpu.enqueue_dma source(%dma_start3A_30 : memref<80x128xf32, #tpu.memory_space<hbm>>) target(%arg7 : memref<80x128xf32, #tpu.memory_space<vmem>>) target_semaphore(%arg8 : memref<!tpu.dma_semaphore, #tpu.memory_space<semaphore_mem>>)
      %dma_wait3A = arith.constant 0 : i32
      %dma_wait3A_31 = tpu.memref_slice %arg2[%mul3A_27, %dma_wait3A] : memref<10000x128xf32, #tpu.memory_space<hbm>> -> memref<80x128xf32, #tpu.memory_space<hbm>>
      %dma_wait3A_32 = arith.constant 0 : i32
      %dma_wait3A_33 = tpu.memref_slice %arg2[%mul3A_27, %dma_wait3A_32] : memref<10000x128xf32, #tpu.memory_space<hbm>> -> memref<80x128xf32, #tpu.memory_space<hbm>>
      tpu.wait_dma2 semaphore(%arg8 : memref<!tpu.dma_semaphore, #tpu.memory_space<semaphore_mem>>) src(%dma_wait3A_33 : memref<80x128xf32, #tpu.memory_space<hbm>>) dst(%arg7 : memref<80x128xf32, #tpu.memory_space<vmem>>)
      %dma_start3A_34 = arith.constant 0 : i32
      %dma_start3A_35 = arith.constant 0 : i32
      %dma_start3A_36 = tpu.memref_slice %arg5[%dma_start3A_34, %dma_start3A_35] : memref<147464x128xf32, #tpu.memory_space<hbm>> -> memref<147464x128xf32, #tpu.memory_space<hbm>>
      tpu.enqueue_indirect_dma source(%arg7 : memref<80x128xf32, #tpu.memory_space<vmem>>) target(%dma_start3A_36 : memref<147464x128xf32, #tpu.memory_space<hbm>>) offsets(%arg6 : memref<80xi32, #tpu.memory_space<vmem>>) semaphore(%arg9 : memref<!tpu.dma_semaphore, #tpu.memory_space<semaphore_mem>>)
      %dma_wait3A_37 = arith.constant 0 : i32
      %dma_wait3A_38 = arith.constant 0 : i32
      %dma_wait3A_39 = tpu.memref_slice %arg5[%dma_wait3A_37, %dma_wait3A_38] : memref<147464x128xf32, #tpu.memory_space<hbm>> -> memref<147464x128xf32, #tpu.memory_space<hbm>>
      tpu.wait_indirect_dma semaphore(%arg9 : memref<!tpu.dma_semaphore, #tpu.memory_space<semaphore_mem>>) src(%arg7 : memref<80x128xf32, #tpu.memory_space<vmem>>) dst(%dma_wait3A_39 : memref<147464x128xf32, #tpu.memory_space<hbm>>)
    } else {
    }
    %add3A_12 = arith.constant 64 : i32
    %add3A_13 = arith.addi %add3A, %add3A_12 : i32
    %lt3A_14 = arith.constant 125 : i32
    %lt3A_15 = arith.cmpi slt, %add3A_13, %lt3A_14 : i32
    %convert_element_type3A_16 = arith.extui %lt3A_15 : i1 to i32
    %cond3A_17 = arith.constant 0 : i32
    %cond3A_18 = arith.cmpi ne, %convert_element_type3A_16, %cond3A_17 : i32
    scf.if %cond3A_18 {
      "tpu.region"() ({
        %run_scoped3A = tpu.sem_alloc : memref<!tpu.dma_semaphore, #tpu.memory_space<semaphore_mem>>
        %dma_start3A_40 = arith.constant 0 : i32
        %dma_start3A_41 = tpu.memref_slice %arg3[%add3A_13, %dma_start3A_40] : memref<125x80xi32, #tpu.memory_space<hbm>> -> memref<1x80xi32, #tpu.memory_space<hbm>>
        %dma_start3A_42 = tpu.memref_squeeze %dma_start3A_41 : memref<1x80xi32, #tpu.memory_space<hbm>> -> memref<80xi32, #tpu.memory_space<hbm>>
        %dma_start3A_43 = arith.constant 0 : i32
        %dma_start3A_44 = tpu.memref_slice %arg3[%add3A_13, %dma_start3A_43] : memref<125x80xi32, #tpu.memory_space<hbm>> -> memref<1x80xi32, #tpu.memory_space<hbm>>
        %dma_start3A_45 = tpu.memref_squeeze %dma_start3A_44 : memref<1x80xi32, #tpu.memory_space<hbm>> -> memref<80xi32, #tpu.memory_space<hbm>>
        tpu.enqueue_dma source(%dma_start3A_45 : memref<80xi32, #tpu.memory_space<hbm>>) target(%arg6 : memref<80xi32, #tpu.memory_space<vmem>>) target_semaphore(%run_scoped3A : memref<!tpu.dma_semaphore, #tpu.memory_space<semaphore_mem>>)
        %dma_wait3A_46 = arith.constant 0 : i32
        %dma_wait3A_47 = tpu.memref_slice %arg3[%add3A_13, %dma_wait3A_46] : memref<125x80xi32, #tpu.memory_space<hbm>> -> memref<1x80xi32, #tpu.memory_space<hbm>>
        %dma_wait3A_48 = tpu.memref_squeeze %dma_wait3A_47 : memref<1x80xi32, #tpu.memory_space<hbm>> -> memref<80xi32, #tpu.memory_space<hbm>>
        %dma_wait3A_49 = arith.constant 0 : i32
        %dma_wait3A_50 = tpu.memref_slice %arg3[%add3A_13, %dma_wait3A_49] : memref<125x80xi32, #tpu.memory_space<hbm>> -> memref<1x80xi32, #tpu.memory_space<hbm>>
        %dma_wait3A_51 = tpu.memref_squeeze %dma_wait3A_50 : memref<1x80xi32, #tpu.memory_space<hbm>> -> memref<80xi32, #tpu.memory_space<hbm>>
        tpu.wait_dma2 semaphore(%run_scoped3A : memref<!tpu.dma_semaphore, #tpu.memory_space<semaphore_mem>>) src(%dma_wait3A_51 : memref<80xi32, #tpu.memory_space<hbm>>) dst(%arg6 : memref<80xi32, #tpu.memory_space<vmem>>)
        tpu.yield
      }) : () -> ()
      %mul3A_26 = arith.constant 80 : i32
      %mul3A_27 = arith.muli %add3A_13, %mul3A_26 : i32
      %dma_start3A = arith.constant 0 : i32
      %dma_start3A_28 = tpu.memref_slice %arg2[%mul3A_27, %dma_start3A] : memref<10000x128xf32, #tpu.memory_space<hbm>> -> memref<80x128xf32, #tpu.memory_space<hbm>>
      %dma_start3A_29 = arith.constant 0 : i32
      %dma_start3A_30 = tpu.memref_slice %arg2[%mul3A_27, %dma_start3A_29] : memref<10000x128xf32, #tpu.memory_space<hbm>> -> memref<80x128xf32, #tpu.memory_space<hbm>>
      tpu.enqueue_dma source(%dma_start3A_30 : memref<80x128xf32, #tpu.memory_space<hbm>>) target(%arg7 : memref<80x128xf32, #tpu.memory_space<vmem>>) target_semaphore(%arg8 : memref<!tpu.dma_semaphore, #tpu.memory_space<semaphore_mem>>)
      %dma_wait3A = arith.constant 0 : i32
      %dma_wait3A_31 = tpu.memref_slice %arg2[%mul3A_27, %dma_wait3A] : memref<10000x128xf32, #tpu.memory_space<hbm>> -> memref<80x128xf32, #tpu.memory_space<hbm>>
      %dma_wait3A_32 = arith.constant 0 : i32
      %dma_wait3A_33 = tpu.memref_slice %arg2[%mul3A_27, %dma_wait3A_32] : memref<10000x128xf32, #tpu.memory_space<hbm>> -> memref<80x128xf32, #tpu.memory_space<hbm>>
      tpu.wait_dma2 semaphore(%arg8 : memref<!tpu.dma_semaphore, #tpu.memory_space<semaphore_mem>>) src(%dma_wait3A_33 : memref<80x128xf32, #tpu.memory_space<hbm>>) dst(%arg7 : memref<80x128xf32, #tpu.memory_space<vmem>>)
      %dma_start3A_34 = arith.constant 0 : i32
      %dma_start3A_35 = arith.constant 0 : i32
      %dma_start3A_36 = tpu.memref_slice %arg5[%dma_start3A_34, %dma_start3A_35] : memref<147464x128xf32, #tpu.memory_space<hbm>> -> memref<147464x128xf32, #tpu.memory_space<hbm>>
      tpu.enqueue_indirect_dma source(%arg7 : memref<80x128xf32, #tpu.memory_space<vmem>>) target(%dma_start3A_36 : memref<147464x128xf32, #tpu.memory_space<hbm>>) offsets(%arg6 : memref<80xi32, #tpu.memory_space<vmem>>) semaphore(%arg9 : memref<!tpu.dma_semaphore, #tpu.memory_space<semaphore_mem>>)
      %dma_wait3A_37 = arith.constant 0 : i32
      %dma_wait3A_38 = arith.constant 0 : i32
      %dma_wait3A_39 = tpu.memref_slice %arg5[%dma_wait3A_37, %dma_wait3A_38] : memref<147464x128xf32, #tpu.memory_space<hbm>> -> memref<147464x128xf32, #tpu.memory_space<hbm>>
      tpu.wait_indirect_dma semaphore(%arg9 : memref<!tpu.dma_semaphore, #tpu.memory_space<semaphore_mem>>) src(%arg7 : memref<80x128xf32, #tpu.memory_space<vmem>>) dst(%dma_wait3A_39 : memref<147464x128xf32, #tpu.memory_space<hbm>>)
    } else {
    }
    %add3A_19 = arith.constant 96 : i32
    %add3A_20 = arith.addi %add3A, %add3A_19 : i32
    %lt3A_21 = arith.constant 125 : i32
    %lt3A_22 = arith.cmpi slt, %add3A_20, %lt3A_21 : i32
    %convert_element_type3A_23 = arith.extui %lt3A_22 : i1 to i32
    %cond3A_24 = arith.constant 0 : i32
    %cond3A_25 = arith.cmpi ne, %convert_element_type3A_23, %cond3A_24 : i32
    scf.if %cond3A_25 {
      "tpu.region"() ({
        %run_scoped3A = tpu.sem_alloc : memref<!tpu.dma_semaphore, #tpu.memory_space<semaphore_mem>>
        %dma_start3A_40 = arith.constant 0 : i32
        %dma_start3A_41 = tpu.memref_slice %arg3[%add3A_20, %dma_start3A_40] : memref<125x80xi32, #tpu.memory_space<hbm>> -> memref<1x80xi32, #tpu.memory_space<hbm>>
        %dma_start3A_42 = tpu.memref_squeeze %dma_start3A_41 : memref<1x80xi32, #tpu.memory_space<hbm>> -> memref<80xi32, #tpu.memory_space<hbm>>
        %dma_start3A_43 = arith.constant 0 : i32
        %dma_start3A_44 = tpu.memref_slice %arg3[%add3A_20, %dma_start3A_43] : memref<125x80xi32, #tpu.memory_space<hbm>> -> memref<1x80xi32, #tpu.memory_space<hbm>>
        %dma_start3A_45 = tpu.memref_squeeze %dma_start3A_44 : memref<1x80xi32, #tpu.memory_space<hbm>> -> memref<80xi32, #tpu.memory_space<hbm>>
        tpu.enqueue_dma source(%dma_start3A_45 : memref<80xi32, #tpu.memory_space<hbm>>) target(%arg6 : memref<80xi32, #tpu.memory_space<vmem>>) target_semaphore(%run_scoped3A : memref<!tpu.dma_semaphore, #tpu.memory_space<semaphore_mem>>)
        %dma_wait3A_46 = arith.constant 0 : i32
        %dma_wait3A_47 = tpu.memref_slice %arg3[%add3A_20, %dma_wait3A_46] : memref<125x80xi32, #tpu.memory_space<hbm>> -> memref<1x80xi32, #tpu.memory_space<hbm>>
        %dma_wait3A_48 = tpu.memref_squeeze %dma_wait3A_47 : memref<1x80xi32, #tpu.memory_space<hbm>> -> memref<80xi32, #tpu.memory_space<hbm>>
        %dma_wait3A_49 = arith.constant 0 : i32
        %dma_wait3A_50 = tpu.memref_slice %arg3[%add3A_20, %dma_wait3A_49] : memref<125x80xi32, #tpu.memory_space<hbm>> -> memref<1x80xi32, #tpu.memory_space<hbm>>
        %dma_wait3A_51 = tpu.memref_squeeze %dma_wait3A_50 : memref<1x80xi32, #tpu.memory_space<hbm>> -> memref<80xi32, #tpu.memory_space<hbm>>
        tpu.wait_dma2 semaphore(%run_scoped3A : memref<!tpu.dma_semaphore, #tpu.memory_space<semaphore_mem>>) src(%dma_wait3A_51 : memref<80xi32, #tpu.memory_space<hbm>>) dst(%arg6 : memref<80xi32, #tpu.memory_space<vmem>>)
        tpu.yield
      }) : () -> ()
      %mul3A_26 = arith.constant 80 : i32
      %mul3A_27 = arith.muli %add3A_20, %mul3A_26 : i32
      %dma_start3A = arith.constant 0 : i32
      %dma_start3A_28 = tpu.memref_slice %arg2[%mul3A_27, %dma_start3A] : memref<10000x128xf32, #tpu.memory_space<hbm>> -> memref<80x128xf32, #tpu.memory_space<hbm>>
      %dma_start3A_29 = arith.constant 0 : i32
      %dma_start3A_30 = tpu.memref_slice %arg2[%mul3A_27, %dma_start3A_29] : memref<10000x128xf32, #tpu.memory_space<hbm>> -> memref<80x128xf32, #tpu.memory_space<hbm>>
      tpu.enqueue_dma source(%dma_start3A_30 : memref<80x128xf32, #tpu.memory_space<hbm>>) target(%arg7 : memref<80x128xf32, #tpu.memory_space<vmem>>) target_semaphore(%arg8 : memref<!tpu.dma_semaphore, #tpu.memory_space<semaphore_mem>>)
      %dma_wait3A = arith.constant 0 : i32
      %dma_wait3A_31 = tpu.memref_slice %arg2[%mul3A_27, %dma_wait3A] : memref<10000x128xf32, #tpu.memory_space<hbm>> -> memref<80x128xf32, #tpu.memory_space<hbm>>
      %dma_wait3A_32 = arith.constant 0 : i32
      %dma_wait3A_33 = tpu.memref_slice %arg2[%mul3A_27, %dma_wait3A_32] : memref<10000x128xf32, #tpu.memory_space<hbm>> -> memref<80x128xf32, #tpu.memory_space<hbm>>
      tpu.wait_dma2 semaphore(%arg8 : memref<!tpu.dma_semaphore, #tpu.memory_space<semaphore_mem>>) src(%dma_wait3A_33 : memref<80x128xf32, #tpu.memory_space<hbm>>) dst(%arg7 : memref<80x128xf32, #tpu.memory_space<vmem>>)
      %dma_start3A_34 = arith.constant 0 : i32
      %dma_start3A_35 = arith.constant 0 : i32
      %dma_start3A_36 = tpu.memref_slice %arg5[%dma_start3A_34, %dma_start3A_35] : memref<147464x128xf32, #tpu.memory_space<hbm>> -> memref<147464x128xf32, #tpu.memory_space<hbm>>
      tpu.enqueue_indirect_dma source(%arg7 : memref<80x128xf32, #tpu.memory_space<vmem>>) target(%dma_start3A_36 : memref<147464x128xf32, #tpu.memory_space<hbm>>) offsets(%arg6 : memref<80xi32, #tpu.memory_space<vmem>>) semaphore(%arg9 : memref<!tpu.dma_semaphore, #tpu.memory_space<semaphore_mem>>)
      %dma_wait3A_37 = arith.constant 0 : i32
      %dma_wait3A_38 = arith.constant 0 : i32
      %dma_wait3A_39 = tpu.memref_slice %arg5[%dma_wait3A_37, %dma_wait3A_38] : memref<147464x128xf32, #tpu.memory_space<hbm>> -> memref<147464x128xf32, #tpu.memory_space<hbm>>
      tpu.wait_indirect_dma semaphore(%arg9 : memref<!tpu.dma_semaphore, #tpu.memory_space<semaphore_mem>>) src(%arg7 : memref<80x128xf32, #tpu.memory_space<vmem>>) dst(%dma_wait3A_39 : memref<147464x128xf32, #tpu.memory_space<hbm>>)
    } else {
    }
    return
  }
}

module attributes {stable_mosaic.version = 14 : i64} {
  func.func @_trA_body(%arg0: i32, %arg1: memref<128x32x384xf32, #tpu.memory_space<vmem>>, %arg2: memref<32x384x128xf32, #tpu.memory_space<vmem>>) attributes {dimension_semantics = [#tpu.dimension_semantics<arbitrary>], iteration_bounds = array<i64: 12>, scalar_prefetch = 0 : i64, scratch_operands = 0 : i64, tpu.core_type = #tpu.core_type<tc>, window_params = [{transform_indices = @transform_0, window_bounds = array<i64: 128, 32, 384>}, {transform_indices = @transform_1, window_bounds = array<i64: 32, 384, 128>}]} {
    %get3A = arith.constant 0 : index
    %get3A_0 = arith.constant 0 : index
    %get3A_1 = arith.constant 0 : index
    %get3A_2 = vector.load %arg1[%get3A, %get3A_0, %get3A_1] : memref<128x32x384xf32, #tpu.memory_space<vmem>>, vector<128x1x384xf32>
    %get3A_3 = vector.shape_cast %get3A_2 : vector<128x1x384xf32> to vector<128x384xf32>
    %transpose3A = tpu.transpose %get3A_3, [1, 0] : vector<128x384xf32> -> vector<384x128xf32>
    %swap3A = arith.constant 0 : index
    %swap3A_4 = arith.constant 0 : index
    %swap3A_5 = arith.constant 0 : index
    %swap3A_6 = vector.load %arg2[%swap3A, %swap3A_4, %swap3A_5] : memref<32x384x128xf32, #tpu.memory_space<vmem>>, vector<1x384x128xf32>
    %swap3A_7 = vector.shape_cast %swap3A_6 : vector<1x384x128xf32> to vector<384x128xf32>
    %swap3A_8 = vector.shape_cast %transpose3A : vector<384x128xf32> to vector<1x384x128xf32>
    tpu.vector_store %arg2[%swap3A, %swap3A_4, %swap3A_5], %swap3A_8 {strides = array<i32>} : memref<32x384x128xf32, #tpu.memory_space<vmem>>, vector<1x384x128xf32>,
    %get3A_9 = arith.constant 0 : index
    %get3A_10 = arith.constant 1 : index
    %get3A_11 = arith.constant 0 : index
    %get3A_12 = vector.load %arg1[%get3A_9, %get3A_10, %get3A_11] : memref<128x32x384xf32, #tpu.memory_space<vmem>>, vector<128x1x384xf32>
    %get3A_13 = vector.shape_cast %get3A_12 : vector<128x1x384xf32> to vector<128x384xf32>
    %transpose3A_14 = tpu.transpose %get3A_13, [1, 0] : vector<128x384xf32> -> vector<384x128xf32>
    %swap3A_15 = arith.constant 1 : index
    %swap3A_16 = arith.constant 0 : index
    %swap3A_17 = arith.constant 0 : index
    %swap3A_18 = vector.load %arg2[%swap3A_15, %swap3A_16, %swap3A_17] : memref<32x384x128xf32, #tpu.memory_space<vmem>>, vector<1x384x128xf32>
    %swap3A_19 = vector.shape_cast %swap3A_18 : vector<1x384x128xf32> to vector<384x128xf32>
    %swap3A_20 = vector.shape_cast %transpose3A_14 : vector<384x128xf32> to vector<1x384x128xf32>
    tpu.vector_store %arg2[%swap3A_15, %swap3A_16, %swap3A_17], %swap3A_20 {strides = array<i32>} : memref<32x384x128xf32, #tpu.memory_space<vmem>>, vector<1x384x128xf32>,
    %get3A_21 = arith.constant 0 : index
    %get3A_22 = arith.constant 2 : index
    %get3A_23 = arith.constant 0 : index
    %get3A_24 = vector.load %arg1[%get3A_21, %get3A_22, %get3A_23] : memref<128x32x384xf32, #tpu.memory_space<vmem>>, vector<128x1x384xf32>
    %get3A_25 = vector.shape_cast %get3A_24 : vector<128x1x384xf32> to vector<128x384xf32>
    %transpose3A_26 = tpu.transpose %get3A_25, [1, 0] : vector<128x384xf32> -> vector<384x128xf32>
    %swap3A_27 = arith.constant 2 : index
    %swap3A_28 = arith.constant 0 : index
    %swap3A_29 = arith.constant 0 : index
    %swap3A_30 = vector.load %arg2[%swap3A_27, %swap3A_28, %swap3A_29] : memref<32x384x128xf32, #tpu.memory_space<vmem>>, vector<1x384x128xf32>
    %swap3A_31 = vector.shape_cast %swap3A_30 : vector<1x384x128xf32> to vector<384x128xf32>
    %swap3A_32 = vector.shape_cast %transpose3A_26 : vector<384x128xf32> to vector<1x384x128xf32>
    tpu.vector_store %arg2[%swap3A_27, %swap3A_28, %swap3A_29], %swap3A_32 {strides = array<i32>} : memref<32x384x128xf32, #tpu.memory_space<vmem>>, vector<1x384x128xf32>,
    %get3A_33 = arith.constant 0 : index
    %get3A_34 = arith.constant 3 : index
    %get3A_35 = arith.constant 0 : index
    %get3A_36 = vector.load %arg1[%get3A_33, %get3A_34, %get3A_35] : memref<128x32x384xf32, #tpu.memory_space<vmem>>, vector<128x1x384xf32>
    %get3A_37 = vector.shape_cast %get3A_36 : vector<128x1x384xf32> to vector<128x384xf32>
    %transpose3A_38 = tpu.transpose %get3A_37, [1, 0] : vector<128x384xf32> -> vector<384x128xf32>
    %swap3A_39 = arith.constant 3 : index
    %swap3A_40 = arith.constant 0 : index
    %swap3A_41 = arith.constant 0 : index
    %swap3A_42 = vector.load %arg2[%swap3A_39, %swap3A_40, %swap3A_41] : memref<32x384x128xf32, #tpu.memory_space<vmem>>, vector<1x384x128xf32>
    %swap3A_43 = vector.shape_cast %swap3A_42 : vector<1x384x128xf32> to vector<384x128xf32>
    %swap3A_44 = vector.shape_cast %transpose3A_38 : vector<384x128xf32> to vector<1x384x128xf32>
    tpu.vector_store %arg2[%swap3A_39, %swap3A_40, %swap3A_41], %swap3A_44 {strides = array<i32>} : memref<32x384x128xf32, #tpu.memory_space<vmem>>, vector<1x384x128xf32>,
    %get3A_45 = arith.constant 0 : index
    %get3A_46 = arith.constant 4 : index
    %get3A_47 = arith.constant 0 : index
    %get3A_48 = vector.load %arg1[%get3A_45, %get3A_46, %get3A_47] : memref<128x32x384xf32, #tpu.memory_space<vmem>>, vector<128x1x384xf32>
    %get3A_49 = vector.shape_cast %get3A_48 : vector<128x1x384xf32> to vector<128x384xf32>
    %transpose3A_50 = tpu.transpose %get3A_49, [1, 0] : vector<128x384xf32> -> vector<384x128xf32>
    %swap3A_51 = arith.constant 4 : index
    %swap3A_52 = arith.constant 0 : index
    %swap3A_53 = arith.constant 0 : index
    %swap3A_54 = vector.load %arg2[%swap3A_51, %swap3A_52, %swap3A_53] : memref<32x384x128xf32, #tpu.memory_space<vmem>>, vector<1x384x128xf32>
    %swap3A_55 = vector.shape_cast %swap3A_54 : vector<1x384x128xf32> to vector<384x128xf32>
    %swap3A_56 = vector.shape_cast %transpose3A_50 : vector<384x128xf32> to vector<1x384x128xf32>
    tpu.vector_store %arg2[%swap3A_51, %swap3A_52, %swap3A_53], %swap3A_56 {strides = array<i32>} : memref<32x384x128xf32, #tpu.memory_space<vmem>>, vector<1x384x128xf32>,
    %get3A_57 = arith.constant 0 : index
    %get3A_58 = arith.constant 5 : index
    %get3A_59 = arith.constant 0 : index
    %get3A_60 = vector.load %arg1[%get3A_57, %get3A_58, %get3A_59] : memref<128x32x384xf32, #tpu.memory_space<vmem>>, vector<128x1x384xf32>
    %get3A_61 = vector.shape_cast %get3A_60 : vector<128x1x384xf32> to vector<128x384xf32>
    %transpose3A_62 = tpu.transpose %get3A_61, [1, 0] : vector<128x384xf32> -> vector<384x128xf32>
    %swap3A_63 = arith.constant 5 : index
    %swap3A_64 = arith.constant 0 : index
    %swap3A_65 = arith.constant 0 : index
    %swap3A_66 = vector.load %arg2[%swap3A_63, %swap3A_64, %swap3A_65] : memref<32x384x128xf32, #tpu.memory_space<vmem>>, vector<1x384x128xf32>
    %swap3A_67 = vector.shape_cast %swap3A_66 : vector<1x384x128xf32> to vector<384x128xf32>
    %swap3A_68 = vector.shape_cast %transpose3A_62 : vector<384x128xf32> to vector<1x384x128xf32>
    tpu.vector_store %arg2[%swap3A_63, %swap3A_64, %swap3A_65], %swap3A_68 {strides = array<i32>} : memref<32x384x128xf32, #tpu.memory_space<vmem>>, vector<1x384x128xf32>,
    %get3A_69 = arith.constant 0 : index
    %get3A_70 = arith.constant 6 : index
    %get3A_71 = arith.constant 0 : index
    %get3A_72 = vector.load %arg1[%get3A_69, %get3A_70, %get3A_71] : memref<128x32x384xf32, #tpu.memory_space<vmem>>, vector<128x1x384xf32>
    %get3A_73 = vector.shape_cast %get3A_72 : vector<128x1x384xf32> to vector<128x384xf32>
    %transpose3A_74 = tpu.transpose %get3A_73, [1, 0] : vector<128x384xf32> -> vector<384x128xf32>
    %swap3A_75 = arith.constant 6 : index
    %swap3A_76 = arith.constant 0 : index
    %swap3A_77 = arith.constant 0 : index
    %swap3A_78 = vector.load %arg2[%swap3A_75, %swap3A_76, %swap3A_77] : memref<32x384x128xf32, #tpu.memory_space<vmem>>, vector<1x384x128xf32>
    %swap3A_79 = vector.shape_cast %swap3A_78 : vector<1x384x128xf32> to vector<384x128xf32>
    %swap3A_80 = vector.shape_cast %transpose3A_74 : vector<384x128xf32> to vector<1x384x128xf32>
    tpu.vector_store %arg2[%swap3A_75, %swap3A_76, %swap3A_77], %swap3A_80 {strides = array<i32>} : memref<32x384x128xf32, #tpu.memory_space<vmem>>, vector<1x384x128xf32>,
    %get3A_81 = arith.constant 0 : index
    %get3A_82 = arith.constant 7 : index
    %get3A_83 = arith.constant 0 : index
    %get3A_84 = vector.load %arg1[%get3A_81, %get3A_82, %get3A_83] : memref<128x32x384xf32, #tpu.memory_space<vmem>>, vector<128x1x384xf32>
    %get3A_85 = vector.shape_cast %get3A_84 : vector<128x1x384xf32> to vector<128x384xf32>
    %transpose3A_86 = tpu.transpose %get3A_85, [1, 0] : vector<128x384xf32> -> vector<384x128xf32>
    %swap3A_87 = arith.constant 7 : index
    %swap3A_88 = arith.constant 0 : index
    %swap3A_89 = arith.constant 0 : index
    %swap3A_90 = vector.load %arg2[%swap3A_87, %swap3A_88, %swap3A_89] : memref<32x384x128xf32, #tpu.memory_space<vmem>>, vector<1x384x128xf32>
    %swap3A_91 = vector.shape_cast %swap3A_90 : vector<1x384x128xf32> to vector<384x128xf32>
    %swap3A_92 = vector.shape_cast %transpose3A_86 : vector<384x128xf32> to vector<1x384x128xf32>
    tpu.vector_store %arg2[%swap3A_87, %swap3A_88, %swap3A_89], %swap3A_92 {strides = array<i32>} : memref<32x384x128xf32, #tpu.memory_space<vmem>>, vector<1x384x128xf32>,
    %get3A_93 = arith.constant 0 : index
    %get3A_94 = arith.constant 8 : index
    %get3A_95 = arith.constant 0 : index
    %get3A_96 = vector.load %arg1[%get3A_93, %get3A_94, %get3A_95] : memref<128x32x384xf32, #tpu.memory_space<vmem>>, vector<128x1x384xf32>
    %get3A_97 = vector.shape_cast %get3A_96 : vector<128x1x384xf32> to vector<128x384xf32>
    %transpose3A_98 = tpu.transpose %get3A_97, [1, 0] : vector<128x384xf32> -> vector<384x128xf32>
    %swap3A_99 = arith.constant 8 : index
    %swap3A_100 = arith.constant 0 : index
    %swap3A_101 = arith.constant 0 : index
    %swap3A_102 = vector.load %arg2[%swap3A_99, %swap3A_100, %swap3A_101] : memref<32x384x128xf32, #tpu.memory_space<vmem>>, vector<1x384x128xf32>
    %swap3A_103 = vector.shape_cast %swap3A_102 : vector<1x384x128xf32> to vector<384x128xf32>
    %swap3A_104 = vector.shape_cast %transpose3A_98 : vector<384x128xf32> to vector<1x384x128xf32>
    tpu.vector_store %arg2[%swap3A_99, %swap3A_100, %swap3A_101], %swap3A_104 {strides = array<i32>} : memref<32x384x128xf32, #tpu.memory_space<vmem>>, vector<1x384x128xf32>,
    %get3A_105 = arith.constant 0 : index
    %get3A_106 = arith.constant 9 : index
    %get3A_107 = arith.constant 0 : index
    %get3A_108 = vector.load %arg1[%get3A_105, %get3A_106, %get3A_107] : memref<128x32x384xf32, #tpu.memory_space<vmem>>, vector<128x1x384xf32>
    %get3A_109 = vector.shape_cast %get3A_108 : vector<128x1x384xf32> to vector<128x384xf32>
    %transpose3A_110 = tpu.transpose %get3A_109, [1, 0] : vector<128x384xf32> -> vector<384x128xf32>
    %swap3A_111 = arith.constant 9 : index
    %swap3A_112 = arith.constant 0 : index
    %swap3A_113 = arith.constant 0 : index
    %swap3A_114 = vector.load %arg2[%swap3A_111, %swap3A_112, %swap3A_113] : memref<32x384x128xf32, #tpu.memory_space<vmem>>, vector<1x384x128xf32>
    %swap3A_115 = vector.shape_cast %swap3A_114 : vector<1x384x128xf32> to vector<384x128xf32>
    %swap3A_116 = vector.shape_cast %transpose3A_110 : vector<384x128xf32> to vector<1x384x128xf32>
    tpu.vector_store %arg2[%swap3A_111, %swap3A_112, %swap3A_113], %swap3A_116 {strides = array<i32>} : memref<32x384x128xf32, #tpu.memory_space<vmem>>, vector<1x384x128xf32>,
    %get3A_117 = arith.constant 0 : index
    %get3A_118 = arith.constant 10 : index
    %get3A_119 = arith.constant 0 : index
    %get3A_120 = vector.load %arg1[%get3A_117, %get3A_118, %get3A_119] : memref<128x32x384xf32, #tpu.memory_space<vmem>>, vector<128x1x384xf32>
    %get3A_121 = vector.shape_cast %get3A_120 : vector<128x1x384xf32> to vector<128x384xf32>
    %transpose3A_122 = tpu.transpose %get3A_121, [1, 0] : vector<128x384xf32> -> vector<384x128xf32>
    %swap3A_123 = arith.constant 10 : index
    %swap3A_124 = arith.constant 0 : index
    %swap3A_125 = arith.constant 0 : index
    %swap3A_126 = vector.load %arg2[%swap3A_123, %swap3A_124, %swap3A_125] : memref<32x384x128xf32, #tpu.memory_space<vmem>>, vector<1x384x128xf32>
    %swap3A_127 = vector.shape_cast %swap3A_126 : vector<1x384x128xf32> to vector<384x128xf32>
    %swap3A_128 = vector.shape_cast %transpose3A_122 : vector<384x128xf32> to vector<1x384x128xf32>
    tpu.vector_store %arg2[%swap3A_123, %swap3A_124, %swap3A_125], %swap3A_128 {strides = array<i32>} : memref<32x384x128xf32, #tpu.memory_space<vmem>>, vector<1x384x128xf32>,
    %get3A_129 = arith.constant 0 : index
    %get3A_130 = arith.constant 11 : index
    %get3A_131 = arith.constant 0 : index
    %get3A_132 = vector.load %arg1[%get3A_129, %get3A_130, %get3A_131] : memref<128x32x384xf32, #tpu.memory_space<vmem>>, vector<128x1x384xf32>
    %get3A_133 = vector.shape_cast %get3A_132 : vector<128x1x384xf32> to vector<128x384xf32>
    %transpose3A_134 = tpu.transpose %get3A_133, [1, 0] : vector<128x384xf32> -> vector<384x128xf32>
    %swap3A_135 = arith.constant 11 : index
    %swap3A_136 = arith.constant 0 : index
    %swap3A_137 = arith.constant 0 : index
    %swap3A_138 = vector.load %arg2[%swap3A_135, %swap3A_136, %swap3A_137] : memref<32x384x128xf32, #tpu.memory_space<vmem>>, vector<1x384x128xf32>
    %swap3A_139 = vector.shape_cast %swap3A_138 : vector<1x384x128xf32> to vector<384x128xf32>
    %swap3A_140 = vector.shape_cast %transpose3A_134 : vector<384x128xf32> to vector<1x384x128xf32>
    tpu.vector_store %arg2[%swap3A_135, %swap3A_136, %swap3A_137], %swap3A_140 {strides = array<i32>} : memref<32x384x128xf32, #tpu.memory_space<vmem>>, vector<1x384x128xf32>,
    %get3A_141 = arith.constant 0 : index
    %get3A_142 = arith.constant 12 : index
    %get3A_143 = arith.constant 0 : index
    %get3A_144 = vector.load %arg1[%get3A_141, %get3A_142, %get3A_143] : memref<128x32x384xf32, #tpu.memory_space<vmem>>, vector<128x1x384xf32>
    %get3A_145 = vector.shape_cast %get3A_144 : vector<128x1x384xf32> to vector<128x384xf32>
    %transpose3A_146 = tpu.transpose %get3A_145, [1, 0] : vector<128x384xf32> -> vector<384x128xf32>
    %swap3A_147 = arith.constant 12 : index
    %swap3A_148 = arith.constant 0 : index
    %swap3A_149 = arith.constant 0 : index
    %swap3A_150 = vector.load %arg2[%swap3A_147, %swap3A_148, %swap3A_149] : memref<32x384x128xf32, #tpu.memory_space<vmem>>, vector<1x384x128xf32>
    %swap3A_151 = vector.shape_cast %swap3A_150 : vector<1x384x128xf32> to vector<384x128xf32>
    %swap3A_152 = vector.shape_cast %transpose3A_146 : vector<384x128xf32> to vector<1x384x128xf32>
    tpu.vector_store %arg2[%swap3A_147, %swap3A_148, %swap3A_149], %swap3A_152 {strides = array<i32>} : memref<32x384x128xf32, #tpu.memory_space<vmem>>, vector<1x384x128xf32>,
    %get3A_153 = arith.constant 0 : index
    %get3A_154 = arith.constant 13 : index
    %get3A_155 = arith.constant 0 : index
    %get3A_156 = vector.load %arg1[%get3A_153, %get3A_154, %get3A_155] : memref<128x32x384xf32, #tpu.memory_space<vmem>>, vector<128x1x384xf32>
    %get3A_157 = vector.shape_cast %get3A_156 : vector<128x1x384xf32> to vector<128x384xf32>
    %transpose3A_158 = tpu.transpose %get3A_157, [1, 0] : vector<128x384xf32> -> vector<384x128xf32>
    %swap3A_159 = arith.constant 13 : index
    %swap3A_160 = arith.constant 0 : index
    %swap3A_161 = arith.constant 0 : index
    %swap3A_162 = vector.load %arg2[%swap3A_159, %swap3A_160, %swap3A_161] : memref<32x384x128xf32, #tpu.memory_space<vmem>>, vector<1x384x128xf32>
    %swap3A_163 = vector.shape_cast %swap3A_162 : vector<1x384x128xf32> to vector<384x128xf32>
    %swap3A_164 = vector.shape_cast %transpose3A_158 : vector<384x128xf32> to vector<1x384x128xf32>
    tpu.vector_store %arg2[%swap3A_159, %swap3A_160, %swap3A_161], %swap3A_164 {strides = array<i32>} : memref<32x384x128xf32, #tpu.memory_space<vmem>>, vector<1x384x128xf32>,
    %get3A_165 = arith.constant 0 : index
    %get3A_166 = arith.constant 14 : index
    %get3A_167 = arith.constant 0 : index
    %get3A_168 = vector.load %arg1[%get3A_165, %get3A_166, %get3A_167] : memref<128x32x384xf32, #tpu.memory_space<vmem>>, vector<128x1x384xf32>
    %get3A_169 = vector.shape_cast %get3A_168 : vector<128x1x384xf32> to vector<128x384xf32>
    %transpose3A_170 = tpu.transpose %get3A_169, [1, 0] : vector<128x384xf32> -> vector<384x128xf32>
    %swap3A_171 = arith.constant 14 : index
    %swap3A_172 = arith.constant 0 : index
    %swap3A_173 = arith.constant 0 : index
    %swap3A_174 = vector.load %arg2[%swap3A_171, %swap3A_172, %swap3A_173] : memref<32x384x128xf32, #tpu.memory_space<vmem>>, vector<1x384x128xf32>
    %swap3A_175 = vector.shape_cast %swap3A_174 : vector<1x384x128xf32> to vector<384x128xf32>
    %swap3A_176 = vector.shape_cast %transpose3A_170 : vector<384x128xf32> to vector<1x384x128xf32>
    tpu.vector_store %arg2[%swap3A_171, %swap3A_172, %swap3A_173], %swap3A_176 {strides = array<i32>} : memref<32x384x128xf32, #tpu.memory_space<vmem>>, vector<1x384x128xf32>,
    %get3A_177 = arith.constant 0 : index
    %get3A_178 = arith.constant 15 : index
    %get3A_179 = arith.constant 0 : index
    %get3A_180 = vector.load %arg1[%get3A_177, %get3A_178, %get3A_179] : memref<128x32x384xf32, #tpu.memory_space<vmem>>, vector<128x1x384xf32>
    %get3A_181 = vector.shape_cast %get3A_180 : vector<128x1x384xf32> to vector<128x384xf32>
    %transpose3A_182 = tpu.transpose %get3A_181, [1, 0] : vector<128x384xf32> -> vector<384x128xf32>
    %swap3A_183 = arith.constant 15 : index
    %swap3A_184 = arith.constant 0 : index
    %swap3A_185 = arith.constant 0 : index
    %swap3A_186 = vector.load %arg2[%swap3A_183, %swap3A_184, %swap3A_185] : memref<32x384x128xf32, #tpu.memory_space<vmem>>, vector<1x384x128xf32>
    %swap3A_187 = vector.shape_cast %swap3A_186 : vector<1x384x128xf32> to vector<384x128xf32>
    %swap3A_188 = vector.shape_cast %transpose3A_182 : vector<384x128xf32> to vector<1x384x128xf32>
    tpu.vector_store %arg2[%swap3A_183, %swap3A_184, %swap3A_185], %swap3A_188 {strides = array<i32>} : memref<32x384x128xf32, #tpu.memory_space<vmem>>, vector<1x384x128xf32>,
    %get3A_189 = arith.constant 0 : index
    %get3A_190 = arith.constant 16 : index
    %get3A_191 = arith.constant 0 : index
    %get3A_192 = vector.load %arg1[%get3A_189, %get3A_190, %get3A_191] : memref<128x32x384xf32, #tpu.memory_space<vmem>>, vector<128x1x384xf32>
    %get3A_193 = vector.shape_cast %get3A_192 : vector<128x1x384xf32> to vector<128x384xf32>
    %transpose3A_194 = tpu.transpose %get3A_193, [1, 0] : vector<128x384xf32> -> vector<384x128xf32>
    %swap3A_195 = arith.constant 16 : index
    %swap3A_196 = arith.constant 0 : index
    %swap3A_197 = arith.constant 0 : index
    %swap3A_198 = vector.load %arg2[%swap3A_195, %swap3A_196, %swap3A_197] : memref<32x384x128xf32, #tpu.memory_space<vmem>>, vector<1x384x128xf32>
    %swap3A_199 = vector.shape_cast %swap3A_198 : vector<1x384x128xf32> to vector<384x128xf32>
    %swap3A_200 = vector.shape_cast %transpose3A_194 : vector<384x128xf32> to vector<1x384x128xf32>
    tpu.vector_store %arg2[%swap3A_195, %swap3A_196, %swap3A_197], %swap3A_200 {strides = array<i32>} : memref<32x384x128xf32, #tpu.memory_space<vmem>>, vector<1x384x128xf32>,
    %get3A_201 = arith.constant 0 : index
    %get3A_202 = arith.constant 17 : index
    %get3A_203 = arith.constant 0 : index
    %get3A_204 = vector.load %arg1[%get3A_201, %get3A_202, %get3A_203] : memref<128x32x384xf32, #tpu.memory_space<vmem>>, vector<128x1x384xf32>
    %get3A_205 = vector.shape_cast %get3A_204 : vector<128x1x384xf32> to vector<128x384xf32>
    %transpose3A_206 = tpu.transpose %get3A_205, [1, 0] : vector<128x384xf32> -> vector<384x128xf32>
    %swap3A_207 = arith.constant 17 : index
    %swap3A_208 = arith.constant 0 : index
    %swap3A_209 = arith.constant 0 : index
    %swap3A_210 = vector.load %arg2[%swap3A_207, %swap3A_208, %swap3A_209] : memref<32x384x128xf32, #tpu.memory_space<vmem>>, vector<1x384x128xf32>
    %swap3A_211 = vector.shape_cast %swap3A_210 : vector<1x384x128xf32> to vector<384x128xf32>
    %swap3A_212 = vector.shape_cast %transpose3A_206 : vector<384x128xf32> to vector<1x384x128xf32>
    tpu.vector_store %arg2[%swap3A_207, %swap3A_208, %swap3A_209], %swap3A_212 {strides = array<i32>} : memref<32x384x128xf32, #tpu.memory_space<vmem>>, vector<1x384x128xf32>,
    %get3A_213 = arith.constant 0 : index
    %get3A_214 = arith.constant 18 : index
    %get3A_215 = arith.constant 0 : index
    %get3A_216 = vector.load %arg1[%get3A_213, %get3A_214, %get3A_215] : memref<128x32x384xf32, #tpu.memory_space<vmem>>, vector<128x1x384xf32>
    %get3A_217 = vector.shape_cast %get3A_216 : vector<128x1x384xf32> to vector<128x384xf32>
    %transpose3A_218 = tpu.transpose %get3A_217, [1, 0] : vector<128x384xf32> -> vector<384x128xf32>
    %swap3A_219 = arith.constant 18 : index
    %swap3A_220 = arith.constant 0 : index
    %swap3A_221 = arith.constant 0 : index
    %swap3A_222 = vector.load %arg2[%swap3A_219, %swap3A_220, %swap3A_221] : memref<32x384x128xf32, #tpu.memory_space<vmem>>, vector<1x384x128xf32>
    %swap3A_223 = vector.shape_cast %swap3A_222 : vector<1x384x128xf32> to vector<384x128xf32>
    %swap3A_224 = vector.shape_cast %transpose3A_218 : vector<384x128xf32> to vector<1x384x128xf32>
    tpu.vector_store %arg2[%swap3A_219, %swap3A_220, %swap3A_221], %swap3A_224 {strides = array<i32>} : memref<32x384x128xf32, #tpu.memory_space<vmem>>, vector<1x384x128xf32>,
    %get3A_225 = arith.constant 0 : index
    %get3A_226 = arith.constant 19 : index
    %get3A_227 = arith.constant 0 : index
    %get3A_228 = vector.load %arg1[%get3A_225, %get3A_226, %get3A_227] : memref<128x32x384xf32, #tpu.memory_space<vmem>>, vector<128x1x384xf32>
    %get3A_229 = vector.shape_cast %get3A_228 : vector<128x1x384xf32> to vector<128x384xf32>
    %transpose3A_230 = tpu.transpose %get3A_229, [1, 0] : vector<128x384xf32> -> vector<384x128xf32>
    %swap3A_231 = arith.constant 19 : index
    %swap3A_232 = arith.constant 0 : index
    %swap3A_233 = arith.constant 0 : index
    %swap3A_234 = vector.load %arg2[%swap3A_231, %swap3A_232, %swap3A_233] : memref<32x384x128xf32, #tpu.memory_space<vmem>>, vector<1x384x128xf32>
    %swap3A_235 = vector.shape_cast %swap3A_234 : vector<1x384x128xf32> to vector<384x128xf32>
    %swap3A_236 = vector.shape_cast %transpose3A_230 : vector<384x128xf32> to vector<1x384x128xf32>
    tpu.vector_store %arg2[%swap3A_231, %swap3A_232, %swap3A_233], %swap3A_236 {strides = array<i32>} : memref<32x384x128xf32, #tpu.memory_space<vmem>>, vector<1x384x128xf32>,
    %get3A_237 = arith.constant 0 : index
    %get3A_238 = arith.constant 20 : index
    %get3A_239 = arith.constant 0 : index
    %get3A_240 = vector.load %arg1[%get3A_237, %get3A_238, %get3A_239] : memref<128x32x384xf32, #tpu.memory_space<vmem>>, vector<128x1x384xf32>
    %get3A_241 = vector.shape_cast %get3A_240 : vector<128x1x384xf32> to vector<128x384xf32>
    %transpose3A_242 = tpu.transpose %get3A_241, [1, 0] : vector<128x384xf32> -> vector<384x128xf32>
    %swap3A_243 = arith.constant 20 : index
    %swap3A_244 = arith.constant 0 : index
    %swap3A_245 = arith.constant 0 : index
    %swap3A_246 = vector.load %arg2[%swap3A_243, %swap3A_244, %swap3A_245] : memref<32x384x128xf32, #tpu.memory_space<vmem>>, vector<1x384x128xf32>
    %swap3A_247 = vector.shape_cast %swap3A_246 : vector<1x384x128xf32> to vector<384x128xf32>
    %swap3A_248 = vector.shape_cast %transpose3A_242 : vector<384x128xf32> to vector<1x384x128xf32>
    tpu.vector_store %arg2[%swap3A_243, %swap3A_244, %swap3A_245], %swap3A_248 {strides = array<i32>} : memref<32x384x128xf32, #tpu.memory_space<vmem>>, vector<1x384x128xf32>,
    %get3A_249 = arith.constant 0 : index
    %get3A_250 = arith.constant 21 : index
    %get3A_251 = arith.constant 0 : index
    %get3A_252 = vector.load %arg1[%get3A_249, %get3A_250, %get3A_251] : memref<128x32x384xf32, #tpu.memory_space<vmem>>, vector<128x1x384xf32>
    %get3A_253 = vector.shape_cast %get3A_252 : vector<128x1x384xf32> to vector<128x384xf32>
    %transpose3A_254 = tpu.transpose %get3A_253, [1, 0] : vector<128x384xf32> -> vector<384x128xf32>
    %swap3A_255 = arith.constant 21 : index
    %swap3A_256 = arith.constant 0 : index
    %swap3A_257 = arith.constant 0 : index
    %swap3A_258 = vector.load %arg2[%swap3A_255, %swap3A_256, %swap3A_257] : memref<32x384x128xf32, #tpu.memory_space<vmem>>, vector<1x384x128xf32>
    %swap3A_259 = vector.shape_cast %swap3A_258 : vector<1x384x128xf32> to vector<384x128xf32>
    %swap3A_260 = vector.shape_cast %transpose3A_254 : vector<384x128xf32> to vector<1x384x128xf32>
    tpu.vector_store %arg2[%swap3A_255, %swap3A_256, %swap3A_257], %swap3A_260 {strides = array<i32>} : memref<32x384x128xf32, #tpu.memory_space<vmem>>, vector<1x384x128xf32>,
    %get3A_261 = arith.constant 0 : index
    %get3A_262 = arith.constant 22 : index
    %get3A_263 = arith.constant 0 : index
    %get3A_264 = vector.load %arg1[%get3A_261, %get3A_262, %get3A_263] : memref<128x32x384xf32, #tpu.memory_space<vmem>>, vector<128x1x384xf32>
    %get3A_265 = vector.shape_cast %get3A_264 : vector<128x1x384xf32> to vector<128x384xf32>
    %transpose3A_266 = tpu.transpose %get3A_265, [1, 0] : vector<128x384xf32> -> vector<384x128xf32>
    %swap3A_267 = arith.constant 22 : index
    %swap3A_268 = arith.constant 0 : index
    %swap3A_269 = arith.constant 0 : index
    %swap3A_270 = vector.load %arg2[%swap3A_267, %swap3A_268, %swap3A_269] : memref<32x384x128xf32, #tpu.memory_space<vmem>>, vector<1x384x128xf32>
    %swap3A_271 = vector.shape_cast %swap3A_270 : vector<1x384x128xf32> to vector<384x128xf32>
    %swap3A_272 = vector.shape_cast %transpose3A_266 : vector<384x128xf32> to vector<1x384x128xf32>
    tpu.vector_store %arg2[%swap3A_267, %swap3A_268, %swap3A_269], %swap3A_272 {strides = array<i32>} : memref<32x384x128xf32, #tpu.memory_space<vmem>>, vector<1x384x128xf32>,
    %get3A_273 = arith.constant 0 : index
    %get3A_274 = arith.constant 23 : index
    %get3A_275 = arith.constant 0 : index
    %get3A_276 = vector.load %arg1[%get3A_273, %get3A_274, %get3A_275] : memref<128x32x384xf32, #tpu.memory_space<vmem>>, vector<128x1x384xf32>
    %get3A_277 = vector.shape_cast %get3A_276 : vector<128x1x384xf32> to vector<128x384xf32>
    %transpose3A_278 = tpu.transpose %get3A_277, [1, 0] : vector<128x384xf32> -> vector<384x128xf32>
    %swap3A_279 = arith.constant 23 : index
    %swap3A_280 = arith.constant 0 : index
    %swap3A_281 = arith.constant 0 : index
    %swap3A_282 = vector.load %arg2[%swap3A_279, %swap3A_280, %swap3A_281] : memref<32x384x128xf32, #tpu.memory_space<vmem>>, vector<1x384x128xf32>
    %swap3A_283 = vector.shape_cast %swap3A_282 : vector<1x384x128xf32> to vector<384x128xf32>
    %swap3A_284 = vector.shape_cast %transpose3A_278 : vector<384x128xf32> to vector<1x384x128xf32>
    tpu.vector_store %arg2[%swap3A_279, %swap3A_280, %swap3A_281], %swap3A_284 {strides = array<i32>} : memref<32x384x128xf32, #tpu.memory_space<vmem>>, vector<1x384x128xf32>,
    %get3A_285 = arith.constant 0 : index
    %get3A_286 = arith.constant 24 : index
    %get3A_287 = arith.constant 0 : index
    %get3A_288 = vector.load %arg1[%get3A_285, %get3A_286, %get3A_287] : memref<128x32x384xf32, #tpu.memory_space<vmem>>, vector<128x1x384xf32>
    %get3A_289 = vector.shape_cast %get3A_288 : vector<128x1x384xf32> to vector<128x384xf32>
    %transpose3A_290 = tpu.transpose %get3A_289, [1, 0] : vector<128x384xf32> -> vector<384x128xf32>
    %swap3A_291 = arith.constant 24 : index
    %swap3A_292 = arith.constant 0 : index
    %swap3A_293 = arith.constant 0 : index
    %swap3A_294 = vector.load %arg2[%swap3A_291, %swap3A_292, %swap3A_293] : memref<32x384x128xf32, #tpu.memory_space<vmem>>, vector<1x384x128xf32>
    %swap3A_295 = vector.shape_cast %swap3A_294 : vector<1x384x128xf32> to vector<384x128xf32>
    %swap3A_296 = vector.shape_cast %transpose3A_290 : vector<384x128xf32> to vector<1x384x128xf32>
    tpu.vector_store %arg2[%swap3A_291, %swap3A_292, %swap3A_293], %swap3A_296 {strides = array<i32>} : memref<32x384x128xf32, #tpu.memory_space<vmem>>, vector<1x384x128xf32>,
    %get3A_297 = arith.constant 0 : index
    %get3A_298 = arith.constant 25 : index
    %get3A_299 = arith.constant 0 : index
    %get3A_300 = vector.load %arg1[%get3A_297, %get3A_298, %get3A_299] : memref<128x32x384xf32, #tpu.memory_space<vmem>>, vector<128x1x384xf32>
    %get3A_301 = vector.shape_cast %get3A_300 : vector<128x1x384xf32> to vector<128x384xf32>
    %transpose3A_302 = tpu.transpose %get3A_301, [1, 0] : vector<128x384xf32> -> vector<384x128xf32>
    %swap3A_303 = arith.constant 25 : index
    %swap3A_304 = arith.constant 0 : index
    %swap3A_305 = arith.constant 0 : index
    %swap3A_306 = vector.load %arg2[%swap3A_303, %swap3A_304, %swap3A_305] : memref<32x384x128xf32, #tpu.memory_space<vmem>>, vector<1x384x128xf32>
    %swap3A_307 = vector.shape_cast %swap3A_306 : vector<1x384x128xf32> to vector<384x128xf32>
    %swap3A_308 = vector.shape_cast %transpose3A_302 : vector<384x128xf32> to vector<1x384x128xf32>
    tpu.vector_store %arg2[%swap3A_303, %swap3A_304, %swap3A_305], %swap3A_308 {strides = array<i32>} : memref<32x384x128xf32, #tpu.memory_space<vmem>>, vector<1x384x128xf32>,
    %get3A_309 = arith.constant 0 : index
    %get3A_310 = arith.constant 26 : index
    %get3A_311 = arith.constant 0 : index
    %get3A_312 = vector.load %arg1[%get3A_309, %get3A_310, %get3A_311] : memref<128x32x384xf32, #tpu.memory_space<vmem>>, vector<128x1x384xf32>
    %get3A_313 = vector.shape_cast %get3A_312 : vector<128x1x384xf32> to vector<128x384xf32>
    %transpose3A_314 = tpu.transpose %get3A_313, [1, 0] : vector<128x384xf32> -> vector<384x128xf32>
    %swap3A_315 = arith.constant 26 : index
    %swap3A_316 = arith.constant 0 : index
    %swap3A_317 = arith.constant 0 : index
    %swap3A_318 = vector.load %arg2[%swap3A_315, %swap3A_316, %swap3A_317] : memref<32x384x128xf32, #tpu.memory_space<vmem>>, vector<1x384x128xf32>
    %swap3A_319 = vector.shape_cast %swap3A_318 : vector<1x384x128xf32> to vector<384x128xf32>
    %swap3A_320 = vector.shape_cast %transpose3A_314 : vector<384x128xf32> to vector<1x384x128xf32>
    tpu.vector_store %arg2[%swap3A_315, %swap3A_316, %swap3A_317], %swap3A_320 {strides = array<i32>} : memref<32x384x128xf32, #tpu.memory_space<vmem>>, vector<1x384x128xf32>,
    %get3A_321 = arith.constant 0 : index
    %get3A_322 = arith.constant 27 : index
    %get3A_323 = arith.constant 0 : index
    %get3A_324 = vector.load %arg1[%get3A_321, %get3A_322, %get3A_323] : memref<128x32x384xf32, #tpu.memory_space<vmem>>, vector<128x1x384xf32>
    %get3A_325 = vector.shape_cast %get3A_324 : vector<128x1x384xf32> to vector<128x384xf32>
    %transpose3A_326 = tpu.transpose %get3A_325, [1, 0] : vector<128x384xf32> -> vector<384x128xf32>
    %swap3A_327 = arith.constant 27 : index
    %swap3A_328 = arith.constant 0 : index
    %swap3A_329 = arith.constant 0 : index
    %swap3A_330 = vector.load %arg2[%swap3A_327, %swap3A_328, %swap3A_329] : memref<32x384x128xf32, #tpu.memory_space<vmem>>, vector<1x384x128xf32>
    %swap3A_331 = vector.shape_cast %swap3A_330 : vector<1x384x128xf32> to vector<384x128xf32>
    %swap3A_332 = vector.shape_cast %transpose3A_326 : vector<384x128xf32> to vector<1x384x128xf32>
    tpu.vector_store %arg2[%swap3A_327, %swap3A_328, %swap3A_329], %swap3A_332 {strides = array<i32>} : memref<32x384x128xf32, #tpu.memory_space<vmem>>, vector<1x384x128xf32>,
    %get3A_333 = arith.constant 0 : index
    %get3A_334 = arith.constant 28 : index
    %get3A_335 = arith.constant 0 : index
    %get3A_336 = vector.load %arg1[%get3A_333, %get3A_334, %get3A_335] : memref<128x32x384xf32, #tpu.memory_space<vmem>>, vector<128x1x384xf32>
    %get3A_337 = vector.shape_cast %get3A_336 : vector<128x1x384xf32> to vector<128x384xf32>
    %transpose3A_338 = tpu.transpose %get3A_337, [1, 0] : vector<128x384xf32> -> vector<384x128xf32>
    %swap3A_339 = arith.constant 28 : index
    %swap3A_340 = arith.constant 0 : index
    %swap3A_341 = arith.constant 0 : index
    %swap3A_342 = vector.load %arg2[%swap3A_339, %swap3A_340, %swap3A_341] : memref<32x384x128xf32, #tpu.memory_space<vmem>>, vector<1x384x128xf32>
    %swap3A_343 = vector.shape_cast %swap3A_342 : vector<1x384x128xf32> to vector<384x128xf32>
    %swap3A_344 = vector.shape_cast %transpose3A_338 : vector<384x128xf32> to vector<1x384x128xf32>
    tpu.vector_store %arg2[%swap3A_339, %swap3A_340, %swap3A_341], %swap3A_344 {strides = array<i32>} : memref<32x384x128xf32, #tpu.memory_space<vmem>>, vector<1x384x128xf32>,
    %get3A_345 = arith.constant 0 : index
    %get3A_346 = arith.constant 29 : index
    %get3A_347 = arith.constant 0 : index
    %get3A_348 = vector.load %arg1[%get3A_345, %get3A_346, %get3A_347] : memref<128x32x384xf32, #tpu.memory_space<vmem>>, vector<128x1x384xf32>
    %get3A_349 = vector.shape_cast %get3A_348 : vector<128x1x384xf32> to vector<128x384xf32>
    %transpose3A_350 = tpu.transpose %get3A_349, [1, 0] : vector<128x384xf32> -> vector<384x128xf32>
    %swap3A_351 = arith.constant 29 : index
    %swap3A_352 = arith.constant 0 : index
    %swap3A_353 = arith.constant 0 : index
    %swap3A_354 = vector.load %arg2[%swap3A_351, %swap3A_352, %swap3A_353] : memref<32x384x128xf32, #tpu.memory_space<vmem>>, vector<1x384x128xf32>
    %swap3A_355 = vector.shape_cast %swap3A_354 : vector<1x384x128xf32> to vector<384x128xf32>
    %swap3A_356 = vector.shape_cast %transpose3A_350 : vector<384x128xf32> to vector<1x384x128xf32>
    tpu.vector_store %arg2[%swap3A_351, %swap3A_352, %swap3A_353], %swap3A_356 {strides = array<i32>} : memref<32x384x128xf32, #tpu.memory_space<vmem>>, vector<1x384x128xf32>,
    %get3A_357 = arith.constant 0 : index
    %get3A_358 = arith.constant 30 : index
    %get3A_359 = arith.constant 0 : index
    %get3A_360 = vector.load %arg1[%get3A_357, %get3A_358, %get3A_359] : memref<128x32x384xf32, #tpu.memory_space<vmem>>, vector<128x1x384xf32>
    %get3A_361 = vector.shape_cast %get3A_360 : vector<128x1x384xf32> to vector<128x384xf32>
    %transpose3A_362 = tpu.transpose %get3A_361, [1, 0] : vector<128x384xf32> -> vector<384x128xf32>
    %swap3A_363 = arith.constant 30 : index
    %swap3A_364 = arith.constant 0 : index
    %swap3A_365 = arith.constant 0 : index
    %swap3A_366 = vector.load %arg2[%swap3A_363, %swap3A_364, %swap3A_365] : memref<32x384x128xf32, #tpu.memory_space<vmem>>, vector<1x384x128xf32>
    %swap3A_367 = vector.shape_cast %swap3A_366 : vector<1x384x128xf32> to vector<384x128xf32>
    %swap3A_368 = vector.shape_cast %transpose3A_362 : vector<384x128xf32> to vector<1x384x128xf32>
    tpu.vector_store %arg2[%swap3A_363, %swap3A_364, %swap3A_365], %swap3A_368 {strides = array<i32>} : memref<32x384x128xf32, #tpu.memory_space<vmem>>, vector<1x384x128xf32>,
    %get3A_369 = arith.constant 0 : index
    %get3A_370 = arith.constant 31 : index
    %get3A_371 = arith.constant 0 : index
    %get3A_372 = vector.load %arg1[%get3A_369, %get3A_370, %get3A_371] : memref<128x32x384xf32, #tpu.memory_space<vmem>>, vector<128x1x384xf32>
    %get3A_373 = vector.shape_cast %get3A_372 : vector<128x1x384xf32> to vector<128x384xf32>
    %transpose3A_374 = tpu.transpose %get3A_373, [1, 0] : vector<128x384xf32> -> vector<384x128xf32>
    %swap3A_375 = arith.constant 31 : index
    %swap3A_376 = arith.constant 0 : index
    %swap3A_377 = arith.constant 0 : index
    %swap3A_378 = vector.load %arg2[%swap3A_375, %swap3A_376, %swap3A_377] : memref<32x384x128xf32, #tpu.memory_space<vmem>>, vector<1x384x128xf32>
    %swap3A_379 = vector.shape_cast %swap3A_378 : vector<1x384x128xf32> to vector<384x128xf32>
    %swap3A_380 = vector.shape_cast %transpose3A_374 : vector<384x128xf32> to vector<1x384x128xf32>
    tpu.vector_store %arg2[%swap3A_375, %swap3A_376, %swap3A_377], %swap3A_380 {strides = array<i32>} : memref<32x384x128xf32, #tpu.memory_space<vmem>>, vector<1x384x128xf32>,
    return
  }
  func.func @transform_0(%arg0: i32) -> (i32, i32, i32) {
    %c0_i32 = arith.constant 0 : i32
    %c0_i32_0 = arith.constant 0 : i32
    %c0_i32_1 = arith.constant 0 : i32
    return %c0_i32, %arg0, %c0_i32_0 : i32, i32, i32
  }
  func.func @transform_1(%arg0: i32) -> (i32, i32, i32) {
    %c0_i32 = arith.constant 0 : i32
    %c0_i32_0 = arith.constant 0 : i32
    %c0_i32_1 = arith.constant 0 : i32
    return %arg0, %c0_i32, %c0_i32_0 : i32, i32, i32
  }
}

module attributes {stable_mosaic.version = 14 : i64} {
  func.func @_main_body(%arg0: i32, %arg1: memref<4x6400xf32, #tpu.memory_space<vmem>>, %arg2: memref<6400x128xf32, #tpu.memory_space<vmem>>, %arg3: memref<4x64xf32, #tpu.memory_space<vmem>>, %arg4: memref<64x128xbf16, #tpu.memory_space<vmem>>, %arg5: memref<1x128xf32, #tpu.memory_space<vmem>>, %arg6: memref<128x128xf32, #tpu.memory_space<vmem>>, %arg7: memref<1x128xf32, #tpu.memory_space<vmem>>, %arg8: memref<1x128xf32, #tpu.memory_space<vmem>>, %arg9: memref<1x128xf32, #tpu.memory_space<vmem>>, %arg10: memref<200x128xf32, #tpu.memory_space<vmem>>, %arg11: memref<2x128xf32, #tpu.memory_space<vmem>>, %arg12: memref<2x128xf32, #tpu.memory_space<vmem>>) attributes {dimension_semantics = [#tpu.dimension_semantics<arbitrary>], iteration_bounds = array<i64: 25>, scalar_prefetch = 0 : i64, scratch_operands = 1 : i64, tpu.core_type = #tpu.core_type<tc>, window_params = [{transform_indices = @transform_0, window_bounds = array<i64: 4, 6400>}, {transform_indices = @transform_1, window_bounds = array<i64: 6400, 128>}, {pipeline_mode = #tpu.pipeline_mode<synchronous>, transform_indices = @transform_2, window_bounds = array<i64: 4, 64>}, {pipeline_mode = #tpu.pipeline_mode<synchronous>, transform_indices = @transform_3, window_bounds = array<i64: 64, 128>}, {pipeline_mode = #tpu.pipeline_mode<synchronous>, transform_indices = @transform_4, window_bounds = array<i64: 1, 128>}, {pipeline_mode = #tpu.pipeline_mode<synchronous>, transform_indices = @transform_5, window_bounds = array<i64: 128, 128>}, {pipeline_mode = #tpu.pipeline_mode<synchronous>, transform_indices = @transform_6, window_bounds = array<i64: 1, 128>}, {pipeline_mode = #tpu.pipeline_mode<synchronous>, transform_indices = @transform_7, window_bounds = array<i64: 1, 128>}, {pipeline_mode = #tpu.pipeline_mode<synchronous>, transform_indices = @transform_8, window_bounds = array<i64: 1, 128>}, {transform_indices = @transform_9, window_bounds = array<i64: 200, 128>}, {pipeline_mode = #tpu.pipeline_mode<synchronous>, transform_indices = @transform_10, window_bounds = array<i64: 2, 128>}]} {
    %get3A = arith.constant 0 : index
    %get3A_0 = arith.constant 0 : index
    %get3A_1 = vector.load %arg1[%get3A, %get3A_0] : memref<4x6400xf32, #tpu.memory_space<vmem>>, vector<4x6400xf32>
    %get3A_2 = arith.constant 0 : index
    %get3A_3 = arith.constant 0 : index
    %get3A_4 = vector.load %arg3[%get3A_2, %get3A_3] : memref<4x64xf32, #tpu.memory_space<vmem>>, vector<4x64xf32>
    %dot_general3A = arith.constant dense<0.000000e+00> : vector<6400x64xf32>
    %dot_general3A_5 = tpu.matmul %get3A_1, %get3A_4, %dot_general3A {dimension_numbers = #tpu.dot_dimension_numbers<[0], [0], [1], [1], [0, 1, 1, 1], [], []>, transpose_lhs_hint = false} : vector<4x6400xf32>, vector<4x64xf32>, vector<6400x64xf32> -> vector<6400x64xf32>
    %max3A = arith.constant 0.000000e+00 : f32
    %max3A_6 = vector.broadcast %max3A : f32 to vector<6400x64xf32>
    %max3A_7 = arith.maximumf %dot_general3A_5, %max3A_6 : vector<6400x64xf32>
    %convert_element_type3A = arith.truncf %max3A_7 : vector<6400x64xf32> to vector<6400x64xbf16>
    %get3A_8 = arith.constant 0 : index
    %get3A_9 = arith.constant 0 : index
    %get3A_10 = vector.load %arg4[%get3A_8, %get3A_9] : memref<64x128xbf16, #tpu.memory_space<vmem>>, vector<64x128xbf16>
    %dot_general3A_11 = arith.constant dense<0.000000e+00> : vector<6400x128xf32>
    %dot_general3A_12 = tpu.matmul %convert_element_type3A, %get3A_10, %dot_general3A_11 {dimension_numbers = #tpu.dot_dimension_numbers<[1], [0], [0], [1], [0, 0, 1, 1], [], []>, transpose_lhs_hint = false} : vector<6400x64xbf16>, vector<64x128xbf16>, vector<6400x128xf32> -> vector<6400x128xf32>
    %get3A_13 = arith.constant 0 : index
    %get3A_14 = arith.constant 0 : index
    %get3A_15 = vector.load %arg5[%get3A_13, %get3A_14] : memref<1x128xf32, #tpu.memory_space<vmem>>, vector<1x128xf32>
    %add3A = vector.broadcast %get3A_15 : vector<1x128xf32> to vector<6400x128xf32>
    %add3A_16 = arith.addf %dot_general3A_12, %add3A : vector<6400x128xf32>
    %max3A_17 = arith.constant 0.000000e+00 : f32
    %max3A_18 = vector.broadcast %max3A_17 : f32 to vector<6400x128xf32>
    %max3A_19 = arith.maximumf %add3A_16, %max3A_18 : vector<6400x128xf32>
    %get3A_20 = arith.constant 0 : index
    %get3A_21 = arith.constant 0 : index
    %get3A_22 = vector.load %arg2[%get3A_20, %get3A_21] : memref<6400x128xf32, #tpu.memory_space<vmem>>, vector<6400x128xf32>
    %mul3A = arith.mulf %max3A_19, %get3A_22 : vector<6400x128xf32>
    %reshape3A = vector.shape_cast %mul3A : vector<6400x128xf32> to vector<200x32x128xf32>
    %reduce_sum3A = arith.constant dense<0.000000e+00> : vector<200x128xf32>
    %reduce_sum3A_23 = vector.multi_reduction <add>, %reshape3A, %reduce_sum3A [1] : vector<200x32x128xf32> to vector<200x128xf32>
    %get3A_24 = arith.constant 0 : index
    %get3A_25 = arith.constant 0 : index
    %get3A_26 = vector.load %arg6[%get3A_24, %get3A_25] : memref<128x128xf32, #tpu.memory_space<vmem>>, vector<128x128xf32>
    %dot_general3A_27 = arith.constant dense<0.000000e+00> : vector<200x128xf32>
    %dot_general3A_28 = tpu.matmul %reduce_sum3A_23, %get3A_26, %dot_general3A_27 {dimension_numbers = #tpu.dot_dimension_numbers<[1], [0], [0], [1], [0, 0, 1, 1], [], []>, transpose_lhs_hint = false} : vector<200x128xf32>, vector<128x128xf32>, vector<200x128xf32> -> vector<200x128xf32>
    %get3A_29 = arith.constant 0 : index
    %get3A_30 = arith.constant 0 : index
    %get3A_31 = vector.load %arg7[%get3A_29, %get3A_30] : memref<1x128xf32, #tpu.memory_space<vmem>>, vector<1x128xf32>
    %add3A_32 = vector.broadcast %get3A_31 : vector<1x128xf32> to vector<200x128xf32>
    %add3A_33 = arith.addf %dot_general3A_28, %add3A_32 : vector<200x128xf32>
    %eq3A = arith.constant 0 : i32
    %eq3A_34 = arith.cmpi eq, %arg0, %eq3A : i32
    %convert_element_type3A_35 = arith.extui %eq3A_34 : i1 to i32
    %cond3A = arith.constant 0 : i32
    %cond3A_36 = arith.cmpi ne, %convert_element_type3A_35, %cond3A : i32
    scf.if %cond3A_36 {
      %broadcast_in_dim3A_64 = arith.constant 0.000000e+00 : f32
      %broadcast_in_dim3A_65 = vector.broadcast %broadcast_in_dim3A_64 : f32 to vector<2x128xf32>
      %swap3A_66 = arith.constant 0 : index
      %swap3A_67 = arith.constant 0 : index
      %swap3A_68 = vector.load %arg12[%swap3A_66, %swap3A_67] : memref<2x128xf32, #tpu.memory_space<vmem>>, vector<2x128xf32>
      tpu.vector_store %arg12[%swap3A_66, %swap3A_67], %broadcast_in_dim3A_65 {strides = array<i32>} : memref<2x128xf32, #tpu.memory_space<vmem>>, vector<2x128xf32>,
    } else {
    }
    %get3A_37 = arith.constant 0 : index
    %get3A_38 = arith.constant 0 : index
    %get3A_39 = vector.load %arg12[%get3A_37, %get3A_38] : memref<2x128xf32, #tpu.memory_space<vmem>>, vector<1x128xf32>
    %reduce_sum3A_40 = arith.constant dense<0.000000e+00> : vector<128xf32>
    %reduce_sum3A_41 = vector.multi_reduction <add>, %add3A_33, %reduce_sum3A_40 [0] : vector<200x128xf32> to vector<128xf32>
    %broadcast_in_dim3A = vector.shape_cast %reduce_sum3A_41 : vector<128xf32> to vector<1x128xf32>
    %add3A_42 = arith.addf %get3A_39, %broadcast_in_dim3A : vector<1x128xf32>
    %swap3A = arith.constant 0 : index
    %swap3A_43 = arith.constant 0 : index
    %swap3A_44 = vector.load %arg12[%swap3A, %swap3A_43] : memref<2x128xf32, #tpu.memory_space<vmem>>, vector<1x128xf32>
    tpu.vector_store %arg12[%swap3A, %swap3A_43], %add3A_42 {strides = array<i32>} : memref<2x128xf32, #tpu.memory_space<vmem>>, vector<1x128xf32>,
    %get3A_45 = arith.constant 1 : index
    %get3A_46 = arith.constant 0 : index
    %get3A_47 = vector.load %arg12[%get3A_45, %get3A_46] : memref<2x128xf32, #tpu.memory_space<vmem>>, vector<1x128xf32>
    %mul3A_48 = arith.mulf %add3A_33, %add3A_33 : vector<200x128xf32>
    %reduce_sum3A_49 = arith.constant dense<0.000000e+00> : vector<128xf32>
    %reduce_sum3A_50 = vector.multi_reduction <add>, %mul3A_48, %reduce_sum3A_49 [0] : vector<200x128xf32> to vector<128xf32>
    %broadcast_in_dim3A_51 = vector.shape_cast %reduce_sum3A_50 : vector<128xf32> to vector<1x128xf32>
    %add3A_52 = arith.addf %get3A_47, %broadcast_in_dim3A_51 : vector<1x128xf32>
    %swap3A_53 = arith.constant 1 : index
    %swap3A_54 = arith.constant 0 : index
    %swap3A_55 = vector.load %arg12[%swap3A_53, %swap3A_54] : memref<2x128xf32, #tpu.memory_space<vmem>>, vector<1x128xf32>
    tpu.vector_store %arg12[%swap3A_53, %swap3A_54], %add3A_52 {strides = array<i32>} : memref<2x128xf32, #tpu.memory_space<vmem>>, vector<1x128xf32>,
    %swap3A_56 = arith.constant 0 : index
    %swap3A_57 = arith.constant 0 : index
    %swap3A_58 = vector.load %arg10[%swap3A_56, %swap3A_57] : memref<200x128xf32, #tpu.memory_space<vmem>>, vector<200x128xf32>
    tpu.vector_store %arg10[%swap3A_56, %swap3A_57], %add3A_33 {strides = array<i32>} : memref<200x128xf32, #tpu.memory_space<vmem>>, vector<200x128xf32>,
    %eq3A_59 = arith.constant 24 : i32
    %eq3A_60 = arith.cmpi eq, %arg0, %eq3A_59 : i32
    %convert_element_type3A_61 = arith.extui %eq3A_60 : i1 to i32
    %cond3A_62 = arith.constant 0 : i32
    %cond3A_63 = arith.cmpi ne, %convert_element_type3A_61, %cond3A_62 : i32
    scf.if %cond3A_63 {
      %get3A_64 = arith.constant 0 : index
      %get3A_65 = arith.constant 0 : index
      %get3A_66 = vector.load %arg12[%get3A_64, %get3A_65] : memref<2x128xf32, #tpu.memory_space<vmem>>, vector<2x128xf32>
      %swap3A_67 = arith.constant 0 : index
      %swap3A_68 = arith.constant 0 : index
      %swap3A_69 = vector.load %arg11[%swap3A_67, %swap3A_68] : memref<2x128xf32, #tpu.memory_space<vmem>>, vector<2x128xf32>
      tpu.vector_store %arg11[%swap3A_67, %swap3A_68], %get3A_66 {strides = array<i32>} : memref<2x128xf32, #tpu.memory_space<vmem>>, vector<2x128xf32>,
    } else {
    }
    return
  }
  func.func @transform_0(%arg0: i32) -> (i32, i32) {
    %add3A = arith.constant 0 : i32
    %add3A_0 = arith.addi %arg0, %add3A : i32
    %c0_i32 = arith.constant 0 : i32
    %c0_i32_1 = arith.constant 0 : i32
    return %c0_i32, %add3A_0 : i32, i32
  }
  func.func @transform_1(%arg0: i32) -> (i32, i32) {
    %c0_i32 = arith.constant 0 : i32
    %c0_i32_0 = arith.constant 0 : i32
    return %arg0, %c0_i32 : i32, i32
  }
  func.func @transform_2(%arg0: i32) -> (i32, i32) {
    %c0_i32 = arith.constant 0 : i32
    %c0_i32_0 = arith.constant 0 : i32
    %c0_i32_1 = arith.constant 0 : i32
    return %c0_i32, %c0_i32_0 : i32, i32
  }
  func.func @transform_3(%arg0: i32) -> (i32, i32) {
    %c0_i32 = arith.constant 0 : i32
    %c0_i32_0 = arith.constant 0 : i32
    %c0_i32_1 = arith.constant 0 : i32
    return %c0_i32, %c0_i32_0 : i32, i32
  }
  func.func @transform_4(%arg0: i32) -> (i32, i32) {
    %c0_i32 = arith.constant 0 : i32
    %c0_i32_0 = arith.constant 0 : i32
    %c0_i32_1 = arith.constant 0 : i32
    return %c0_i32, %c0_i32_0 : i32, i32
  }
  func.func @transform_5(%arg0: i32) -> (i32, i32) {
    %c0_i32 = arith.constant 0 : i32
    %c0_i32_0 = arith.constant 0 : i32
    %c0_i32_1 = arith.constant 0 : i32
    return %c0_i32, %c0_i32_0 : i32, i32
  }
  func.func @transform_6(%arg0: i32) -> (i32, i32) {
    %c0_i32 = arith.constant 0 : i32
    %c0_i32_0 = arith.constant 0 : i32
    %c0_i32_1 = arith.constant 0 : i32
    return %c0_i32, %c0_i32_0 : i32, i32
  }
  func.func @transform_7(%arg0: i32) -> (i32, i32) {
    %c0_i32 = arith.constant 0 : i32
    %c0_i32_0 = arith.constant 0 : i32
    %c0_i32_1 = arith.constant 0 : i32
    return %c0_i32, %c0_i32_0 : i32, i32
  }
  func.func @transform_8(%arg0: i32) -> (i32, i32) {
    %c0_i32 = arith.constant 0 : i32
    %c0_i32_0 = arith.constant 0 : i32
    %c0_i32_1 = arith.constant 0 : i32
    return %c0_i32, %c0_i32_0 : i32, i32
  }
  func.func @transform_9(%arg0: i32) -> (i32, i32) {
    %c0_i32 = arith.constant 0 : i32
    %c0_i32_0 = arith.constant 0 : i32
    return %arg0, %c0_i32 : i32, i32
  }
  func.func @transform_10(%arg0: i32) -> (i32, i32) {
    %c0_i32 = arith.constant 0 : i32
    %c0_i32_0 = arith.constant 0 : i32
    %c0_i32_1 = arith.constant 0 : i32
    return %c0_i32, %c0_i32_0 : i32, i32
  }
}

module attributes {stable_mosaic.version = 14 : i64} {
  func.func @_main_body(%arg0: i32, %arg1: memref<4x6400xf32, #tpu.memory_space<vmem>>, %arg2: memref<6400x128xf32, #tpu.memory_space<vmem>>, %arg3: memref<4x64xf32, #tpu.memory_space<vmem>>, %arg4: memref<64x128xbf16, #tpu.memory_space<vmem>>, %arg5: memref<1x128xf32, #tpu.memory_space<vmem>>, %arg6: memref<128x128xf32, #tpu.memory_space<vmem>>, %arg7: memref<1x128xf32, #tpu.memory_space<vmem>>, %arg8: memref<1x128xf32, #tpu.memory_space<vmem>>, %arg9: memref<1x128xf32, #tpu.memory_space<vmem>>, %arg10: memref<200x128xf32, #tpu.memory_space<vmem>>, %arg11: memref<2x128xf32, #tpu.memory_space<vmem>>, %arg12: memref<2x128xf32, #tpu.memory_space<vmem>>) attributes {dimension_semantics = [#tpu.dimension_semantics<arbitrary>], iteration_bounds = array<i64: 25>, scalar_prefetch = 0 : i64, scratch_operands = 1 : i64, tpu.core_type = #tpu.core_type<tc>, window_params = [{transform_indices = @transform_0, window_bounds = array<i64: 4, 6400>}, {transform_indices = @transform_1, window_bounds = array<i64: 6400, 128>}, {pipeline_mode = #tpu.pipeline_mode<synchronous>, transform_indices = @transform_2, window_bounds = array<i64: 4, 64>}, {pipeline_mode = #tpu.pipeline_mode<synchronous>, transform_indices = @transform_3, window_bounds = array<i64: 64, 128>}, {pipeline_mode = #tpu.pipeline_mode<synchronous>, transform_indices = @transform_4, window_bounds = array<i64: 1, 128>}, {pipeline_mode = #tpu.pipeline_mode<synchronous>, transform_indices = @transform_5, window_bounds = array<i64: 128, 128>}, {pipeline_mode = #tpu.pipeline_mode<synchronous>, transform_indices = @transform_6, window_bounds = array<i64: 1, 128>}, {pipeline_mode = #tpu.pipeline_mode<synchronous>, transform_indices = @transform_7, window_bounds = array<i64: 1, 128>}, {pipeline_mode = #tpu.pipeline_mode<synchronous>, transform_indices = @transform_8, window_bounds = array<i64: 1, 128>}, {transform_indices = @transform_9, window_bounds = array<i64: 200, 128>}, {pipeline_mode = #tpu.pipeline_mode<synchronous>, transform_indices = @transform_10, window_bounds = array<i64: 2, 128>}]} {
    %get3A = arith.constant 0 : index
    %get3A_0 = arith.constant 0 : index
    %get3A_1 = vector.load %arg1[%get3A, %get3A_0] : memref<4x6400xf32, #tpu.memory_space<vmem>>, vector<4x6400xf32>
    %get3A_2 = arith.constant 0 : index
    %get3A_3 = arith.constant 0 : index
    %get3A_4 = vector.load %arg3[%get3A_2, %get3A_3] : memref<4x64xf32, #tpu.memory_space<vmem>>, vector<4x64xf32>
    %dot_general3A = arith.constant dense<0.000000e+00> : vector<6400x64xf32>
    %dot_general3A_5 = tpu.matmul %get3A_1, %get3A_4, %dot_general3A {dimension_numbers = #tpu.dot_dimension_numbers<[0], [0], [1], [1], [0, 1, 1, 1], [], []>, transpose_lhs_hint = false} : vector<4x6400xf32>, vector<4x64xf32>, vector<6400x64xf32> -> vector<6400x64xf32>
    %max3A = arith.constant 0.000000e+00 : f32
    %max3A_6 = vector.broadcast %max3A : f32 to vector<6400x64xf32>
    %max3A_7 = arith.maximumf %dot_general3A_5, %max3A_6 : vector<6400x64xf32>
    %convert_element_type3A = arith.truncf %max3A_7 : vector<6400x64xf32> to vector<6400x64xbf16>
    %get3A_8 = arith.constant 0 : index
    %get3A_9 = arith.constant 0 : index
    %get3A_10 = vector.load %arg4[%get3A_8, %get3A_9] : memref<64x128xbf16, #tpu.memory_space<vmem>>, vector<64x128xbf16>
    %dot_general3A_11 = arith.constant dense<0.000000e+00> : vector<6400x128xf32>
    %dot_general3A_12 = tpu.matmul %convert_element_type3A, %get3A_10, %dot_general3A_11 {dimension_numbers = #tpu.dot_dimension_numbers<[1], [0], [0], [1], [0, 0, 1, 1], [], []>, transpose_lhs_hint = false} : vector<6400x64xbf16>, vector<64x128xbf16>, vector<6400x128xf32> -> vector<6400x128xf32>
    %get3A_13 = arith.constant 0 : index
    %get3A_14 = arith.constant 0 : index
    %get3A_15 = vector.load %arg5[%get3A_13, %get3A_14] : memref<1x128xf32, #tpu.memory_space<vmem>>, vector<1x128xf32>
    %add3A = vector.broadcast %get3A_15 : vector<1x128xf32> to vector<6400x128xf32>
    %add3A_16 = arith.addf %dot_general3A_12, %add3A : vector<6400x128xf32>
    %max3A_17 = arith.constant 0.000000e+00 : f32
    %max3A_18 = vector.broadcast %max3A_17 : f32 to vector<6400x128xf32>
    %max3A_19 = arith.maximumf %add3A_16, %max3A_18 : vector<6400x128xf32>
    %get3A_20 = arith.constant 0 : index
    %get3A_21 = arith.constant 0 : index
    %get3A_22 = vector.load %arg2[%get3A_20, %get3A_21] : memref<6400x128xf32, #tpu.memory_space<vmem>>, vector<6400x128xf32>
    %mul3A = arith.mulf %max3A_19, %get3A_22 : vector<6400x128xf32>
    %reshape3A = vector.shape_cast %mul3A : vector<6400x128xf32> to vector<200x32x128xf32>
    %reduce_sum3A = arith.constant dense<0.000000e+00> : vector<200x128xf32>
    %reduce_sum3A_23 = vector.multi_reduction <add>, %reshape3A, %reduce_sum3A [1] : vector<200x32x128xf32> to vector<200x128xf32>
    %get3A_24 = arith.constant 0 : index
    %get3A_25 = arith.constant 0 : index
    %get3A_26 = vector.load %arg6[%get3A_24, %get3A_25] : memref<128x128xf32, #tpu.memory_space<vmem>>, vector<128x128xf32>
    %dot_general3A_27 = arith.constant dense<0.000000e+00> : vector<200x128xf32>
    %dot_general3A_28 = tpu.matmul %reduce_sum3A_23, %get3A_26, %dot_general3A_27 {dimension_numbers = #tpu.dot_dimension_numbers<[1], [0], [0], [1], [0, 0, 1, 1], [], []>, transpose_lhs_hint = false} : vector<200x128xf32>, vector<128x128xf32>, vector<200x128xf32> -> vector<200x128xf32>
    %get3A_29 = arith.constant 0 : index
    %get3A_30 = arith.constant 0 : index
    %get3A_31 = vector.load %arg7[%get3A_29, %get3A_30] : memref<1x128xf32, #tpu.memory_space<vmem>>, vector<1x128xf32>
    %add3A_32 = vector.broadcast %get3A_31 : vector<1x128xf32> to vector<200x128xf32>
    %add3A_33 = arith.addf %dot_general3A_28, %add3A_32 : vector<200x128xf32>
    %eq3A = arith.constant 0 : i32
    %eq3A_34 = arith.cmpi eq, %arg0, %eq3A : i32
    %convert_element_type3A_35 = arith.extui %eq3A_34 : i1 to i32
    %cond3A = arith.constant 0 : i32
    %cond3A_36 = arith.cmpi ne, %convert_element_type3A_35, %cond3A : i32
    scf.if %cond3A_36 {
      %broadcast_in_dim3A_64 = arith.constant 0.000000e+00 : f32
      %broadcast_in_dim3A_65 = vector.broadcast %broadcast_in_dim3A_64 : f32 to vector<2x128xf32>
      %swap3A_66 = arith.constant 0 : index
      %swap3A_67 = arith.constant 0 : index
      %swap3A_68 = vector.load %arg12[%swap3A_66, %swap3A_67] : memref<2x128xf32, #tpu.memory_space<vmem>>, vector<2x128xf32>
      tpu.vector_store %arg12[%swap3A_66, %swap3A_67], %broadcast_in_dim3A_65 {strides = array<i32>} : memref<2x128xf32, #tpu.memory_space<vmem>>, vector<2x128xf32>,
    } else {
    }
    %get3A_37 = arith.constant 0 : index
    %get3A_38 = arith.constant 0 : index
    %get3A_39 = vector.load %arg12[%get3A_37, %get3A_38] : memref<2x128xf32, #tpu.memory_space<vmem>>, vector<1x128xf32>
    %reduce_sum3A_40 = arith.constant dense<0.000000e+00> : vector<128xf32>
    %reduce_sum3A_41 = vector.multi_reduction <add>, %add3A_33, %reduce_sum3A_40 [0] : vector<200x128xf32> to vector<128xf32>
    %broadcast_in_dim3A = vector.shape_cast %reduce_sum3A_41 : vector<128xf32> to vector<1x128xf32>
    %add3A_42 = arith.addf %get3A_39, %broadcast_in_dim3A : vector<1x128xf32>
    %swap3A = arith.constant 0 : index
    %swap3A_43 = arith.constant 0 : index
    %swap3A_44 = vector.load %arg12[%swap3A, %swap3A_43] : memref<2x128xf32, #tpu.memory_space<vmem>>, vector<1x128xf32>
    tpu.vector_store %arg12[%swap3A, %swap3A_43], %add3A_42 {strides = array<i32>} : memref<2x128xf32, #tpu.memory_space<vmem>>, vector<1x128xf32>,
    %get3A_45 = arith.constant 1 : index
    %get3A_46 = arith.constant 0 : index
    %get3A_47 = vector.load %arg12[%get3A_45, %get3A_46] : memref<2x128xf32, #tpu.memory_space<vmem>>, vector<1x128xf32>
    %mul3A_48 = arith.mulf %add3A_33, %add3A_33 : vector<200x128xf32>
    %reduce_sum3A_49 = arith.constant dense<0.000000e+00> : vector<128xf32>
    %reduce_sum3A_50 = vector.multi_reduction <add>, %mul3A_48, %reduce_sum3A_49 [0] : vector<200x128xf32> to vector<128xf32>
    %broadcast_in_dim3A_51 = vector.shape_cast %reduce_sum3A_50 : vector<128xf32> to vector<1x128xf32>
    %add3A_52 = arith.addf %get3A_47, %broadcast_in_dim3A_51 : vector<1x128xf32>
    %swap3A_53 = arith.constant 1 : index
    %swap3A_54 = arith.constant 0 : index
    %swap3A_55 = vector.load %arg12[%swap3A_53, %swap3A_54] : memref<2x128xf32, #tpu.memory_space<vmem>>, vector<1x128xf32>
    tpu.vector_store %arg12[%swap3A_53, %swap3A_54], %add3A_52 {strides = array<i32>} : memref<2x128xf32, #tpu.memory_space<vmem>>, vector<1x128xf32>,
    %swap3A_56 = arith.constant 0 : index
    %swap3A_57 = arith.constant 0 : index
    %swap3A_58 = vector.load %arg10[%swap3A_56, %swap3A_57] : memref<200x128xf32, #tpu.memory_space<vmem>>, vector<200x128xf32>
    tpu.vector_store %arg10[%swap3A_56, %swap3A_57], %add3A_33 {strides = array<i32>} : memref<200x128xf32, #tpu.memory_space<vmem>>, vector<200x128xf32>,
    %eq3A_59 = arith.constant 24 : i32
    %eq3A_60 = arith.cmpi eq, %arg0, %eq3A_59 : i32
    %convert_element_type3A_61 = arith.extui %eq3A_60 : i1 to i32
    %cond3A_62 = arith.constant 0 : i32
    %cond3A_63 = arith.cmpi ne, %convert_element_type3A_61, %cond3A_62 : i32
    scf.if %cond3A_63 {
      %get3A_64 = arith.constant 0 : index
      %get3A_65 = arith.constant 0 : index
      %get3A_66 = vector.load %arg12[%get3A_64, %get3A_65] : memref<2x128xf32, #tpu.memory_space<vmem>>, vector<2x128xf32>
      %swap3A_67 = arith.constant 0 : index
      %swap3A_68 = arith.constant 0 : index
      %swap3A_69 = vector.load %arg11[%swap3A_67, %swap3A_68] : memref<2x128xf32, #tpu.memory_space<vmem>>, vector<2x128xf32>
      tpu.vector_store %arg11[%swap3A_67, %swap3A_68], %get3A_66 {strides = array<i32>} : memref<2x128xf32, #tpu.memory_space<vmem>>, vector<2x128xf32>,
    } else {
    }
    return
  }
  func.func @transform_0(%arg0: i32) -> (i32, i32) {
    %add3A = arith.constant 25 : i32
    %add3A_0 = arith.addi %arg0, %add3A : i32
    %c0_i32 = arith.constant 0 : i32
    %c0_i32_1 = arith.constant 0 : i32
    return %c0_i32, %add3A_0 : i32, i32
  }
  func.func @transform_1(%arg0: i32) -> (i32, i32) {
    %c0_i32 = arith.constant 0 : i32
    %c0_i32_0 = arith.constant 0 : i32
    return %arg0, %c0_i32 : i32, i32
  }
  func.func @transform_2(%arg0: i32) -> (i32, i32) {
    %c0_i32 = arith.constant 0 : i32
    %c0_i32_0 = arith.constant 0 : i32
    %c0_i32_1 = arith.constant 0 : i32
    return %c0_i32, %c0_i32_0 : i32, i32
  }
  func.func @transform_3(%arg0: i32) -> (i32, i32) {
    %c0_i32 = arith.constant 0 : i32
    %c0_i32_0 = arith.constant 0 : i32
    %c0_i32_1 = arith.constant 0 : i32
    return %c0_i32, %c0_i32_0 : i32, i32
  }
  func.func @transform_4(%arg0: i32) -> (i32, i32) {
    %c0_i32 = arith.constant 0 : i32
    %c0_i32_0 = arith.constant 0 : i32
    %c0_i32_1 = arith.constant 0 : i32
    return %c0_i32, %c0_i32_0 : i32, i32
  }
  func.func @transform_5(%arg0: i32) -> (i32, i32) {
    %c0_i32 = arith.constant 0 : i32
    %c0_i32_0 = arith.constant 0 : i32
    %c0_i32_1 = arith.constant 0 : i32
    return %c0_i32, %c0_i32_0 : i32, i32
  }
  func.func @transform_6(%arg0: i32) -> (i32, i32) {
    %c0_i32 = arith.constant 0 : i32
    %c0_i32_0 = arith.constant 0 : i32
    %c0_i32_1 = arith.constant 0 : i32
    return %c0_i32, %c0_i32_0 : i32, i32
  }
  func.func @transform_7(%arg0: i32) -> (i32, i32) {
    %c0_i32 = arith.constant 0 : i32
    %c0_i32_0 = arith.constant 0 : i32
    %c0_i32_1 = arith.constant 0 : i32
    return %c0_i32, %c0_i32_0 : i32, i32
  }
  func.func @transform_8(%arg0: i32) -> (i32, i32) {
    %c0_i32 = arith.constant 0 : i32
    %c0_i32_0 = arith.constant 0 : i32
    %c0_i32_1 = arith.constant 0 : i32
    return %c0_i32, %c0_i32_0 : i32, i32
  }
  func.func @transform_9(%arg0: i32) -> (i32, i32) {
    %c0_i32 = arith.constant 0 : i32
    %c0_i32_0 = arith.constant 0 : i32
    return %arg0, %c0_i32 : i32, i32
  }
  func.func @transform_10(%arg0: i32) -> (i32, i32) {
    %c0_i32 = arith.constant 0 : i32
    %c0_i32_0 = arith.constant 0 : i32
    %c0_i32_1 = arith.constant 0 : i32
    return %c0_i32, %c0_i32_0 : i32, i32
  }
}

module attributes {stable_mosaic.version = 14 : i64} {
  func.func @_aff_body(%arg0: i32, %arg1: memref<5000x128xf32, #tpu.memory_space<vmem>>, %arg2: memref<5000x128xf32, #tpu.memory_space<vmem>>, %arg3: memref<2x128xf32, #tpu.memory_space<vmem>>, %arg4: memref<2x128xf32, #tpu.memory_space<vmem>>, %arg5: memref<1x128xf32, #tpu.memory_space<vmem>>, %arg6: memref<1x128xf32, #tpu.memory_space<vmem>>, %arg7: memref<10000x128xf32, #tpu.memory_space<vmem>>) attributes {dimension_semantics = [#tpu.dimension_semantics<arbitrary>], iteration_bounds = array<i64: 1>, scalar_prefetch = 0 : i64, scratch_operands = 0 : i64, tpu.core_type = #tpu.core_type<tc>, window_params = [{pipeline_mode = #tpu.pipeline_mode<synchronous>, transform_indices = @transform_0, window_bounds = array<i64: 5000, 128>}, {pipeline_mode = #tpu.pipeline_mode<synchronous>, transform_indices = @transform_1, window_bounds = array<i64: 5000, 128>}, {pipeline_mode = #tpu.pipeline_mode<synchronous>, transform_indices = @transform_2, window_bounds = array<i64: 2, 128>}, {pipeline_mode = #tpu.pipeline_mode<synchronous>, transform_indices = @transform_3, window_bounds = array<i64: 2, 128>}, {pipeline_mode = #tpu.pipeline_mode<synchronous>, transform_indices = @transform_4, window_bounds = array<i64: 1, 128>}, {pipeline_mode = #tpu.pipeline_mode<synchronous>, transform_indices = @transform_5, window_bounds = array<i64: 1, 128>}, {pipeline_mode = #tpu.pipeline_mode<synchronous>, transform_indices = @transform_6, window_bounds = array<i64: 10000, 128>}]} {
    %get3A = arith.constant 0 : index
    %get3A_0 = arith.constant 0 : index
    %get3A_1 = vector.load %arg3[%get3A, %get3A_0] : memref<2x128xf32, #tpu.memory_space<vmem>>, vector<2x128xf32>
    %get3A_2 = arith.constant 0 : index
    %get3A_3 = arith.constant 0 : index
    %get3A_4 = vector.load %arg4[%get3A_2, %get3A_3] : memref<2x128xf32, #tpu.memory_space<vmem>>, vector<2x128xf32>
    %add3A = arith.addf %get3A_1, %get3A_4 : vector<2x128xf32>
    %slice3A = vector.extract_strided_slice %add3A {offsets = [0, 0], sizes = [1, 128], strides = [1, 1]} : vector<2x128xf32> to vector<1x128xf32>
    %div3A = arith.constant 1.000000e+04 : f32
    %div3A_5 = vector.broadcast %div3A : f32 to vector<1x128xf32>
    %div3A_6 = arith.divf %slice3A, %div3A_5 : vector<1x128xf32>
    %slice3A_7 = vector.extract_strided_slice %add3A {offsets = [1, 0], sizes = [1, 128], strides = [1, 1]} : vector<2x128xf32> to vector<1x128xf32>
    %div3A_8 = arith.constant 1.000000e+04 : f32
    %div3A_9 = vector.broadcast %div3A_8 : f32 to vector<1x128xf32>
    %div3A_10 = arith.divf %slice3A_7, %div3A_9 : vector<1x128xf32>
    %mul3A = arith.mulf %div3A_6, %div3A_6 : vector<1x128xf32>
    %sub3A = arith.subf %div3A_10, %mul3A : vector<1x128xf32>
    %get3A_11 = arith.constant 0 : index
    %get3A_12 = arith.constant 0 : index
    %get3A_13 = vector.load %arg5[%get3A_11, %get3A_12] : memref<1x128xf32, #tpu.memory_space<vmem>>, vector<1x128xf32>
    %add3A_14 = arith.constant 9.99999974E-6 : f32
    %add3A_15 = vector.broadcast %add3A_14 : f32 to vector<1x128xf32>
    %add3A_16 = arith.addf %sub3A, %add3A_15 : vector<1x128xf32>
    %rsqrt3A = math.rsqrt %add3A_16 : vector<1x128xf32>
    %mul3A_17 = arith.mulf %get3A_13, %rsqrt3A : vector<1x128xf32>
    %get3A_18 = arith.constant 0 : index
    %get3A_19 = arith.constant 0 : index
    %get3A_20 = vector.load %arg6[%get3A_18, %get3A_19] : memref<1x128xf32, #tpu.memory_space<vmem>>, vector<1x128xf32>
    %mul3A_21 = arith.mulf %div3A_6, %mul3A_17 : vector<1x128xf32>
    %sub3A_22 = arith.subf %get3A_20, %mul3A_21 : vector<1x128xf32>
    %get3A_23 = arith.constant 0 : index
    %get3A_24 = arith.constant 0 : index
    %get3A_25 = vector.load %arg1[%get3A_23, %get3A_24] : memref<5000x128xf32, #tpu.memory_space<vmem>>, vector<5000x128xf32>
    %mul3A_26 = vector.broadcast %mul3A_17 : vector<1x128xf32> to vector<5000x128xf32>
    %mul3A_27 = arith.mulf %get3A_25, %mul3A_26 : vector<5000x128xf32>
    %add3A_28 = vector.broadcast %sub3A_22 : vector<1x128xf32> to vector<5000x128xf32>
    %add3A_29 = arith.addf %mul3A_27, %add3A_28 : vector<5000x128xf32>
    %max3A = arith.constant 0.000000e+00 : f32
    %max3A_30 = vector.broadcast %max3A : f32 to vector<5000x128xf32>
    %max3A_31 = arith.maximumf %add3A_29, %max3A_30 : vector<5000x128xf32>
    %swap3A = arith.constant 0 : index
    %swap3A_32 = arith.constant 0 : index
    %swap3A_33 = vector.load %arg7[%swap3A, %swap3A_32] : memref<10000x128xf32, #tpu.memory_space<vmem>>, vector<5000x128xf32>
    tpu.vector_store %arg7[%swap3A, %swap3A_32], %max3A_31 {strides = array<i32>} : memref<10000x128xf32, #tpu.memory_space<vmem>>, vector<5000x128xf32>,
    %get3A_34 = arith.constant 0 : index
    %get3A_35 = arith.constant 0 : index
    %get3A_36 = vector.load %arg2[%get3A_34, %get3A_35] : memref<5000x128xf32, #tpu.memory_space<vmem>>, vector<5000x128xf32>
    %mul3A_37 = vector.broadcast %mul3A_17 : vector<1x128xf32> to vector<5000x128xf32>
    %mul3A_38 = arith.mulf %get3A_36, %mul3A_37 : vector<5000x128xf32>
    %add3A_39 = vector.broadcast %sub3A_22 : vector<1x128xf32> to vector<5000x128xf32>
    %add3A_40 = arith.addf %mul3A_38, %add3A_39 : vector<5000x128xf32>
    %max3A_41 = arith.constant 0.000000e+00 : f32
    %max3A_42 = vector.broadcast %max3A_41 : f32 to vector<5000x128xf32>
    %max3A_43 = arith.maximumf %add3A_40, %max3A_42 : vector<5000x128xf32>
    %swap3A_44 = arith.constant 5000 : index
    %swap3A_45 = arith.constant 0 : index
    %swap3A_46 = vector.load %arg7[%swap3A_44, %swap3A_45] : memref<10000x128xf32, #tpu.memory_space<vmem>>, vector<5000x128xf32>
    tpu.vector_store %arg7[%swap3A_44, %swap3A_45], %max3A_43 {strides = array<i32>} : memref<10000x128xf32, #tpu.memory_space<vmem>>, vector<5000x128xf32>,
    return
  }
  func.func @transform_0(%arg0: i32) -> (i32, i32) {
    %c0_i32 = arith.constant 0 : i32
    %c0_i32_0 = arith.constant 0 : i32
    %c0_i32_1 = arith.constant 0 : i32
    return %c0_i32, %c0_i32_0 : i32, i32
  }
  func.func @transform_1(%arg0: i32) -> (i32, i32) {
    %c0_i32 = arith.constant 0 : i32
    %c0_i32_0 = arith.constant 0 : i32
    %c0_i32_1 = arith.constant 0 : i32
    return %c0_i32, %c0_i32_0 : i32, i32
  }
  func.func @transform_2(%arg0: i32) -> (i32, i32) {
    %c0_i32 = arith.constant 0 : i32
    %c0_i32_0 = arith.constant 0 : i32
    %c0_i32_1 = arith.constant 0 : i32
    return %c0_i32, %c0_i32_0 : i32, i32
  }
  func.func @transform_3(%arg0: i32) -> (i32, i32) {
    %c0_i32 = arith.constant 0 : i32
    %c0_i32_0 = arith.constant 0 : i32
    %c0_i32_1 = arith.constant 0 : i32
    return %c0_i32, %c0_i32_0 : i32, i32
  }
  func.func @transform_4(%arg0: i32) -> (i32, i32) {
    %c0_i32 = arith.constant 0 : i32
    %c0_i32_0 = arith.constant 0 : i32
    %c0_i32_1 = arith.constant 0 : i32
    return %c0_i32, %c0_i32_0 : i32, i32
  }
  func.func @transform_5(%arg0: i32) -> (i32, i32) {
    %c0_i32 = arith.constant 0 : i32
    %c0_i32_0 = arith.constant 0 : i32
    %c0_i32_1 = arith.constant 0 : i32
    return %c0_i32, %c0_i32_0 : i32, i32
  }
  func.func @transform_6(%arg0: i32) -> (i32, i32) {
    %c0_i32 = arith.constant 0 : i32
    %c0_i32_0 = arith.constant 0 : i32
    %c0_i32_1 = arith.constant 0 : i32
    return %c0_i32, %c0_i32_0 : i32, i32
  }
}

module attributes {stable_mosaic.version = 14 : i64} {
  func.func @_trE_body(%arg0: i32, %arg1: memref<12288x128xf32, #tpu.memory_space<vmem>>, %arg2: memref<128x32x384xf32, #tpu.memory_space<vmem>>) attributes {dimension_semantics = [#tpu.dimension_semantics<arbitrary>], iteration_bounds = array<i64: 12>, scalar_prefetch = 0 : i64, scratch_operands = 0 : i64, tpu.core_type = #tpu.core_type<tc>, window_params = [{transform_indices = @transform_0, window_bounds = array<i64: 12288, 128>}, {transform_indices = @transform_1, window_bounds = array<i64: 128, 32, 384>}]} {
    %get3A = arith.constant 0 : index
    %get3A_0 = arith.constant 0 : index
    %get3A_1 = vector.load %arg1[%get3A, %get3A_0] : memref<12288x128xf32, #tpu.memory_space<vmem>>, vector<12288x128xf32>
    %reshape3A = vector.shape_cast %get3A_1 : vector<12288x128xf32> to vector<32x384x128xf32>
    %slice3A = vector.extract_strided_slice %reshape3A {offsets = [0, 0, 0], sizes = [1, 384, 128], strides = [1, 1, 1]} : vector<32x384x128xf32> to vector<1x384x128xf32>
    %squeeze3A = vector.shape_cast %slice3A : vector<1x384x128xf32> to vector<384x128xf32>
    %transpose3A = tpu.transpose %squeeze3A, [1, 0] : vector<384x128xf32> -> vector<128x384xf32>
    %swap3A = arith.constant 0 : index
    %swap3A_2 = arith.constant 0 : index
    %swap3A_3 = arith.constant 0 : index
    %swap3A_4 = vector.load %arg2[%swap3A, %swap3A_2, %swap3A_3] : memref<128x32x384xf32, #tpu.memory_space<vmem>>, vector<128x1x384xf32>
    %swap3A_5 = vector.shape_cast %swap3A_4 : vector<128x1x384xf32> to vector<128x384xf32>
    %swap3A_6 = vector.shape_cast %transpose3A : vector<128x384xf32> to vector<128x1x384xf32>
    tpu.vector_store %arg2[%swap3A, %swap3A_2, %swap3A_3], %swap3A_6 {strides = array<i32>} : memref<128x32x384xf32, #tpu.memory_space<vmem>>, vector<128x1x384xf32>,
    %slice3A_7 = vector.extract_strided_slice %reshape3A {offsets = [1, 0, 0], sizes = [1, 384, 128], strides = [1, 1, 1]} : vector<32x384x128xf32> to vector<1x384x128xf32>
    %squeeze3A_8 = vector.shape_cast %slice3A_7 : vector<1x384x128xf32> to vector<384x128xf32>
    %transpose3A_9 = tpu.transpose %squeeze3A_8, [1, 0] : vector<384x128xf32> -> vector<128x384xf32>
    %swap3A_10 = arith.constant 0 : index
    %swap3A_11 = arith.constant 1 : index
    %swap3A_12 = arith.constant 0 : index
    %swap3A_13 = vector.load %arg2[%swap3A_10, %swap3A_11, %swap3A_12] : memref<128x32x384xf32, #tpu.memory_space<vmem>>, vector<128x1x384xf32>
    %swap3A_14 = vector.shape_cast %swap3A_13 : vector<128x1x384xf32> to vector<128x384xf32>
    %swap3A_15 = vector.shape_cast %transpose3A_9 : vector<128x384xf32> to vector<128x1x384xf32>
    tpu.vector_store %arg2[%swap3A_10, %swap3A_11, %swap3A_12], %swap3A_15 {strides = array<i32>} : memref<128x32x384xf32, #tpu.memory_space<vmem>>, vector<128x1x384xf32>,
    %slice3A_16 = vector.extract_strided_slice %reshape3A {offsets = [2, 0, 0], sizes = [1, 384, 128], strides = [1, 1, 1]} : vector<32x384x128xf32> to vector<1x384x128xf32>
    %squeeze3A_17 = vector.shape_cast %slice3A_16 : vector<1x384x128xf32> to vector<384x128xf32>
    %transpose3A_18 = tpu.transpose %squeeze3A_17, [1, 0] : vector<384x128xf32> -> vector<128x384xf32>
    %swap3A_19 = arith.constant 0 : index
    %swap3A_20 = arith.constant 2 : index
    %swap3A_21 = arith.constant 0 : index
    %swap3A_22 = vector.load %arg2[%swap3A_19, %swap3A_20, %swap3A_21] : memref<128x32x384xf32, #tpu.memory_space<vmem>>, vector<128x1x384xf32>
    %swap3A_23 = vector.shape_cast %swap3A_22 : vector<128x1x384xf32> to vector<128x384xf32>
    %swap3A_24 = vector.shape_cast %transpose3A_18 : vector<128x384xf32> to vector<128x1x384xf32>
    tpu.vector_store %arg2[%swap3A_19, %swap3A_20, %swap3A_21], %swap3A_24 {strides = array<i32>} : memref<128x32x384xf32, #tpu.memory_space<vmem>>, vector<128x1x384xf32>,
    %slice3A_25 = vector.extract_strided_slice %reshape3A {offsets = [3, 0, 0], sizes = [1, 384, 128], strides = [1, 1, 1]} : vector<32x384x128xf32> to vector<1x384x128xf32>
    %squeeze3A_26 = vector.shape_cast %slice3A_25 : vector<1x384x128xf32> to vector<384x128xf32>
    %transpose3A_27 = tpu.transpose %squeeze3A_26, [1, 0] : vector<384x128xf32> -> vector<128x384xf32>
    %swap3A_28 = arith.constant 0 : index
    %swap3A_29 = arith.constant 3 : index
    %swap3A_30 = arith.constant 0 : index
    %swap3A_31 = vector.load %arg2[%swap3A_28, %swap3A_29, %swap3A_30] : memref<128x32x384xf32, #tpu.memory_space<vmem>>, vector<128x1x384xf32>
    %swap3A_32 = vector.shape_cast %swap3A_31 : vector<128x1x384xf32> to vector<128x384xf32>
    %swap3A_33 = vector.shape_cast %transpose3A_27 : vector<128x384xf32> to vector<128x1x384xf32>
    tpu.vector_store %arg2[%swap3A_28, %swap3A_29, %swap3A_30], %swap3A_33 {strides = array<i32>} : memref<128x32x384xf32, #tpu.memory_space<vmem>>, vector<128x1x384xf32>,
    %slice3A_34 = vector.extract_strided_slice %reshape3A {offsets = [4, 0, 0], sizes = [1, 384, 128], strides = [1, 1, 1]} : vector<32x384x128xf32> to vector<1x384x128xf32>
    %squeeze3A_35 = vector.shape_cast %slice3A_34 : vector<1x384x128xf32> to vector<384x128xf32>
    %transpose3A_36 = tpu.transpose %squeeze3A_35, [1, 0] : vector<384x128xf32> -> vector<128x384xf32>
    %swap3A_37 = arith.constant 0 : index
    %swap3A_38 = arith.constant 4 : index
    %swap3A_39 = arith.constant 0 : index
    %swap3A_40 = vector.load %arg2[%swap3A_37, %swap3A_38, %swap3A_39] : memref<128x32x384xf32, #tpu.memory_space<vmem>>, vector<128x1x384xf32>
    %swap3A_41 = vector.shape_cast %swap3A_40 : vector<128x1x384xf32> to vector<128x384xf32>
    %swap3A_42 = vector.shape_cast %transpose3A_36 : vector<128x384xf32> to vector<128x1x384xf32>
    tpu.vector_store %arg2[%swap3A_37, %swap3A_38, %swap3A_39], %swap3A_42 {strides = array<i32>} : memref<128x32x384xf32, #tpu.memory_space<vmem>>, vector<128x1x384xf32>,
    %slice3A_43 = vector.extract_strided_slice %reshape3A {offsets = [5, 0, 0], sizes = [1, 384, 128], strides = [1, 1, 1]} : vector<32x384x128xf32> to vector<1x384x128xf32>
    %squeeze3A_44 = vector.shape_cast %slice3A_43 : vector<1x384x128xf32> to vector<384x128xf32>
    %transpose3A_45 = tpu.transpose %squeeze3A_44, [1, 0] : vector<384x128xf32> -> vector<128x384xf32>
    %swap3A_46 = arith.constant 0 : index
    %swap3A_47 = arith.constant 5 : index
    %swap3A_48 = arith.constant 0 : index
    %swap3A_49 = vector.load %arg2[%swap3A_46, %swap3A_47, %swap3A_48] : memref<128x32x384xf32, #tpu.memory_space<vmem>>, vector<128x1x384xf32>
    %swap3A_50 = vector.shape_cast %swap3A_49 : vector<128x1x384xf32> to vector<128x384xf32>
    %swap3A_51 = vector.shape_cast %transpose3A_45 : vector<128x384xf32> to vector<128x1x384xf32>
    tpu.vector_store %arg2[%swap3A_46, %swap3A_47, %swap3A_48], %swap3A_51 {strides = array<i32>} : memref<128x32x384xf32, #tpu.memory_space<vmem>>, vector<128x1x384xf32>,
    %slice3A_52 = vector.extract_strided_slice %reshape3A {offsets = [6, 0, 0], sizes = [1, 384, 128], strides = [1, 1, 1]} : vector<32x384x128xf32> to vector<1x384x128xf32>
    %squeeze3A_53 = vector.shape_cast %slice3A_52 : vector<1x384x128xf32> to vector<384x128xf32>
    %transpose3A_54 = tpu.transpose %squeeze3A_53, [1, 0] : vector<384x128xf32> -> vector<128x384xf32>
    %swap3A_55 = arith.constant 0 : index
    %swap3A_56 = arith.constant 6 : index
    %swap3A_57 = arith.constant 0 : index
    %swap3A_58 = vector.load %arg2[%swap3A_55, %swap3A_56, %swap3A_57] : memref<128x32x384xf32, #tpu.memory_space<vmem>>, vector<128x1x384xf32>
    %swap3A_59 = vector.shape_cast %swap3A_58 : vector<128x1x384xf32> to vector<128x384xf32>
    %swap3A_60 = vector.shape_cast %transpose3A_54 : vector<128x384xf32> to vector<128x1x384xf32>
    tpu.vector_store %arg2[%swap3A_55, %swap3A_56, %swap3A_57], %swap3A_60 {strides = array<i32>} : memref<128x32x384xf32, #tpu.memory_space<vmem>>, vector<128x1x384xf32>,
    %slice3A_61 = vector.extract_strided_slice %reshape3A {offsets = [7, 0, 0], sizes = [1, 384, 128], strides = [1, 1, 1]} : vector<32x384x128xf32> to vector<1x384x128xf32>
    %squeeze3A_62 = vector.shape_cast %slice3A_61 : vector<1x384x128xf32> to vector<384x128xf32>
    %transpose3A_63 = tpu.transpose %squeeze3A_62, [1, 0] : vector<384x128xf32> -> vector<128x384xf32>
    %swap3A_64 = arith.constant 0 : index
    %swap3A_65 = arith.constant 7 : index
    %swap3A_66 = arith.constant 0 : index
    %swap3A_67 = vector.load %arg2[%swap3A_64, %swap3A_65, %swap3A_66] : memref<128x32x384xf32, #tpu.memory_space<vmem>>, vector<128x1x384xf32>
    %swap3A_68 = vector.shape_cast %swap3A_67 : vector<128x1x384xf32> to vector<128x384xf32>
    %swap3A_69 = vector.shape_cast %transpose3A_63 : vector<128x384xf32> to vector<128x1x384xf32>
    tpu.vector_store %arg2[%swap3A_64, %swap3A_65, %swap3A_66], %swap3A_69 {strides = array<i32>} : memref<128x32x384xf32, #tpu.memory_space<vmem>>, vector<128x1x384xf32>,
    %slice3A_70 = vector.extract_strided_slice %reshape3A {offsets = [8, 0, 0], sizes = [1, 384, 128], strides = [1, 1, 1]} : vector<32x384x128xf32> to vector<1x384x128xf32>
    %squeeze3A_71 = vector.shape_cast %slice3A_70 : vector<1x384x128xf32> to vector<384x128xf32>
    %transpose3A_72 = tpu.transpose %squeeze3A_71, [1, 0] : vector<384x128xf32> -> vector<128x384xf32>
    %swap3A_73 = arith.constant 0 : index
    %swap3A_74 = arith.constant 8 : index
    %swap3A_75 = arith.constant 0 : index
    %swap3A_76 = vector.load %arg2[%swap3A_73, %swap3A_74, %swap3A_75] : memref<128x32x384xf32, #tpu.memory_space<vmem>>, vector<128x1x384xf32>
    %swap3A_77 = vector.shape_cast %swap3A_76 : vector<128x1x384xf32> to vector<128x384xf32>
    %swap3A_78 = vector.shape_cast %transpose3A_72 : vector<128x384xf32> to vector<128x1x384xf32>
    tpu.vector_store %arg2[%swap3A_73, %swap3A_74, %swap3A_75], %swap3A_78 {strides = array<i32>} : memref<128x32x384xf32, #tpu.memory_space<vmem>>, vector<128x1x384xf32>,
    %slice3A_79 = vector.extract_strided_slice %reshape3A {offsets = [9, 0, 0], sizes = [1, 384, 128], strides = [1, 1, 1]} : vector<32x384x128xf32> to vector<1x384x128xf32>
    %squeeze3A_80 = vector.shape_cast %slice3A_79 : vector<1x384x128xf32> to vector<384x128xf32>
    %transpose3A_81 = tpu.transpose %squeeze3A_80, [1, 0] : vector<384x128xf32> -> vector<128x384xf32>
    %swap3A_82 = arith.constant 0 : index
    %swap3A_83 = arith.constant 9 : index
    %swap3A_84 = arith.constant 0 : index
    %swap3A_85 = vector.load %arg2[%swap3A_82, %swap3A_83, %swap3A_84] : memref<128x32x384xf32, #tpu.memory_space<vmem>>, vector<128x1x384xf32>
    %swap3A_86 = vector.shape_cast %swap3A_85 : vector<128x1x384xf32> to vector<128x384xf32>
    %swap3A_87 = vector.shape_cast %transpose3A_81 : vector<128x384xf32> to vector<128x1x384xf32>
    tpu.vector_store %arg2[%swap3A_82, %swap3A_83, %swap3A_84], %swap3A_87 {strides = array<i32>} : memref<128x32x384xf32, #tpu.memory_space<vmem>>, vector<128x1x384xf32>,
    %slice3A_88 = vector.extract_strided_slice %reshape3A {offsets = [10, 0, 0], sizes = [1, 384, 128], strides = [1, 1, 1]} : vector<32x384x128xf32> to vector<1x384x128xf32>
    %squeeze3A_89 = vector.shape_cast %slice3A_88 : vector<1x384x128xf32> to vector<384x128xf32>
    %transpose3A_90 = tpu.transpose %squeeze3A_89, [1, 0] : vector<384x128xf32> -> vector<128x384xf32>
    %swap3A_91 = arith.constant 0 : index
    %swap3A_92 = arith.constant 10 : index
    %swap3A_93 = arith.constant 0 : index
    %swap3A_94 = vector.load %arg2[%swap3A_91, %swap3A_92, %swap3A_93] : memref<128x32x384xf32, #tpu.memory_space<vmem>>, vector<128x1x384xf32>
    %swap3A_95 = vector.shape_cast %swap3A_94 : vector<128x1x384xf32> to vector<128x384xf32>
    %swap3A_96 = vector.shape_cast %transpose3A_90 : vector<128x384xf32> to vector<128x1x384xf32>
    tpu.vector_store %arg2[%swap3A_91, %swap3A_92, %swap3A_93], %swap3A_96 {strides = array<i32>} : memref<128x32x384xf32, #tpu.memory_space<vmem>>, vector<128x1x384xf32>,
    %slice3A_97 = vector.extract_strided_slice %reshape3A {offsets = [11, 0, 0], sizes = [1, 384, 128], strides = [1, 1, 1]} : vector<32x384x128xf32> to vector<1x384x128xf32>
    %squeeze3A_98 = vector.shape_cast %slice3A_97 : vector<1x384x128xf32> to vector<384x128xf32>
    %transpose3A_99 = tpu.transpose %squeeze3A_98, [1, 0] : vector<384x128xf32> -> vector<128x384xf32>
    %swap3A_100 = arith.constant 0 : index
    %swap3A_101 = arith.constant 11 : index
    %swap3A_102 = arith.constant 0 : index
    %swap3A_103 = vector.load %arg2[%swap3A_100, %swap3A_101, %swap3A_102] : memref<128x32x384xf32, #tpu.memory_space<vmem>>, vector<128x1x384xf32>
    %swap3A_104 = vector.shape_cast %swap3A_103 : vector<128x1x384xf32> to vector<128x384xf32>
    %swap3A_105 = vector.shape_cast %transpose3A_99 : vector<128x384xf32> to vector<128x1x384xf32>
    tpu.vector_store %arg2[%swap3A_100, %swap3A_101, %swap3A_102], %swap3A_105 {strides = array<i32>} : memref<128x32x384xf32, #tpu.memory_space<vmem>>, vector<128x1x384xf32>,
    %slice3A_106 = vector.extract_strided_slice %reshape3A {offsets = [12, 0, 0], sizes = [1, 384, 128], strides = [1, 1, 1]} : vector<32x384x128xf32> to vector<1x384x128xf32>
    %squeeze3A_107 = vector.shape_cast %slice3A_106 : vector<1x384x128xf32> to vector<384x128xf32>
    %transpose3A_108 = tpu.transpose %squeeze3A_107, [1, 0] : vector<384x128xf32> -> vector<128x384xf32>
    %swap3A_109 = arith.constant 0 : index
    %swap3A_110 = arith.constant 12 : index
    %swap3A_111 = arith.constant 0 : index
    %swap3A_112 = vector.load %arg2[%swap3A_109, %swap3A_110, %swap3A_111] : memref<128x32x384xf32, #tpu.memory_space<vmem>>, vector<128x1x384xf32>
    %swap3A_113 = vector.shape_cast %swap3A_112 : vector<128x1x384xf32> to vector<128x384xf32>
    %swap3A_114 = vector.shape_cast %transpose3A_108 : vector<128x384xf32> to vector<128x1x384xf32>
    tpu.vector_store %arg2[%swap3A_109, %swap3A_110, %swap3A_111], %swap3A_114 {strides = array<i32>} : memref<128x32x384xf32, #tpu.memory_space<vmem>>, vector<128x1x384xf32>,
    %slice3A_115 = vector.extract_strided_slice %reshape3A {offsets = [13, 0, 0], sizes = [1, 384, 128], strides = [1, 1, 1]} : vector<32x384x128xf32> to vector<1x384x128xf32>
    %squeeze3A_116 = vector.shape_cast %slice3A_115 : vector<1x384x128xf32> to vector<384x128xf32>
    %transpose3A_117 = tpu.transpose %squeeze3A_116, [1, 0] : vector<384x128xf32> -> vector<128x384xf32>
    %swap3A_118 = arith.constant 0 : index
    %swap3A_119 = arith.constant 13 : index
    %swap3A_120 = arith.constant 0 : index
    %swap3A_121 = vector.load %arg2[%swap3A_118, %swap3A_119, %swap3A_120] : memref<128x32x384xf32, #tpu.memory_space<vmem>>, vector<128x1x384xf32>
    %swap3A_122 = vector.shape_cast %swap3A_121 : vector<128x1x384xf32> to vector<128x384xf32>
    %swap3A_123 = vector.shape_cast %transpose3A_117 : vector<128x384xf32> to vector<128x1x384xf32>
    tpu.vector_store %arg2[%swap3A_118, %swap3A_119, %swap3A_120], %swap3A_123 {strides = array<i32>} : memref<128x32x384xf32, #tpu.memory_space<vmem>>, vector<128x1x384xf32>,
    %slice3A_124 = vector.extract_strided_slice %reshape3A {offsets = [14, 0, 0], sizes = [1, 384, 128], strides = [1, 1, 1]} : vector<32x384x128xf32> to vector<1x384x128xf32>
    %squeeze3A_125 = vector.shape_cast %slice3A_124 : vector<1x384x128xf32> to vector<384x128xf32>
    %transpose3A_126 = tpu.transpose %squeeze3A_125, [1, 0] : vector<384x128xf32> -> vector<128x384xf32>
    %swap3A_127 = arith.constant 0 : index
    %swap3A_128 = arith.constant 14 : index
    %swap3A_129 = arith.constant 0 : index
    %swap3A_130 = vector.load %arg2[%swap3A_127, %swap3A_128, %swap3A_129] : memref<128x32x384xf32, #tpu.memory_space<vmem>>, vector<128x1x384xf32>
    %swap3A_131 = vector.shape_cast %swap3A_130 : vector<128x1x384xf32> to vector<128x384xf32>
    %swap3A_132 = vector.shape_cast %transpose3A_126 : vector<128x384xf32> to vector<128x1x384xf32>
    tpu.vector_store %arg2[%swap3A_127, %swap3A_128, %swap3A_129], %swap3A_132 {strides = array<i32>} : memref<128x32x384xf32, #tpu.memory_space<vmem>>, vector<128x1x384xf32>,
    %slice3A_133 = vector.extract_strided_slice %reshape3A {offsets = [15, 0, 0], sizes = [1, 384, 128], strides = [1, 1, 1]} : vector<32x384x128xf32> to vector<1x384x128xf32>
    %squeeze3A_134 = vector.shape_cast %slice3A_133 : vector<1x384x128xf32> to vector<384x128xf32>
    %transpose3A_135 = tpu.transpose %squeeze3A_134, [1, 0] : vector<384x128xf32> -> vector<128x384xf32>
    %swap3A_136 = arith.constant 0 : index
    %swap3A_137 = arith.constant 15 : index
    %swap3A_138 = arith.constant 0 : index
    %swap3A_139 = vector.load %arg2[%swap3A_136, %swap3A_137, %swap3A_138] : memref<128x32x384xf32, #tpu.memory_space<vmem>>, vector<128x1x384xf32>
    %swap3A_140 = vector.shape_cast %swap3A_139 : vector<128x1x384xf32> to vector<128x384xf32>
    %swap3A_141 = vector.shape_cast %transpose3A_135 : vector<128x384xf32> to vector<128x1x384xf32>
    tpu.vector_store %arg2[%swap3A_136, %swap3A_137, %swap3A_138], %swap3A_141 {strides = array<i32>} : memref<128x32x384xf32, #tpu.memory_space<vmem>>, vector<128x1x384xf32>,
    %slice3A_142 = vector.extract_strided_slice %reshape3A {offsets = [16, 0, 0], sizes = [1, 384, 128], strides = [1, 1, 1]} : vector<32x384x128xf32> to vector<1x384x128xf32>
    %squeeze3A_143 = vector.shape_cast %slice3A_142 : vector<1x384x128xf32> to vector<384x128xf32>
    %transpose3A_144 = tpu.transpose %squeeze3A_143, [1, 0] : vector<384x128xf32> -> vector<128x384xf32>
    %swap3A_145 = arith.constant 0 : index
    %swap3A_146 = arith.constant 16 : index
    %swap3A_147 = arith.constant 0 : index
    %swap3A_148 = vector.load %arg2[%swap3A_145, %swap3A_146, %swap3A_147] : memref<128x32x384xf32, #tpu.memory_space<vmem>>, vector<128x1x384xf32>
    %swap3A_149 = vector.shape_cast %swap3A_148 : vector<128x1x384xf32> to vector<128x384xf32>
    %swap3A_150 = vector.shape_cast %transpose3A_144 : vector<128x384xf32> to vector<128x1x384xf32>
    tpu.vector_store %arg2[%swap3A_145, %swap3A_146, %swap3A_147], %swap3A_150 {strides = array<i32>} : memref<128x32x384xf32, #tpu.memory_space<vmem>>, vector<128x1x384xf32>,
    %slice3A_151 = vector.extract_strided_slice %reshape3A {offsets = [17, 0, 0], sizes = [1, 384, 128], strides = [1, 1, 1]} : vector<32x384x128xf32> to vector<1x384x128xf32>
    %squeeze3A_152 = vector.shape_cast %slice3A_151 : vector<1x384x128xf32> to vector<384x128xf32>
    %transpose3A_153 = tpu.transpose %squeeze3A_152, [1, 0] : vector<384x128xf32> -> vector<128x384xf32>
    %swap3A_154 = arith.constant 0 : index
    %swap3A_155 = arith.constant 17 : index
    %swap3A_156 = arith.constant 0 : index
    %swap3A_157 = vector.load %arg2[%swap3A_154, %swap3A_155, %swap3A_156] : memref<128x32x384xf32, #tpu.memory_space<vmem>>, vector<128x1x384xf32>
    %swap3A_158 = vector.shape_cast %swap3A_157 : vector<128x1x384xf32> to vector<128x384xf32>
    %swap3A_159 = vector.shape_cast %transpose3A_153 : vector<128x384xf32> to vector<128x1x384xf32>
    tpu.vector_store %arg2[%swap3A_154, %swap3A_155, %swap3A_156], %swap3A_159 {strides = array<i32>} : memref<128x32x384xf32, #tpu.memory_space<vmem>>, vector<128x1x384xf32>,
    %slice3A_160 = vector.extract_strided_slice %reshape3A {offsets = [18, 0, 0], sizes = [1, 384, 128], strides = [1, 1, 1]} : vector<32x384x128xf32> to vector<1x384x128xf32>
    %squeeze3A_161 = vector.shape_cast %slice3A_160 : vector<1x384x128xf32> to vector<384x128xf32>
    %transpose3A_162 = tpu.transpose %squeeze3A_161, [1, 0] : vector<384x128xf32> -> vector<128x384xf32>
    %swap3A_163 = arith.constant 0 : index
    %swap3A_164 = arith.constant 18 : index
    %swap3A_165 = arith.constant 0 : index
    %swap3A_166 = vector.load %arg2[%swap3A_163, %swap3A_164, %swap3A_165] : memref<128x32x384xf32, #tpu.memory_space<vmem>>, vector<128x1x384xf32>
    %swap3A_167 = vector.shape_cast %swap3A_166 : vector<128x1x384xf32> to vector<128x384xf32>
    %swap3A_168 = vector.shape_cast %transpose3A_162 : vector<128x384xf32> to vector<128x1x384xf32>
    tpu.vector_store %arg2[%swap3A_163, %swap3A_164, %swap3A_165], %swap3A_168 {strides = array<i32>} : memref<128x32x384xf32, #tpu.memory_space<vmem>>, vector<128x1x384xf32>,
    %slice3A_169 = vector.extract_strided_slice %reshape3A {offsets = [19, 0, 0], sizes = [1, 384, 128], strides = [1, 1, 1]} : vector<32x384x128xf32> to vector<1x384x128xf32>
    %squeeze3A_170 = vector.shape_cast %slice3A_169 : vector<1x384x128xf32> to vector<384x128xf32>
    %transpose3A_171 = tpu.transpose %squeeze3A_170, [1, 0] : vector<384x128xf32> -> vector<128x384xf32>
    %swap3A_172 = arith.constant 0 : index
    %swap3A_173 = arith.constant 19 : index
    %swap3A_174 = arith.constant 0 : index
    %swap3A_175 = vector.load %arg2[%swap3A_172, %swap3A_173, %swap3A_174] : memref<128x32x384xf32, #tpu.memory_space<vmem>>, vector<128x1x384xf32>
    %swap3A_176 = vector.shape_cast %swap3A_175 : vector<128x1x384xf32> to vector<128x384xf32>
    %swap3A_177 = vector.shape_cast %transpose3A_171 : vector<128x384xf32> to vector<128x1x384xf32>
    tpu.vector_store %arg2[%swap3A_172, %swap3A_173, %swap3A_174], %swap3A_177 {strides = array<i32>} : memref<128x32x384xf32, #tpu.memory_space<vmem>>, vector<128x1x384xf32>,
    %slice3A_178 = vector.extract_strided_slice %reshape3A {offsets = [20, 0, 0], sizes = [1, 384, 128], strides = [1, 1, 1]} : vector<32x384x128xf32> to vector<1x384x128xf32>
    %squeeze3A_179 = vector.shape_cast %slice3A_178 : vector<1x384x128xf32> to vector<384x128xf32>
    %transpose3A_180 = tpu.transpose %squeeze3A_179, [1, 0] : vector<384x128xf32> -> vector<128x384xf32>
    %swap3A_181 = arith.constant 0 : index
    %swap3A_182 = arith.constant 20 : index
    %swap3A_183 = arith.constant 0 : index
    %swap3A_184 = vector.load %arg2[%swap3A_181, %swap3A_182, %swap3A_183] : memref<128x32x384xf32, #tpu.memory_space<vmem>>, vector<128x1x384xf32>
    %swap3A_185 = vector.shape_cast %swap3A_184 : vector<128x1x384xf32> to vector<128x384xf32>
    %swap3A_186 = vector.shape_cast %transpose3A_180 : vector<128x384xf32> to vector<128x1x384xf32>
    tpu.vector_store %arg2[%swap3A_181, %swap3A_182, %swap3A_183], %swap3A_186 {strides = array<i32>} : memref<128x32x384xf32, #tpu.memory_space<vmem>>, vector<128x1x384xf32>,
    %slice3A_187 = vector.extract_strided_slice %reshape3A {offsets = [21, 0, 0], sizes = [1, 384, 128], strides = [1, 1, 1]} : vector<32x384x128xf32> to vector<1x384x128xf32>
    %squeeze3A_188 = vector.shape_cast %slice3A_187 : vector<1x384x128xf32> to vector<384x128xf32>
    %transpose3A_189 = tpu.transpose %squeeze3A_188, [1, 0] : vector<384x128xf32> -> vector<128x384xf32>
    %swap3A_190 = arith.constant 0 : index
    %swap3A_191 = arith.constant 21 : index
    %swap3A_192 = arith.constant 0 : index
    %swap3A_193 = vector.load %arg2[%swap3A_190, %swap3A_191, %swap3A_192] : memref<128x32x384xf32, #tpu.memory_space<vmem>>, vector<128x1x384xf32>
    %swap3A_194 = vector.shape_cast %swap3A_193 : vector<128x1x384xf32> to vector<128x384xf32>
    %swap3A_195 = vector.shape_cast %transpose3A_189 : vector<128x384xf32> to vector<128x1x384xf32>
    tpu.vector_store %arg2[%swap3A_190, %swap3A_191, %swap3A_192], %swap3A_195 {strides = array<i32>} : memref<128x32x384xf32, #tpu.memory_space<vmem>>, vector<128x1x384xf32>,
    %slice3A_196 = vector.extract_strided_slice %reshape3A {offsets = [22, 0, 0], sizes = [1, 384, 128], strides = [1, 1, 1]} : vector<32x384x128xf32> to vector<1x384x128xf32>
    %squeeze3A_197 = vector.shape_cast %slice3A_196 : vector<1x384x128xf32> to vector<384x128xf32>
    %transpose3A_198 = tpu.transpose %squeeze3A_197, [1, 0] : vector<384x128xf32> -> vector<128x384xf32>
    %swap3A_199 = arith.constant 0 : index
    %swap3A_200 = arith.constant 22 : index
    %swap3A_201 = arith.constant 0 : index
    %swap3A_202 = vector.load %arg2[%swap3A_199, %swap3A_200, %swap3A_201] : memref<128x32x384xf32, #tpu.memory_space<vmem>>, vector<128x1x384xf32>
    %swap3A_203 = vector.shape_cast %swap3A_202 : vector<128x1x384xf32> to vector<128x384xf32>
    %swap3A_204 = vector.shape_cast %transpose3A_198 : vector<128x384xf32> to vector<128x1x384xf32>
    tpu.vector_store %arg2[%swap3A_199, %swap3A_200, %swap3A_201], %swap3A_204 {strides = array<i32>} : memref<128x32x384xf32, #tpu.memory_space<vmem>>, vector<128x1x384xf32>,
    %slice3A_205 = vector.extract_strided_slice %reshape3A {offsets = [23, 0, 0], sizes = [1, 384, 128], strides = [1, 1, 1]} : vector<32x384x128xf32> to vector<1x384x128xf32>
    %squeeze3A_206 = vector.shape_cast %slice3A_205 : vector<1x384x128xf32> to vector<384x128xf32>
    %transpose3A_207 = tpu.transpose %squeeze3A_206, [1, 0] : vector<384x128xf32> -> vector<128x384xf32>
    %swap3A_208 = arith.constant 0 : index
    %swap3A_209 = arith.constant 23 : index
    %swap3A_210 = arith.constant 0 : index
    %swap3A_211 = vector.load %arg2[%swap3A_208, %swap3A_209, %swap3A_210] : memref<128x32x384xf32, #tpu.memory_space<vmem>>, vector<128x1x384xf32>
    %swap3A_212 = vector.shape_cast %swap3A_211 : vector<128x1x384xf32> to vector<128x384xf32>
    %swap3A_213 = vector.shape_cast %transpose3A_207 : vector<128x384xf32> to vector<128x1x384xf32>
    tpu.vector_store %arg2[%swap3A_208, %swap3A_209, %swap3A_210], %swap3A_213 {strides = array<i32>} : memref<128x32x384xf32, #tpu.memory_space<vmem>>, vector<128x1x384xf32>,
    %slice3A_214 = vector.extract_strided_slice %reshape3A {offsets = [24, 0, 0], sizes = [1, 384, 128], strides = [1, 1, 1]} : vector<32x384x128xf32> to vector<1x384x128xf32>
    %squeeze3A_215 = vector.shape_cast %slice3A_214 : vector<1x384x128xf32> to vector<384x128xf32>
    %transpose3A_216 = tpu.transpose %squeeze3A_215, [1, 0] : vector<384x128xf32> -> vector<128x384xf32>
    %swap3A_217 = arith.constant 0 : index
    %swap3A_218 = arith.constant 24 : index
    %swap3A_219 = arith.constant 0 : index
    %swap3A_220 = vector.load %arg2[%swap3A_217, %swap3A_218, %swap3A_219] : memref<128x32x384xf32, #tpu.memory_space<vmem>>, vector<128x1x384xf32>
    %swap3A_221 = vector.shape_cast %swap3A_220 : vector<128x1x384xf32> to vector<128x384xf32>
    %swap3A_222 = vector.shape_cast %transpose3A_216 : vector<128x384xf32> to vector<128x1x384xf32>
    tpu.vector_store %arg2[%swap3A_217, %swap3A_218, %swap3A_219], %swap3A_222 {strides = array<i32>} : memref<128x32x384xf32, #tpu.memory_space<vmem>>, vector<128x1x384xf32>,
    %slice3A_223 = vector.extract_strided_slice %reshape3A {offsets = [25, 0, 0], sizes = [1, 384, 128], strides = [1, 1, 1]} : vector<32x384x128xf32> to vector<1x384x128xf32>
    %squeeze3A_224 = vector.shape_cast %slice3A_223 : vector<1x384x128xf32> to vector<384x128xf32>
    %transpose3A_225 = tpu.transpose %squeeze3A_224, [1, 0] : vector<384x128xf32> -> vector<128x384xf32>
    %swap3A_226 = arith.constant 0 : index
    %swap3A_227 = arith.constant 25 : index
    %swap3A_228 = arith.constant 0 : index
    %swap3A_229 = vector.load %arg2[%swap3A_226, %swap3A_227, %swap3A_228] : memref<128x32x384xf32, #tpu.memory_space<vmem>>, vector<128x1x384xf32>
    %swap3A_230 = vector.shape_cast %swap3A_229 : vector<128x1x384xf32> to vector<128x384xf32>
    %swap3A_231 = vector.shape_cast %transpose3A_225 : vector<128x384xf32> to vector<128x1x384xf32>
    tpu.vector_store %arg2[%swap3A_226, %swap3A_227, %swap3A_228], %swap3A_231 {strides = array<i32>} : memref<128x32x384xf32, #tpu.memory_space<vmem>>, vector<128x1x384xf32>,
    %slice3A_232 = vector.extract_strided_slice %reshape3A {offsets = [26, 0, 0], sizes = [1, 384, 128], strides = [1, 1, 1]} : vector<32x384x128xf32> to vector<1x384x128xf32>
    %squeeze3A_233 = vector.shape_cast %slice3A_232 : vector<1x384x128xf32> to vector<384x128xf32>
    %transpose3A_234 = tpu.transpose %squeeze3A_233, [1, 0] : vector<384x128xf32> -> vector<128x384xf32>
    %swap3A_235 = arith.constant 0 : index
    %swap3A_236 = arith.constant 26 : index
    %swap3A_237 = arith.constant 0 : index
    %swap3A_238 = vector.load %arg2[%swap3A_235, %swap3A_236, %swap3A_237] : memref<128x32x384xf32, #tpu.memory_space<vmem>>, vector<128x1x384xf32>
    %swap3A_239 = vector.shape_cast %swap3A_238 : vector<128x1x384xf32> to vector<128x384xf32>
    %swap3A_240 = vector.shape_cast %transpose3A_234 : vector<128x384xf32> to vector<128x1x384xf32>
    tpu.vector_store %arg2[%swap3A_235, %swap3A_236, %swap3A_237], %swap3A_240 {strides = array<i32>} : memref<128x32x384xf32, #tpu.memory_space<vmem>>, vector<128x1x384xf32>,
    %slice3A_241 = vector.extract_strided_slice %reshape3A {offsets = [27, 0, 0], sizes = [1, 384, 128], strides = [1, 1, 1]} : vector<32x384x128xf32> to vector<1x384x128xf32>
    %squeeze3A_242 = vector.shape_cast %slice3A_241 : vector<1x384x128xf32> to vector<384x128xf32>
    %transpose3A_243 = tpu.transpose %squeeze3A_242, [1, 0] : vector<384x128xf32> -> vector<128x384xf32>
    %swap3A_244 = arith.constant 0 : index
    %swap3A_245 = arith.constant 27 : index
    %swap3A_246 = arith.constant 0 : index
    %swap3A_247 = vector.load %arg2[%swap3A_244, %swap3A_245, %swap3A_246] : memref<128x32x384xf32, #tpu.memory_space<vmem>>, vector<128x1x384xf32>
    %swap3A_248 = vector.shape_cast %swap3A_247 : vector<128x1x384xf32> to vector<128x384xf32>
    %swap3A_249 = vector.shape_cast %transpose3A_243 : vector<128x384xf32> to vector<128x1x384xf32>
    tpu.vector_store %arg2[%swap3A_244, %swap3A_245, %swap3A_246], %swap3A_249 {strides = array<i32>} : memref<128x32x384xf32, #tpu.memory_space<vmem>>, vector<128x1x384xf32>,
    %slice3A_250 = vector.extract_strided_slice %reshape3A {offsets = [28, 0, 0], sizes = [1, 384, 128], strides = [1, 1, 1]} : vector<32x384x128xf32> to vector<1x384x128xf32>
    %squeeze3A_251 = vector.shape_cast %slice3A_250 : vector<1x384x128xf32> to vector<384x128xf32>
    %transpose3A_252 = tpu.transpose %squeeze3A_251, [1, 0] : vector<384x128xf32> -> vector<128x384xf32>
    %swap3A_253 = arith.constant 0 : index
    %swap3A_254 = arith.constant 28 : index
    %swap3A_255 = arith.constant 0 : index
    %swap3A_256 = vector.load %arg2[%swap3A_253, %swap3A_254, %swap3A_255] : memref<128x32x384xf32, #tpu.memory_space<vmem>>, vector<128x1x384xf32>
    %swap3A_257 = vector.shape_cast %swap3A_256 : vector<128x1x384xf32> to vector<128x384xf32>
    %swap3A_258 = vector.shape_cast %transpose3A_252 : vector<128x384xf32> to vector<128x1x384xf32>
    tpu.vector_store %arg2[%swap3A_253, %swap3A_254, %swap3A_255], %swap3A_258 {strides = array<i32>} : memref<128x32x384xf32, #tpu.memory_space<vmem>>, vector<128x1x384xf32>,
    %slice3A_259 = vector.extract_strided_slice %reshape3A {offsets = [29, 0, 0], sizes = [1, 384, 128], strides = [1, 1, 1]} : vector<32x384x128xf32> to vector<1x384x128xf32>
    %squeeze3A_260 = vector.shape_cast %slice3A_259 : vector<1x384x128xf32> to vector<384x128xf32>
    %transpose3A_261 = tpu.transpose %squeeze3A_260, [1, 0] : vector<384x128xf32> -> vector<128x384xf32>
    %swap3A_262 = arith.constant 0 : index
    %swap3A_263 = arith.constant 29 : index
    %swap3A_264 = arith.constant 0 : index
    %swap3A_265 = vector.load %arg2[%swap3A_262, %swap3A_263, %swap3A_264] : memref<128x32x384xf32, #tpu.memory_space<vmem>>, vector<128x1x384xf32>
    %swap3A_266 = vector.shape_cast %swap3A_265 : vector<128x1x384xf32> to vector<128x384xf32>
    %swap3A_267 = vector.shape_cast %transpose3A_261 : vector<128x384xf32> to vector<128x1x384xf32>
    tpu.vector_store %arg2[%swap3A_262, %swap3A_263, %swap3A_264], %swap3A_267 {strides = array<i32>} : memref<128x32x384xf32, #tpu.memory_space<vmem>>, vector<128x1x384xf32>,
    %slice3A_268 = vector.extract_strided_slice %reshape3A {offsets = [30, 0, 0], sizes = [1, 384, 128], strides = [1, 1, 1]} : vector<32x384x128xf32> to vector<1x384x128xf32>
    %squeeze3A_269 = vector.shape_cast %slice3A_268 : vector<1x384x128xf32> to vector<384x128xf32>
    %transpose3A_270 = tpu.transpose %squeeze3A_269, [1, 0] : vector<384x128xf32> -> vector<128x384xf32>
    %swap3A_271 = arith.constant 0 : index
    %swap3A_272 = arith.constant 30 : index
    %swap3A_273 = arith.constant 0 : index
    %swap3A_274 = vector.load %arg2[%swap3A_271, %swap3A_272, %swap3A_273] : memref<128x32x384xf32, #tpu.memory_space<vmem>>, vector<128x1x384xf32>
    %swap3A_275 = vector.shape_cast %swap3A_274 : vector<128x1x384xf32> to vector<128x384xf32>
    %swap3A_276 = vector.shape_cast %transpose3A_270 : vector<128x384xf32> to vector<128x1x384xf32>
    tpu.vector_store %arg2[%swap3A_271, %swap3A_272, %swap3A_273], %swap3A_276 {strides = array<i32>} : memref<128x32x384xf32, #tpu.memory_space<vmem>>, vector<128x1x384xf32>,
    %slice3A_277 = vector.extract_strided_slice %reshape3A {offsets = [31, 0, 0], sizes = [1, 384, 128], strides = [1, 1, 1]} : vector<32x384x128xf32> to vector<1x384x128xf32>
    %squeeze3A_278 = vector.shape_cast %slice3A_277 : vector<1x384x128xf32> to vector<384x128xf32>
    %transpose3A_279 = tpu.transpose %squeeze3A_278, [1, 0] : vector<384x128xf32> -> vector<128x384xf32>
    %swap3A_280 = arith.constant 0 : index
    %swap3A_281 = arith.constant 31 : index
    %swap3A_282 = arith.constant 0 : index
    %swap3A_283 = vector.load %arg2[%swap3A_280, %swap3A_281, %swap3A_282] : memref<128x32x384xf32, #tpu.memory_space<vmem>>, vector<128x1x384xf32>
    %swap3A_284 = vector.shape_cast %swap3A_283 : vector<128x1x384xf32> to vector<128x384xf32>
    %swap3A_285 = vector.shape_cast %transpose3A_279 : vector<128x384xf32> to vector<128x1x384xf32>
    tpu.vector_store %arg2[%swap3A_280, %swap3A_281, %swap3A_282], %swap3A_285 {strides = array<i32>} : memref<128x32x384xf32, #tpu.memory_space<vmem>>, vector<128x1x384xf32>,
    return
  }
  func.func @transform_0(%arg0: i32) -> (i32, i32) {
    %c0_i32 = arith.constant 0 : i32
    %c0_i32_0 = arith.constant 0 : i32
    return %arg0, %c0_i32 : i32, i32
  }
  func.func @transform_1(%arg0: i32) -> (i32, i32, i32) {
    %c0_i32 = arith.constant 0 : i32
    %c0_i32_0 = arith.constant 0 : i32
    %c0_i32_1 = arith.constant 0 : i32
    return %c0_i32, %arg0, %c0_i32_0 : i32, i32, i32
  }
}

</mosaic_0001>

<sc_bundles>
// kernel: gather_offload_async_start
scs
__scs_entry_jumppad:
0x0: {  	(pc) =	sbr.rel $0x88, $3  }
0x1: {  	(tag) =	ssettag $0x0;
	lr =	simm.s32 $0x1  }
0x2: {  	[smem:$0x3F95] =	sst lr;
	_ =	strace $0xD0000000  }
0x3: {  	_ = 	snop  }
0x4: {  	_ = 	snop  }
0x5: {  	_ = 	snop  }
0x6: {  	_ = 	snop  }
0x7: {  	_ = 	snop  }
__scs_overlays_trampoline_lowered:
0x8: {  	[smem:$0x3FA4] =	sst s0  }
0x9: {  	[smem:$0x3FA5] =	sst s1  }
0xa: {  	[smem:$0x3FA6] =	sst s2  }
0xb: {  	[smem:$0x3FA7] =	sst s3  }
0xc: {  	[smem:$0x3FA8] =	sst s4  }
0xd: {  	[smem:$0x3FA9] =	sst s5  }
0xe: {  	[smem:$0x3FAA] =	sst s6  }
0xf: {  	[smem:$0x3FAB] =	sst s7  }
0x10: {  	[smem:$0x3FAC] =	sst s8  }
0x11: {  	[smem:$0x3FAD] =	sst s9;
	s0 =	simm.s32 @!p0 $0x0  }
0x12: {  	s1 =	sld [smem:$0x3F93];
	s0 =	simm.s32 @p0 $0x1  }
0x13: {  	[smem:$0x3FAE] =	sst s0;
	s0 =	simm.s32 @!p1 $0x0  }
0x14: {  	s2 =	sld [smem:$0x3F92];
	s0 =	simm.s32 @p1 $0x1  }
0x15: {  	[smem:$0x3FAF] =	sst s0;
	s0 =	simm.s32 @!p2 $0x0  }
0x16: {  	s3 =	sld [smem:$0x3FDB];
	s0 =	simm.s32 @p2 $0x1  }
0x17: {  	s4 =	simm.s32 $0x1BF5;
	[smem:$0x3FB1] =	sst s0  }
0x18: {  	s0 =	sld [smem:$0x3F94];
	_ =	swait.ge [sflag:s4], $0x0  }
0x19: {  	s7 =	sld [smem:$0x3F95]  }
0x1a: {  	s8 =	sadd.s32 $0xFFFFE003, lr  }
0x1b: {  	s9 =	sadd.s32 $0xFFFFFEF7, lr;
	s5 =	simm.s32 $0xFFFFFFFF;
	p2 =	slt.u32 s8, $0xFFFFF086  }
0x1c: {  	p1 =	slt.u32 s9, $0xF7A;
	s5 =	simm.s32 @!p2 $0x0  }
0x1d: {  	s5 =	simm.s32 @p1 $0x1;
	p0 =	seq.s32 s7, s2  }
0x1e: {  	s7 =	smul.u32 @!p0 $0xF7A, s2;
	p2 =	seq.s32 @!p0 s5, $0x0  }
0x1f: {  	s9 =	smul.u32 $0xF7A, s1;
	s8 =	simm.s32 @!p0 $0x1BF5;
	p2 =	por !p2, p0  }
0x20: {  	[sflag:s8] =	ssyncset.s32 @!p0 $0xFFFFF086;
	s6 =	sadd.s32 @!p0 s3, s7;
	s7 =	simm.s32 @!p0 $0x108  }
0x21: {  	s3 =	sadd.s32 s3, s9;
	s6 =	sadd.s32 @!p0 $0x88, s6;
	s7 =	simm.s32 @p2 $0x1082  }
0x22: {  	[simem:s7], [sflag:s8] =	dma.local @!p0 [hbm:s6], $0xF7A  }
0x23: {  	s9 =	sor.u32 $0xD0000000, s2;
	s6 =	simm.s32 $0x108;
	_ =	swait.ge @!p0 [sflag:s8], $0x0  }
0x24: {  	s3 =	sadd.s32 $0x88, s3;
	s6 =	simm.s32 @!p1 $0x1082;
	[sflag:s4] =	ssyncset.s32 $0xFFFFF086  }
0x25: {  	[simem:s6], [sflag:s4] =	dma.local [hbm:s3], $0xF7A  }
0x26: {  	[smem:$0x3F95] =	sst s1;
	(tag) =	ssettag s2;
	_ =	strace s9  }
0x27: {  	s1 =	sld [smem:$0x3FA5]  }
0x28: {  	s2 =	sld [smem:$0x3FA6]  }
0x29: {  	s4 =	sld [smem:$0x3FA8]  }
0x2a: {  	p0 =	seq.s32 s5, $0x0;
	s5 =	sld [smem:$0x3FA9]  }
0x2b: {  	s6 =	sld [smem:$0x3FAA]  }
0x2c: {  	s7 =	sld [smem:$0x3FAB]  }
0x2d: {  	s3 =	simm.s32 $0x108;
	s8 =	sld [smem:$0x3FAC]  }
0x2e: {  	s3 =	simm.s32 @!p0 $0x1082;
	s9 =	sld [smem:$0x3FAD]  }
0x2f: {  	lr =	sadd.s32 s0, s3;
	s0 =	sld [smem:$0x3FA4]  }
0x30: {  	s3 =	sld [smem:$0x3FA7]  }
0x31: {  	[smem:$0x3FB0] =	sst s10  }
0x32: {  	s10 =	sld [smem:$0x3FAE];
	_ =	sdelay $0x3  }
0x33: {  	p0 =	seq.s32 s10, $0x1;
	s10 =	sld [smem:$0x3FB0];
	_ =	sdelay $0x3  }
0x34: {  	[smem:$0x3FB0] =	sst s10  }
0x35: {  	s10 =	sld [smem:$0x3FAF];
	_ =	sdelay $0x3  }
0x36: {  	p1 =	seq.s32 s10, $0x1;
	s10 =	sld [smem:$0x3FB0];
	_ =	sdelay $0x3  }
0x37: {  	[smem:$0x3FB0] =	sst s10  }
0x38: {  	s10 =	sld [smem:$0x3FB1]  }
0x39: {  	_ = 	snop;
	(pc) =	sbr.ind lr, $3  }
0x3a: {  	_ = 	snop  }
0x3b: {  	_ = 	snop  }
0x3c: {  	p2 =	seq.s32 s10, $0x1;
	s10 =	sld [smem:$0x3FB0]  }
0x3d: {  	_ =	shalt  }
0x3e: {  	_ =	shalt  }
0x3f: {  	_ =	shalt  }
0x40: {  	_ =	shalt  }
0x41: {  	_ =	shalt  }
0x42: {  	_ =	shalt  }
0x43: {  	_ =	shalt  }
0x44: {  	_ =	shalt  }
0x45: {  	_ =	shalt  }
0x46: {  	_ =	shalt  }
0x47: {  	_ =	shalt  }
0x48: {  	_ =	shalt  }
0x49: {  	_ =	shalt  }
0x4a: {  	_ =	shalt  }
0x4b: {  	_ =	shalt  }
0x4c: {  	_ =	shalt  }
0x4d: {  	_ =	shalt  }
0x4e: {  	_ =	shalt  }
0x4f: {  	_ =	shalt  }
0x50: {  	_ =	shalt  }
0x51: {  	_ =	shalt  }
0x52: {  	_ =	shalt  }
0x53: {  	_ =	shalt  }
0x54: {  	_ =	shalt  }
0x55: {  	_ =	shalt  }
0x56: {  	_ =	shalt  }
0x57: {  	_ =	shalt  }
0x58: {  	_ =	shalt  }
0x59: {  	_ =	shalt  }
0x5a: {  	_ =	shalt  }
0x5b: {  	_ =	shalt  }
0x5c: {  	_ =	shalt  }
0x5d: {  	_ =	shalt  }
0x5e: {  	_ =	shalt  }
0x5f: {  	_ =	shalt  }
0x60: {  	_ =	shalt  }
0x61: {  	_ =	shalt  }
0x62: {  	_ =	shalt  }
0x63: {  	_ =	shalt  }
0x64: {  	_ =	shalt  }
0x65: {  	_ =	shalt  }
0x66: {  	_ =	shalt  }
0x67: {  	_ =	shalt  }
0x68: {  	_ =	shalt  }
0x69: {  	_ =	shalt  }
0x6a: {  	_ =	shalt  }
0x6b: {  	_ =	shalt  }
0x6c: {  	_ =	shalt  }
0x6d: {  	_ =	shalt  }
0x6e: {  	_ =	shalt  }
0x6f: {  	_ =	shalt  }
0x70: {  	_ =	shalt  }
0x71: {  	_ =	shalt  }
0x72: {  	_ =	shalt  }
0x73: {  	_ =	shalt  }
0x74: {  	_ =	shalt  }
0x75: {  	_ =	shalt  }
0x76: {  	_ =	shalt  }
0x77: {  	_ =	shalt  }
0x78: {  	_ =	shalt  }
0x79: {  	_ =	shalt  }
0x7a: {  	_ =	shalt  }
0x7b: {  	_ =	shalt  }
0x7c: {  	_ =	shalt  }
0x7d: {  	_ =	shalt  }
0x7e: {  	_ =	shalt  }
0x7f: {  	_ =	shalt  }
0x80: {  	_ =	shalt  }
0x81: {  	_ =	shalt  }
0x82: {  	_ =	shalt  }
0x83: {  	_ =	shalt  }
0x84: {  	_ =	shalt  }
0x85: {  	_ =	shalt  }
0x86: {  	_ =	shalt  }
0x87: {  	_ =	shalt  }
.Lfunc_end0:
.L_simem_size_0:
called_computation_lowered:
.L_overlay_start_0:
0x88: {  	s0 =	sld [smem:$0x3FD9]  }
0x89: {  	s1 =	sld [smem:$0x3FFE];
	_ =	sdelay $0x3  }
0x8a: {  	s0 =	sadd.s32 s1, s0  }
0x8b: {  	[smem:$0x3FBC] =	sst s0  }
0x8c: {  	_ = 	snop  }
0x8d: {  	(tm) =	ssettm $0x1  }
0x8e: {  	s15 =	sld [smem:$0x3FFB];
	_ =	sdelay $0x3  }
0x8f: {  	_ =	strace s15  }
0x90: {  	s0 =	sld [smem:$0x3FFC];
	_ =	sdelay $0x3  }
0x91: {  	_ =	strace s0  }
0x92: {  	s0 =	sld [smem:$0x3FFD];
	_ =	sdelay $0x3  }
0x93: {  	_ =	strace s0  }
0x94: {  	_ =	strace $0x8FFFFFFF  }
0x95: {  	s16 =	sld [smem:$0x3FDB];
	_ =	sdelay $0x1  }
0x96: {  	s17 =	simm.s32 $_scs_section_size  }
0x97: {  	s2 =	simm.s32 $_size__tile_overlayer_lowered;
	s3 =	simm.s32 $_tile_overlayer_lowered  }
0x98: {  	s20 =	simm.s32 $0x1BFF;
	s19 =	sshll.u32 s3, $0x1;
	s0 =	sadd.s32 s17, s16  }
0x99: {  	s4 =	simm.s32 $0x0;
	s18 =	sshll.u32 s2, $0x1;
	s2 =	sadd.s32 s19, s0  }
0x9a: {  	[timem:s4], [sflag:s20] =	dma.local [hbm:s2], s18  }
0x9b: {  	_ =	swait.ge [sflag:s20], s18  }
0x9c: {  	s1 =	ssub.s32 $0x0, s18;
	[sflag:s20] =	ssyncset.done $0x0  }
0x9d: {  	[sflag:s20] =	ssyncadd.s32 s1;
	_ =	sdelay $0x1  }
0x9e: {  	s21 =	simm.s32 $0x1B8B  }
0x9f: {  	_ =	swait.ge [sflag:s21], $0x1  }
0xa0: {  	[sflag:s21] =	ssyncset.done $0x0  }
0xa1: {  	s23 =	simm.s32 $0x1B8E;
	s22 =	sld [smem:$0x3FFE];
	[sflag:s21] =	ssyncadd.s32 $0xFFFFFFFF  }
0xa2: {  	s24 =	simm.s32 $execute0_lowered;
	[smem:$0x3FD2] =	sst s23  }
0xa3: {  	s2 =	sshll.u32 s24, $0x1;
	_ =	strace $0x8000004C;
	[dreg:$0x1] =	wrdreg $0xFFFFFFFF  }
0xa4: {  	s25 =	simm.s32 $_size_execute0_lowered;
	s0 =	sadd.s32 s0, s2;
	[dreg:$0x0] =	wrdreg $0x0  }
0xa5: {  	s2 =	sshll.u32 s25, $0x1;
	[dreg:$0x2] =	wrdreg s0  }
0xa6: {  	[dreg:$0x3] =	wrdreg s2  }
0xa7: {  	[dreg:$0x4] =	wrdreg $0xC0  }
0xa8: {  	_ =	task [dreg:s4], $0x5FFFF  }
0xa9: {  	[dreg:$0x1] =	wrdreg $0xFFFFFFFF  }
0xaa: {  	[dreg:$0x0] =	wrdreg $0x60  }
0xab: {  	[dreg:$0x2] =	wrdreg s22  }
0xac: {  	[dreg:$0x3] =	wrdreg $0x9  }
0xad: {  	_ =	task.clear_ibuf [dreg:s4], $0x4FFFF;
	_ =	strace $0x9000004C  }
0xae: {  	s26 =	simm.s32 $0x9;
	_ =	strace $0x8000004E  }
0xaf: {  	_ =	swait.ge [sflag:s26], $0x1  }
0xb0: {  	[sflag:s26] =	ssyncadd.s32 $0xFFFFFFFF  }
0xb1: {  	_ =	strace $0x9000004E  }
0xb2: {  	_ =	sfence  }
0xb3: {  	s28 =	sld [smem:$0x0];
	_ =	sdelay $0x1  }
0xb4: {  	s29 =	srdreg.scid  }
0xb5: {  	s30 =	sshll.u32 s29, $0xD;
	s31 =	sshrl.u32 s29, $0x2  }
0xb6: {  	s1 =	sand.u32 $0x1, s29;
	s2 =	sand.u32 $0x4000, s30;
	s0 =	sadd.s32 s31, s28  }
0xb7: {  	s1 =	sor.u32 s2, s1;
	s0 =	sshll.u32 s0, $0x11  }
0xb8: {  	s0 =	sor.u32 s0, s1  }
0xb9: {  	s0 =	sadd.s32 $0x8F2B, s0  }
0xba: {  	[sflag:s0] =	ssyncadd.remote.s32 $0x1  }
0xbb: {  	_ =	sfence.sel $0xFFFF  }
0xbc: {  	[dreg:$0x0] =	wrdreg $0xFFFFFFFF;
	(pc) =	sbr.abs _section_cstart, $3  }
0xbd: {  	[dreg:$0x1] =	wrdreg $0xFFFFFFFF  }
0xbe: {  	_ =	task.clear_ibuf [dreg:s4], $0x2FFFF;
	_ =	strace $0x9FFFFFFF  }
0xbf: {  	(tm) =	ssettm $0x7FFFFFFF  }
tec
execute0_lowered:
.L_overlay_start_1:
0x0: {  	(tag) =	ssettag $0x1  }
0x1: {  	s8 =	rddreg [dreg:$0x0]  }
0x2: {  	s0 =	rddreg [dreg:$0x1];
	_ =	strace $0x8000004D  }
0x3: {  	s4 =	simm.s32 $0x1;
	s1 =	stileid.u32;
	s7 =	simm.s32 $0x1  }
0x4: {  	s9 =	simm.s32 $0x1;
	s6 =	simm.s32 $0x2;
	s10 =	simm.s32 $0x3  }
0x5: {  	s13 =	simm.s32 $0x0;
	s12 =	simm.s32 $0x0;
	s2 =	sadd.s32 $0x1A00, s8  }
.Ltmp0:
0x6: {  	s3 =	sadd.s32 $0x2000, s8;
	p0 =	slt.u32 s1, $0xA;
	(pc) =	sbr.rel .LBB2_1-.Ltmp0, $4  }
0x7: {  	[sflag:s4] =	ssyncpa.u1 $0x0;
	s7 =	simm.s32 @!p0 $0x0;
	p0 =	sne.s32 s1, $0x9  }
0x8: {  	s5 =	smul.u32 $0x190, s1;
	[sflag:s6] =	ssyncpa.u1 $0x0;
	s9 =	simm.s32 @!p0 $0x0  }
0x9: {  	s8 =	sadd.s32 $0x2600, s8;
	[sflag:s10] =	ssyncpa.u1 $0x0;
	s7 =	sadd.s32 s9, s7  }
0xa: {  	vm0 =	vmmov $0xffff;
	s10 =	simm.s32 $0x0;
	s11 =	smov.u32 s5;
	s9 =	sadd.s32 $0x1, s7  }
.LBB2_4:
0xb: {  	v2 =	vnsel vm1, $0x0, v2  }
0xc: {  	vm1 =	vgt.s32 v0, $0x0;
	v2 =	vmin.u32 v2, $0x270F  }
0xd: {  	v0 =	vnsel vm1, $0x0, v0  }
0xe: {  	v0 =	vmin.u32 v0, $0x270F  }
0xf: {  	[tilespmem:s18], [sflag:$0x1] =	stream.indirect_vreg.gather [hbm4b:s2+s10], $0x1, v1, vm0, $0x4038;
	[tilespmem:$0x640] =	vst v63  }
0x10: {  	(ifvalue) =	ssetifvalue $0x7FFFFFFF  }
0x11: {  	[tilespmem:s15], [sflag:$0x1] =	stream.indirect_vreg.gather [hbm4b:s2+s10], $0x1, v2, vm0, $0x4038;
	[tilespmem:$0x640] =	vst v63  }
0x12: {  	s29 =	sadd.s32 $0x10, s15;
	(ifvalue) =	ssetifvalue $0x7FFFFFFF  }
0x13: {  	[tilespmem:s29], [sflag:$0x1] =	stream.indirect_vreg.gather [hbm4b:s2+s10], $0x1, v0, vm0, $0x4038;
	[tilespmem:$0x640] =	vst v63  }
0x14: {  	_ =	swait.ge [sflag:s4], $0x190  }
0x15: {  	s30 =	sshrl.u32 s13, $0x3;
	[sflag:s4] =	ssyncset.done $0x0  }
0x16: {  	s31 =	sand.u32 $0x7, s13;
	s15 =	sadd.s32 s8, s30;
	[sflag:s4] =	ssyncadd.s32 $0xFFFFFE70  }
0x17: {  	[hbm4b:s15+s31] =	stream.linear.scatter [tilespmem:s14], [sflag:$0x3], $0x190, $0x38;
	[tilespmem:$0x640] =	vst v63  }
.LBB2_5:
0x18: {  	s15 =	sadd.s32 $0x1900, s11  }
0x19: {  	p1 =	sgt.s32 s15, $0x270F  }
0x1a: {  	s15 =	smov.u32 @p1 s5;
	p1 =	sne.s32 s12, s9  }
.Ltmp1:
0x1b: {  	p0 =	slt.u32 s12, $0x2;
	(pc) =	sbr.rel @!p1 .LBB2_6-.Ltmp1, $4  }
0x1c: {  	s14 =	simm.s32 @!p0 $0x3  }
0x1d: {  	_ =	swait.ge @!p0 [sflag:s14], $0x190  }
0x1e: {  	s16 =	sadd.s32 $0x1, s12;
	s13 =	smov.u32 s11;
	[sflag:s14] =	ssyncset.done @!p0 $0x0  }
0x1f: {  	s12 =	smov.u32 s16;
	s11 =	smov.u32 s15;
	[sflag:s14] =	ssyncadd.s32 @!p0 $0xFFFFFE70  }
.LBB2_1:
0x20: {  	p0 =	sge.u32 s12, s7  }
0x21: {  	s14 =	sxor.u32 @!p0 $0x1, s12  }
0x22: {  	s14 =	smul.u32 @!p0 $0x640, s14  }
0x23: {  	s31 =	sadd.s32 $0xFFFFFFFF, s12;
	s15 =	sshrl.u32 @!p0 s11, $0x3  }
0x24: {  	s16 =	sand.u32 @!p0 $0x7, s11;
	s15 =	sadd.s32 @!p0 s3, s15;
	s14 =	sshra.s32 @!p0 s14, $0x2  }
0x25: {  	[tilespmem:s14], [sflag:$0x2] =	stream.linear.gather @!p0 [hbm4b:s15+s16], $0x190, $0x38;
	[tilespmem:$0x640] =	vst v63  }
0x26: {  	p0 =	sge.u32 s31, s7  }
.Ltmp2:
0x27: {  	_ = 	snop;
	(pc) =	sbr.rel @p0 .LBB2_5-.Ltmp2, $1  }
0x28: {  	_ =	sdelay $0x3  }
0x29: {  	s14 =	sand.u32 $0x1, s12  }
0x2a: {  	_ =	swait.ge [sflag:s6], $0x190;
	p0 =	seq.s32 s14, $0x1;
	s14 =	simm.s32 $0x190  }
0x2b: {  	[sflag:s6] =	ssyncset.done $0x0;
	s14 =	simm.s32 @!p0 $0x0  }
0x2c: {  	[sflag:s6] =	ssyncadd.s32 $0xFFFFFE70;
	(ifvalue) =	ssetifvalue $0x7FFFFFFF;
	v0 =	vld.msk [tilespmem:s14+$0x0 ss:$0x1], $0xffff;
	_ =	sdelay $0x4  }
0x2d: {  	s15 =	sadd.s32 $0x10, s14;
	vm1 =	vgt.s32 v0, $0x0  }
0x2e: {  	v2 =	vld.msk [tilespmem:s15+$0x0 ss:$0x1], $0xffff;
	v1 =	vnsel vm1, $0x0, v0  }
0x2f: {  	v1 =	vmin.u32 v1, $0x270F;
	_ =	sdelay $0x2  }
0x30: {  	s17 =	simm.s32 $0x20;
	s14 =	sadd.s32 $0x320, s14;
	s16 =	sadd.s32 $0x10, s15  }
0x31: {  	s15 =	sadd.s32 $0x10, s14;
	s18 =	smov.u32 s14;
	v0 =	vld.msk [tilespmem:s16+$0x0 ss:$0x1], $0xffff;
	vm1 =	vgt.s32 v2, $0x0;
	(ifvalue) =	ssetifvalue $0x7FFFFFFF  }
.LBB2_3:
0x32: {  	[tilespmem:s18], [sflag:$0x1] =	stream.indirect_vreg.gather [hbm4b:s2+s10], $0x1, v1, vm0, $0x4038;
	[tilespmem:$0x640] =	vst v63  }
0x33: {  	s17 =	sadd.s32 $0x10, s17  }
0x34: {  	v2 =	vnsel vm1, $0x0, v2;
	p0 =	slt.u32 s17, $0x180  }
.Ltmp3:
0x35: {  	s18 =	smov.u32 s15;
	v1 =	vmin.u32 v2, $0x270F;
	(pc) =	sbr.rel @p0 .LBB2_3-.Ltmp3, $3  }
0x36: {  	_ =	sdelay $0x1  }
0x37: {  	s16 =	sadd.s32 $0x10, s16  }
0x38: {  	vm1 =	vgt.s32 v0, $0x0;
	s15 =	sadd.s32 $0x10, s15;
	v2 =	vmov v0;
	(ifvalue) =	ssetifvalue $0x7FFFFFFF;
	v0 =	vld.msk [tilespmem:s16+$0x0 ss:$0x1], $0xffff  }
.Ltmp4:
0x39: {  	_ = 	snop;
	(pc) =	sbr.rel .LBB2_4-.Ltmp4, $1  }
0x3a: {  	_ =	sdelay $0x3  }
.LBB2_6:
0x3b: {  	_ =	sfence.sel $0x180000  }
0x3c: {  	s2 =	simm.s32 $0x2;
	[bflag:$0x0] =	sbarrier.arrive $0xFFFF  }
0x3d: {  	s30 =	simm.s32 $0x3;
	[sflag:s2] =	ssyncpa.u1 $0x1  }
0x3e: {  	s31 =	simm.s32 $0x1;
	[sflag:s30] =	ssyncpa.u1 $0x1  }
0x3f: {  	[sflag:s31] =	ssyncpa.u1 $0x1  }
0x40: {  	p0 =	sne.s32 s1, $0x0;
	_ =	strace $0x9000004D  }
0x41: {  	s0 =	sadd.s32 @!p0 $0x100000, s0;
	[bflag:$0x2] =	sbarrier.arrive $0xFFFF  }
0x42: {  	[sflag:s0] =	ssyncadd.tile.s32 @!p0 $0x1;
	_ =	shalt  }
.Lfunc_end2:
_tile_overlayer_lowered:
.L_overlay_start_2:
0x43: {  	(tag) =	ssettag $0x2  }
0x44: {  	s0 =	rddreg [dreg:$0x0];
	s2 =	stileid.u32  }
0x45: {  	s1 =	rddreg [dreg:$0x1];
	p0 =	sne.s32 s2, $0x0  }
0x46: {  	s3 =	rddreg [dreg:$0x2];
	[bflag:$0x3] =	sbarrier.arrive $0xFFFF;
	s2 =	simm.s32 @!p0 $0x1C01  }
0x47: {  	[timem:s3], [sflag:s2] =	dma.local @!p0 [hbm:s0], s1  }
0x48: {  	s0 =	simm.s32 @!p0 $0x1  }
0x49: {  	_ =	swait.ge @!p0 [sflag:s0], s1  }
0x4a: {  	s1 =	ssub.s32 @!p0 $0x0, s1;
	[sflag:s0] =	ssyncset.done @!p0 $0x0  }
0x4b: {  	[sflag:s0] =	ssyncadd.s32 @!p0 s1  }
0x4c: {  	[bflag:$0x3] =	sbarrier.arrive $0xFFFF  }
0x4d: {  	_ =	shalt  }

// kernel: kernel.10.cloned.1.call-start
scs
__scs_entry_jumppad:
0x0: {  	(pc) =	sbr.rel $0x88, $3  }
0x1: {  	(tag) =	ssettag $0x0;
	lr =	simm.s32 $0x1  }
0x2: {  	[smem:$0x3F95] =	sst lr;
	_ =	strace $0xD0000000  }
0x3: {  	_ = 	snop  }
0x4: {  	_ = 	snop  }
0x5: {  	_ = 	snop  }
0x6: {  	_ = 	snop  }
0x7: {  	_ = 	snop  }
__scs_overlays_trampoline_lowered:
0x8: {  	[smem:$0x3FA4] =	sst s0  }
0x9: {  	[smem:$0x3FA5] =	sst s1  }
0xa: {  	[smem:$0x3FA6] =	sst s2  }
0xb: {  	[smem:$0x3FA7] =	sst s3  }
0xc: {  	[smem:$0x3FA8] =	sst s4  }
0xd: {  	[smem:$0x3FA9] =	sst s5  }
0xe: {  	[smem:$0x3FAA] =	sst s6  }
0xf: {  	[smem:$0x3FAB] =	sst s7  }
0x10: {  	[smem:$0x3FAC] =	sst s8  }
0x11: {  	[smem:$0x3FAD] =	sst s9;
	s0 =	simm.s32 @!p0 $0x0  }
0x12: {  	s1 =	sld [smem:$0x3F93];
	s0 =	simm.s32 @p0 $0x1  }
0x13: {  	[smem:$0x3FAE] =	sst s0;
	s0 =	simm.s32 @!p1 $0x0  }
0x14: {  	s2 =	sld [smem:$0x3F92];
	s0 =	simm.s32 @p1 $0x1  }
0x15: {  	[smem:$0x3FAF] =	sst s0;
	s0 =	simm.s32 @!p2 $0x0  }
0x16: {  	s3 =	sld [smem:$0x3FDB];
	s0 =	simm.s32 @p2 $0x1  }
0x17: {  	s4 =	simm.s32 $0x1BF5;
	[smem:$0x3FB1] =	sst s0  }
0x18: {  	s0 =	sld [smem:$0x3F94];
	_ =	swait.ge [sflag:s4], $0x0  }
0x19: {  	s7 =	sld [smem:$0x3F95]  }
0x1a: {  	s8 =	sadd.s32 $0xFFFFE003, lr  }
0x1b: {  	s9 =	sadd.s32 $0xFFFFFEF7, lr;
	s5 =	simm.s32 $0xFFFFFFFF;
	p2 =	slt.u32 s8, $0xFFFFF086  }
0x1c: {  	p1 =	slt.u32 s9, $0xF7A;
	s5 =	simm.s32 @!p2 $0x0  }
0x1d: {  	s5 =	simm.s32 @p1 $0x1;
	p0 =	seq.s32 s7, s2  }
0x1e: {  	s7 =	smul.u32 @!p0 $0xF7A, s2;
	p2 =	seq.s32 @!p0 s5, $0x0  }
0x1f: {  	s9 =	smul.u32 $0xF7A, s1;
	s8 =	simm.s32 @!p0 $0x1BF5;
	p2 =	por !p2, p0  }
0x20: {  	[sflag:s8] =	ssyncset.s32 @!p0 $0xFFFFF086;
	s6 =	sadd.s32 @!p0 s3, s7;
	s7 =	simm.s32 @!p0 $0x108  }
0x21: {  	s3 =	sadd.s32 s3, s9;
	s6 =	sadd.s32 @!p0 $0x88, s6;
	s7 =	simm.s32 @p2 $0x1082  }
0x22: {  	[simem:s7], [sflag:s8] =	dma.local @!p0 [hbm:s6], $0xF7A  }
0x23: {  	s9 =	sor.u32 $0xD0000000, s2;
	s6 =	simm.s32 $0x108;
	_ =	swait.ge @!p0 [sflag:s8], $0x0  }
0x24: {  	s3 =	sadd.s32 $0x88, s3;
	s6 =	simm.s32 @!p1 $0x1082;
	[sflag:s4] =	ssyncset.s32 $0xFFFFF086  }
0x25: {  	[simem:s6], [sflag:s4] =	dma.local [hbm:s3], $0xF7A  }
0x26: {  	[smem:$0x3F95] =	sst s1;
	(tag) =	ssettag s2;
	_ =	strace s9  }
0x27: {  	s1 =	sld [smem:$0x3FA5]  }
0x28: {  	s2 =	sld [smem:$0x3FA6]  }
0x29: {  	s4 =	sld [smem:$0x3FA8]  }
0x2a: {  	p0 =	seq.s32 s5, $0x0;
	s5 =	sld [smem:$0x3FA9]  }
0x2b: {  	s6 =	sld [smem:$0x3FAA]  }
0x2c: {  	s7 =	sld [smem:$0x3FAB]  }
0x2d: {  	s3 =	simm.s32 $0x108;
	s8 =	sld [smem:$0x3FAC]  }
0x2e: {  	s3 =	simm.s32 @!p0 $0x1082;
	s9 =	sld [smem:$0x3FAD]  }
0x2f: {  	lr =	sadd.s32 s0, s3;
	s0 =	sld [smem:$0x3FA4]  }
0x30: {  	s3 =	sld [smem:$0x3FA7]  }
0x31: {  	[smem:$0x3FB0] =	sst s10  }
0x32: {  	s10 =	sld [smem:$0x3FAE];
	_ =	sdelay $0x3  }
0x33: {  	p0 =	seq.s32 s10, $0x1;
	s10 =	sld [smem:$0x3FB0];
	_ =	sdelay $0x3  }
0x34: {  	[smem:$0x3FB0] =	sst s10  }
0x35: {  	s10 =	sld [smem:$0x3FAF];
	_ =	sdelay $0x3  }
0x36: {  	p1 =	seq.s32 s10, $0x1;
	s10 =	sld [smem:$0x3FB0];
	_ =	sdelay $0x3  }
0x37: {  	[smem:$0x3FB0] =	sst s10  }
0x38: {  	s10 =	sld [smem:$0x3FB1]  }
0x39: {  	_ = 	snop;
	(pc) =	sbr.ind lr, $3  }
0x3a: {  	_ = 	snop  }
0x3b: {  	_ = 	snop  }
0x3c: {  	p2 =	seq.s32 s10, $0x1;
	s10 =	sld [smem:$0x3FB0]  }
0x3d: {  	_ =	shalt  }
0x3e: {  	_ =	shalt  }
0x3f: {  	_ =	shalt  }
0x40: {  	_ =	shalt  }
0x41: {  	_ =	shalt  }
0x42: {  	_ =	shalt  }
0x43: {  	_ =	shalt  }
0x44: {  	_ =	shalt  }
0x45: {  	_ =	shalt  }
0x46: {  	_ =	shalt  }
0x47: {  	_ =	shalt  }
0x48: {  	_ =	shalt  }
0x49: {  	_ =	shalt  }
0x4a: {  	_ =	shalt  }
0x4b: {  	_ =	shalt  }
0x4c: {  	_ =	shalt  }
0x4d: {  	_ =	shalt  }
0x4e: {  	_ =	shalt  }
0x4f: {  	_ =	shalt  }
0x50: {  	_ =	shalt  }
0x51: {  	_ =	shalt  }
0x52: {  	_ =	shalt  }
0x53: {  	_ =	shalt  }
0x54: {  	_ =	shalt  }
0x55: {  	_ =	shalt  }
0x56: {  	_ =	shalt  }
0x57: {  	_ =	shalt  }
0x58: {  	_ =	shalt  }
0x59: {  	_ =	shalt  }
0x5a: {  	_ =	shalt  }
0x5b: {  	_ =	shalt  }
0x5c: {  	_ =	shalt  }
0x5d: {  	_ =	shalt  }
0x5e: {  	_ =	shalt  }
0x5f: {  	_ =	shalt  }
0x60: {  	_ =	shalt  }
0x61: {  	_ =	shalt  }
0x62: {  	_ =	shalt  }
0x63: {  	_ =	shalt  }
0x64: {  	_ =	shalt  }
0x65: {  	_ =	shalt  }
0x66: {  	_ =	shalt  }
0x67: {  	_ =	shalt  }
0x68: {  	_ =	shalt  }
0x69: {  	_ =	shalt  }
0x6a: {  	_ =	shalt  }
0x6b: {  	_ =	shalt  }
0x6c: {  	_ =	shalt  }
0x6d: {  	_ =	shalt  }
0x6e: {  	_ =	shalt  }
0x6f: {  	_ =	shalt  }
0x70: {  	_ =	shalt  }
0x71: {  	_ =	shalt  }
0x72: {  	_ =	shalt  }
0x73: {  	_ =	shalt  }
0x74: {  	_ =	shalt  }
0x75: {  	_ =	shalt  }
0x76: {  	_ =	shalt  }
0x77: {  	_ =	shalt  }
0x78: {  	_ =	shalt  }
0x79: {  	_ =	shalt  }
0x7a: {  	_ =	shalt  }
0x7b: {  	_ =	shalt  }
0x7c: {  	_ =	shalt  }
0x7d: {  	_ =	shalt  }
0x7e: {  	_ =	shalt  }
0x7f: {  	_ =	shalt  }
0x80: {  	_ =	shalt  }
0x81: {  	_ =	shalt  }
0x82: {  	_ =	shalt  }
0x83: {  	_ =	shalt  }
0x84: {  	_ =	shalt  }
0x85: {  	_ =	shalt  }
0x86: {  	_ =	shalt  }
0x87: {  	_ =	shalt  }
.Lfunc_end0:
.L_simem_size_0:
called_computation.1_lowered:
.L_overlay_start_0:
0x88: {  	s2 =	sld [smem:$0x3FD9]  }
0x89: {  	s3 =	sld [smem:$0x3FFE];
	_ =	sdelay $0x1  }
0x8a: {  	s1 =	srdreg.scid  }
0x8b: {  	s0 =	sand.u32 $0x1, s1  }
0x8c: {  	s17 =	sshll.u32 s0, $0xA;
	s2 =	sadd.s32 s3, s2  }
0x8d: {  	s2 =	sadd.s32 s2, s17  }
0x8e: {  	[smem:$0x3FBC] =	sst s2  }
0x8f: {  	_ = 	snop  }
0x90: {  	s2 =	sld [smem:$0x3FD0];
	(tm) =	ssettm $0x1  }
0x91: {  	s18 =	sld [smem:$0x3FFB];
	_ =	sdelay $0x3  }
0x92: {  	_ =	strace s18  }
0x93: {  	s3 =	sld [smem:$0x3FFC];
	_ =	sdelay $0x3  }
0x94: {  	_ =	strace s3  }
0x95: {  	s3 =	sld [smem:$0x3FFD];
	_ =	sdelay $0x3  }
0x96: {  	_ =	strace s3  }
0x97: {  	_ =	strace $0x8FFFFFFF  }
0x98: {  	s19 =	sld [smem:$0x3FDB];
	_ =	sdelay $0x1  }
0x99: {  	s4 =	simm.s32 $_scs_section_size  }
0x9a: {  	s5 =	simm.s32 $_size__tile_overlayer_lowered;
	s6 =	simm.s32 $_tile_overlayer_lowered  }
0x9b: {  	s22 =	simm.s32 $0x1BFF;
	s21 =	sshll.u32 s6, $0x1;
	s3 =	sadd.s32 s4, s19  }
0x9c: {  	s7 =	simm.s32 $0x0;
	s20 =	sshll.u32 s5, $0x1;
	s5 =	sadd.s32 s21, s3  }
0x9d: {  	[timem:s7], [sflag:s22] =	dma.local [hbm:s5], s20  }
0x9e: {  	_ =	swait.ge [sflag:s22], s20  }
0x9f: {  	s4 =	ssub.s32 $0x0, s20;
	[sflag:s22] =	ssyncset.done $0x0  }
0xa0: {  	[sflag:s22] =	ssyncadd.s32 s4;
	_ =	sdelay $0x1  }
0xa1: {  	s23 =	simm.s32 $0x1B8B  }
0xa2: {  	_ =	swait.ge [sflag:s23], $0x1  }
0xa3: {  	[sflag:s23] =	ssyncset.done $0x0  }
0xa4: {  	s25 =	simm.s32 $0x1B8E;
	s24 =	sld [smem:$0x3FFE];
	[sflag:s23] =	ssyncadd.s32 $0xFFFFFFFF  }
0xa5: {  	s26 =	simm.s32 $execute0_lowered;
	[smem:$0x3FD2] =	sst s25  }
0xa6: {  	s5 =	sshll.u32 s26, $0x1;
	_ =	strace $0x80000046;
	[dreg:$0x1] =	wrdreg $0xFFFFFFFF  }
0xa7: {  	s28 =	simm.s32 $_size_execute0_lowered;
	s3 =	sadd.s32 s3, s5;
	[dreg:$0x0] =	wrdreg $0x0  }
0xa8: {  	s5 =	sshll.u32 s28, $0x1;
	[dreg:$0x2] =	wrdreg s3  }
0xa9: {  	[dreg:$0x3] =	wrdreg s5  }
0xaa: {  	[dreg:$0x4] =	wrdreg $0xC0  }
0xab: {  	_ =	task [dreg:s7], $0x5FFFF  }
0xac: {  	[dreg:$0x1] =	wrdreg $0xFFFFFFFF  }
0xad: {  	[dreg:$0x0] =	wrdreg $0x60  }
0xae: {  	[dreg:$0x2] =	wrdreg s2  }
0xaf: {  	[dreg:$0x3] =	wrdreg s24  }
0xb0: {  	[dreg:$0x4] =	wrdreg $0x9  }
0xb1: {  	_ =	task.clear_ibuf [dreg:s7], $0x5FFFF;
	_ =	strace $0x90000046  }
0xb2: {  	s29 =	simm.s32 $0x9;
	_ =	strace $0x80000048  }
0xb3: {  	_ =	swait.ge [sflag:s29], $0x1  }
0xb4: {  	[sflag:s29] =	ssyncadd.s32 $0xFFFFFFFF  }
0xb5: {  	_ =	strace $0x90000048  }
0xb6: {  	_ =	sfence  }
0xb7: {  	s30 =	sld [smem:$0x0];
	_ =	sdelay $0x2  }
0xb8: {  	s31 =	sshll.u32 s1, $0xD;
	s1 =	sshrl.u32 s1, $0x2  }
0xb9: {  	s3 =	sand.u32 $0x4000, s31;
	s1 =	sadd.s32 s1, s30  }
0xba: {  	s0 =	sor.u32 s3, s0;
	s1 =	sshll.u32 s1, $0x11  }
0xbb: {  	s0 =	sor.u32 s1, s0  }
0xbc: {  	s0 =	sadd.s32 $0x8F2B, s0  }
0xbd: {  	[sflag:s0] =	ssyncadd.remote.s32 $0x1  }
0xbe: {  	_ =	sfence.sel $0xFFFF  }
0xbf: {  	[dreg:$0x0] =	wrdreg $0xFFFFFFFF;
	(pc) =	sbr.abs _section_cstart, $3  }
0xc0: {  	[dreg:$0x1] =	wrdreg $0xFFFFFFFF  }
0xc1: {  	_ =	task.clear_ibuf [dreg:s7], $0x2FFFF;
	_ =	strace $0x9FFFFFFF  }
0xc2: {  	(tm) =	ssettm $0x7FFFFFFF  }
0xc3: {  	_ =	shalt  }
tec
execute0_lowered:
.L_overlay_start_1:
0x0: {  	(tag) =	ssettag $0x1  }
0x1: {  	s2 =	rddreg [dreg:$0x0]  }
0x2: {  	s4 =	rddreg [dreg:$0x1]  }
0x3: {  	s0 =	rddreg [dreg:$0x2];
	s5 =	srdreg.scid  }
0x4: {  	s1 =	stileid.u32;
	s3 =	simm.s32 $0x0;
	s12 =	simm.s32 $0x5400  }
0x5: {  	s13 =	simm.s32 $0x100;
	s14 =	simm.s32 $0x6800;
	s15 =	simm.s32 $0x180  }
0x6: {  	s16 =	simm.s32 $0x7C00;
	s17 =	simm.s32 $0x5;
	s18 =	simm.s32 $0x0  }
0x7: {  	s5 =	sand.u32 $0x1, s5;
	s6 =	sshll.u32 s1, $0x1;
	[smem:$0x7FF] =	sst s3  }
0x8: {  	s9 =	smul.u32 $0x27100, s1;
	s10 =	sadd.s32 $0x1B800, s4;
	s6 =	sor.u32 s5, s6  }
0x9: {  	_ =	strace $0x80000047;
	s8 =	ssub.s32 $0x2, s5;
	s11 =	smul.u32 $0x13880, s5  }
0xa: {  	s7 =	sshll.u32 s6, $0xB;
	s6 =	smul.u32 $0x13880, s6;
	s29 =	sshrl.u32 s8, $0x1  }
0xb: {  	s31 =	sadd.s32 s9, s10;
	s9 =	simm.s32 $0x28;
	s7 =	sadd.s32 s7, s4  }
0xc: {  	s30 =	ssub.s32 s8, s29;
	s8 =	simm.s32 $0x9;
	s4 =	sadd.s32 $0xB800, s7  }
0xd: {  	s5 =	smax.u32 s30, $0x1;
	s6 =	sadd.s32 s10, s6;
	s7 =	sadd.s32 s11, s31  }
0xe: {  	s10 =	simm.s32 $0x4000;
	s11 =	simm.s32 $0x80;
	s7 =	sadd.s32 $0x280, s7  }
.LBB2_1:
0xf: {  	[tilespmem:s3], [sflag:$0x9] =	stream.linear.gather [hbm4b:s4+s3], $0x3E80, $0x38;
	[tilespmem:$0x9000] =	vst v63  }
0x10: {  	_ =	swait.ge [sflag:s8], $0x3E80  }
0x11: {  	[sflag:s8] =	ssyncset.done $0x0  }
0x12: {  	[sflag:s8] =	ssyncadd.s32 $0xFFFFC180  }
0x13: {  	[tilespmem:s10], [sflag:$0x1] =	stream.indirect.gather [hbm4b:s2+s9], $0x80, s3, s9, $0xb8;
	[tilespmem:$0x9000] =	vst v63  }
0x14: {  	_ = 	snop  }
0x15: {  	[tilespmem:s12], [sflag:$0x2] =	stream.indirect.gather [hbm4b:s2+s9], $0x80, s11, s9, $0xb8;
	[tilespmem:$0x9000] =	vst v63  }
0x16: {  	s19 =	simm.s32 $0x1  }
0x17: {  	[tilespmem:s14], [sflag:$0x3] =	stream.indirect.gather [hbm4b:s2+s9], $0x80, s13, s9, $0xb8;
	[tilespmem:$0x9000] =	vst v63  }
0x18: {  	_ =	swait.ge [sflag:s19], $0x1400  }
0x19: {  	[sflag:s19] =	ssyncset.done $0x0  }
0x1a: {  	[sflag:s19] =	ssyncadd.s32 $0xFFFFEC00  }
0x1b: {  	[hbm4b:s6+s3] =	stream.linear.scatter [tilespmem:s10], [sflag:$0x5], $0x1400, $0x38;
	[tilespmem:$0x9000] =	vst v63  }
0x1c: {  	s20 =	simm.s32 $0x200;
	s21 =	smov.u32 s7  }
0x1d: {  	[tilespmem:s16], [sflag:$0x4] =	stream.indirect.gather [hbm4b:s2+s9], $0x80, s15, s9, $0xb8;
	[tilespmem:$0x9000] =	vst v63  }
.LBB2_2:
0x1e: {  	s22 =	sand.u32 $0x3, s19  }
0x1f: {  	p0 =	sgt.s32 s22, $0x1  }
0x20: {  	p1 =	seq.s32 @p0 s22, $0x2  }
0x21: {  	p2 =	por !p1, !p0  }
0x22: {  	s23 =	simm.s32 @!p2 $0x3  }
0x23: {  	_ =	swait.ge @!p2 [sflag:s23], $0x1400  }
0x24: {  	s24 =	simm.s32 @!p2 $0x6800;
	[sflag:s23] =	ssyncset.done @!p2 $0x0  }
0x25: {  	p3 =	sgt.u32 @!p2 s19, $0x79;
	[sflag:s23] =	ssyncadd.s32 @!p2 $0xFFFFEC00;
	s23 =	simm.s32 @!p2 $0x0  }
0x26: {  	[hbm4b:s21+s23] =	stream.linear.scatter @!p2 [tilespmem:s24], [sflag:$0x7], $0x1400, $0x38;
	[tilespmem:$0x9000] =	vst v63  }
0x27: {  	p3 =	por @p0 p3, !p1;
	s23 =	simm.s32 @!p2 $0x6  }
0x28: {  	p3 =	por p3, !p0;
	_ =	swait.ge @!p2 [sflag:s23], $0x1400  }
0x29: {  	s24 =	simm.s32 @!p3 $0x5400;
	[sflag:s23] =	ssyncset.done @!p2 $0x0  }
0x2a: {  	[sflag:s23] =	ssyncadd.s32 @!p2 $0xFFFFEC00;
	s23 =	simm.s32 @!p3 $0x28;
	p2 =	por p1, !p0  }
0x2b: {  	[tilespmem:s24], [sflag:$0x2] =	stream.indirect.gather @!p3 [hbm4b:s2+s23], $0x80, s20, s23, $0xb8;
	[tilespmem:$0x9000] =	vst v63  }
0x2c: {  	s23 =	simm.s32 @!p2 $0x4  }
0x2d: {  	_ =	swait.ge @!p2 [sflag:s23], $0x1400  }
0x2e: {  	[sflag:s23] =	ssyncset.done @!p2 $0x0  }
0x2f: {  	s24 =	simm.s32 @!p2 $0x7C00;
	[sflag:s23] =	ssyncadd.s32 @!p2 $0xFFFFEC00;
	s23 =	simm.s32 @!p2 $0x0  }
0x30: {  	[hbm4b:s21+s23] =	stream.linear.scatter @!p2 [tilespmem:s24], [sflag:$0x8], $0x1400, $0x38;
	[tilespmem:$0x9000] =	vst v63  }
0x31: {  	p3 =	sgt.u32 @!p2 s19, $0x79;
	s23 =	simm.s32 @!p2 $0x7  }
0x32: {  	p1 =	por @p0 p3, p1;
	_ =	swait.ge @!p2 [sflag:s23], $0x1400  }
0x33: {  	p1 =	por p1, !p0;
	[sflag:s23] =	ssyncset.done @!p2 $0x0  }
0x34: {  	s24 =	simm.s32 @!p1 $0x6800;
	[sflag:s23] =	ssyncadd.s32 @!p2 $0xFFFFEC00;
	s23 =	simm.s32 @!p1 $0x28  }
0x35: {  	[tilespmem:s24], [sflag:$0x3] =	stream.indirect.gather @!p1 [hbm4b:s2+s23], $0x80, s20, s23, $0xb8;
	[tilespmem:$0x9000] =	vst v63  }
0x36: {  	p1 =	seq.s32 @!p0 s22, $0x0  }
0x37: {  	p2 =	por !p1, p0  }
0x38: {  	s22 =	simm.s32 @!p2 $0x1  }
0x39: {  	_ =	swait.ge @!p2 [sflag:s22], $0x1400  }
0x3a: {  	s23 =	simm.s32 @!p2 $0x4000;
	[sflag:s22] =	ssyncset.done @!p2 $0x0  }
0x3b: {  	p3 =	sgt.u32 @!p2 s19, $0x79;
	[sflag:s22] =	ssyncadd.s32 @!p2 $0xFFFFEC00;
	s22 =	simm.s32 @!p2 $0x0  }
0x3c: {  	[hbm4b:s21+s22] =	stream.linear.scatter @!p2 [tilespmem:s23], [sflag:$0x5], $0x1400, $0x38;
	[tilespmem:$0x9000] =	vst v63  }
0x3d: {  	p3 =	por @!p0 p3, !p1;
	s22 =	simm.s32 @!p2 $0x8  }
0x3e: {  	p3 =	por p3, p0;
	_ =	swait.ge @!p2 [sflag:s22], $0x1400  }
0x3f: {  	s23 =	simm.s32 @!p3 $0x7C00;
	[sflag:s22] =	ssyncset.done @!p2 $0x0  }
0x40: {  	[sflag:s22] =	ssyncadd.s32 @!p2 $0xFFFFEC00;
	s22 =	simm.s32 @!p3 $0x28;
	p2 =	por p1, p0  }
0x41: {  	[tilespmem:s23], [sflag:$0x4] =	stream.indirect.gather @!p3 [hbm4b:s2+s22], $0x80, s20, s22, $0xb8;
	[tilespmem:$0x9000] =	vst v63  }
0x42: {  	s22 =	simm.s32 @!p2 $0x2  }
0x43: {  	_ =	swait.ge @!p2 [sflag:s22], $0x1400  }
0x44: {  	[sflag:s22] =	ssyncset.done @!p2 $0x0  }
0x45: {  	s23 =	simm.s32 @!p2 $0x5400;
	[sflag:s22] =	ssyncadd.s32 @!p2 $0xFFFFEC00;
	s22 =	simm.s32 @!p2 $0x0  }
0x46: {  	[hbm4b:s21+s22] =	stream.linear.scatter @!p2 [tilespmem:s23], [sflag:$0x6], $0x1400, $0x38;
	[tilespmem:$0x9000] =	vst v63  }
0x47: {  	p3 =	sgt.u32 @!p2 s19, $0x79;
	s22 =	simm.s32 @!p2 $0x5  }
0x48: {  	p1 =	por @!p0 p3, p1;
	_ =	swait.ge @!p2 [sflag:s22], $0x1400  }
0x49: {  	s19 =	sadd.s32 $0x1, s19;
	p0 =	por p1, p0;
	[sflag:s22] =	ssyncset.done @!p2 $0x0  }
0x4a: {  	s23 =	simm.s32 @!p0 $0x4000;
	[sflag:s22] =	ssyncadd.s32 @!p2 $0xFFFFEC00;
	s22 =	simm.s32 @!p0 $0x28  }
0x4b: {  	[tilespmem:s23], [sflag:$0x1] =	stream.indirect.gather @!p0 [hbm4b:s2+s22], $0x80, s20, s22, $0xb8;
	[tilespmem:$0x9000] =	vst v63  }
0x4c: {  	p0 =	sne.s32 s19, $0x7D  }
.Ltmp0:
0x4d: {  	_ = 	snop;
	(pc) =	sbr.rel @p0 .LBB2_2-.Ltmp0, $2  }
0x4e: {  	_ =	sdelay $0x2  }
0x4f: {  	s21 =	sadd.s32 $0x280, s21;
	s20 =	sadd.s32 $0x80, s20  }
0x50: {  	s18 =	sadd.s32 $0x1, s18  }
0x51: {  	p0 =	sne.s32 s18, s5  }
.Ltmp1:
0x52: {  	_ = 	snop;
	(pc) =	sbr.rel @p0 .LBB2_1-.Ltmp1, $4  }
0x53: {  	_ = 	snop  }
0x54: {  	_ =	swait.ge [sflag:s17], $0x1400  }
0x55: {  	[sflag:s17] =	ssyncset.done $0x0  }
0x56: {  	[sflag:s17] =	ssyncadd.s32 $0xFFFFEC00  }
0x57: {  	_ =	sfence.sel $0x180000  }
0x58: {  	[bflag:$0x0] =	sbarrier.arrive $0xFFFF  }
0x59: {  	p0 =	sne.s32 s1, $0x0;
	_ =	strace $0x90000047  }
0x5a: {  	s0 =	sadd.s32 @!p0 $0x100000, s0;
	[bflag:$0x2] =	sbarrier.arrive $0xFFFF  }
0x5b: {  	[sflag:s0] =	ssyncadd.tile.s32 @!p0 $0x1;
	_ =	shalt  }
.Lfunc_end2:
_tile_overlayer_lowered:
.L_overlay_start_2:
0x5c: {  	(tag) =	ssettag $0x2  }
0x5d: {  	s0 =	rddreg [dreg:$0x0];
	s2 =	stileid.u32  }
0x5e: {  	s1 =	rddreg [dreg:$0x1];
	p0 =	sne.s32 s2, $0x0  }
0x5f: {  	s3 =	rddreg [dreg:$0x2];
	[bflag:$0x3] =	sbarrier.arrive $0xFFFF;
	s2 =	simm.s32 @!p0 $0x1C09  }
0x60: {  	[timem:s3], [sflag:s2] =	dma.local @!p0 [hbm:s0], s1  }
0x61: {  	s0 =	simm.s32 @!p0 $0x9  }
0x62: {  	_ =	swait.ge @!p0 [sflag:s0], s1  }
0x63: {  	s1 =	ssub.s32 @!p0 $0x0, s1;
	[sflag:s0] =	ssyncset.done @!p0 $0x0  }
0x64: {  	[sflag:s0] =	ssyncadd.s32 @!p0 s1  }
0x65: {  	[bflag:$0x3] =	sbarrier.arrive $0xFFFF  }
0x66: {  	_ =	shalt  }

// kernel: kernel.13.cloned.1.call-start
scs
__scs_entry_jumppad:
0x0: {  	(pc) =	sbr.rel $0x88, $3  }
0x1: {  	(tag) =	ssettag $0x0;
	lr =	simm.s32 $0x1  }
0x2: {  	[smem:$0x3F95] =	sst lr;
	_ =	strace $0xD0000000  }
0x3: {  	_ = 	snop  }
0x4: {  	_ = 	snop  }
0x5: {  	_ = 	snop  }
0x6: {  	_ = 	snop  }
0x7: {  	_ = 	snop  }
__scs_overlays_trampoline_lowered:
0x8: {  	[smem:$0x3FA4] =	sst s0  }
0x9: {  	[smem:$0x3FA5] =	sst s1  }
0xa: {  	[smem:$0x3FA6] =	sst s2  }
0xb: {  	[smem:$0x3FA7] =	sst s3  }
0xc: {  	[smem:$0x3FA8] =	sst s4  }
0xd: {  	[smem:$0x3FA9] =	sst s5  }
0xe: {  	[smem:$0x3FAA] =	sst s6  }
0xf: {  	[smem:$0x3FAB] =	sst s7  }
0x10: {  	[smem:$0x3FAC] =	sst s8  }
0x11: {  	[smem:$0x3FAD] =	sst s9;
	s0 =	simm.s32 @!p0 $0x0  }
0x12: {  	s1 =	sld [smem:$0x3F93];
	s0 =	simm.s32 @p0 $0x1  }
0x13: {  	[smem:$0x3FAE] =	sst s0;
	s0 =	simm.s32 @!p1 $0x0  }
0x14: {  	s2 =	sld [smem:$0x3F92];
	s0 =	simm.s32 @p1 $0x1  }
0x15: {  	[smem:$0x3FAF] =	sst s0;
	s0 =	simm.s32 @!p2 $0x0  }
0x16: {  	s3 =	sld [smem:$0x3FDB];
	s0 =	simm.s32 @p2 $0x1  }
0x17: {  	s4 =	simm.s32 $0x1BF5;
	[smem:$0x3FB1] =	sst s0  }
0x18: {  	s0 =	sld [smem:$0x3F94];
	_ =	swait.ge [sflag:s4], $0x0  }
0x19: {  	s7 =	sld [smem:$0x3F95]  }
0x1a: {  	s8 =	sadd.s32 $0xFFFFE003, lr  }
0x1b: {  	s9 =	sadd.s32 $0xFFFFFEF7, lr;
	s5 =	simm.s32 $0xFFFFFFFF;
	p2 =	slt.u32 s8, $0xFFFFF086  }
0x1c: {  	p1 =	slt.u32 s9, $0xF7A;
	s5 =	simm.s32 @!p2 $0x0  }
0x1d: {  	s5 =	simm.s32 @p1 $0x1;
	p0 =	seq.s32 s7, s2  }
0x1e: {  	s7 =	smul.u32 @!p0 $0xF7A, s2;
	p2 =	seq.s32 @!p0 s5, $0x0  }
0x1f: {  	s9 =	smul.u32 $0xF7A, s1;
	s8 =	simm.s32 @!p0 $0x1BF5;
	p2 =	por !p2, p0  }
0x20: {  	[sflag:s8] =	ssyncset.s32 @!p0 $0xFFFFF086;
	s6 =	sadd.s32 @!p0 s3, s7;
	s7 =	simm.s32 @!p0 $0x108  }
0x21: {  	s3 =	sadd.s32 s3, s9;
	s6 =	sadd.s32 @!p0 $0x88, s6;
	s7 =	simm.s32 @p2 $0x1082  }
0x22: {  	[simem:s7], [sflag:s8] =	dma.local @!p0 [hbm:s6], $0xF7A  }
0x23: {  	s9 =	sor.u32 $0xD0000000, s2;
	s6 =	simm.s32 $0x108;
	_ =	swait.ge @!p0 [sflag:s8], $0x0  }
0x24: {  	s3 =	sadd.s32 $0x88, s3;
	s6 =	simm.s32 @!p1 $0x1082;
	[sflag:s4] =	ssyncset.s32 $0xFFFFF086  }
0x25: {  	[simem:s6], [sflag:s4] =	dma.local [hbm:s3], $0xF7A  }
0x26: {  	[smem:$0x3F95] =	sst s1;
	(tag) =	ssettag s2;
	_ =	strace s9  }
0x27: {  	s1 =	sld [smem:$0x3FA5]  }
0x28: {  	s2 =	sld [smem:$0x3FA6]  }
0x29: {  	s4 =	sld [smem:$0x3FA8]  }
0x2a: {  	p0 =	seq.s32 s5, $0x0;
	s5 =	sld [smem:$0x3FA9]  }
0x2b: {  	s6 =	sld [smem:$0x3FAA]  }
0x2c: {  	s7 =	sld [smem:$0x3FAB]  }
0x2d: {  	s3 =	simm.s32 $0x108;
	s8 =	sld [smem:$0x3FAC]  }
0x2e: {  	s3 =	simm.s32 @!p0 $0x1082;
	s9 =	sld [smem:$0x3FAD]  }
0x2f: {  	lr =	sadd.s32 s0, s3;
	s0 =	sld [smem:$0x3FA4]  }
0x30: {  	s3 =	sld [smem:$0x3FA7]  }
0x31: {  	[smem:$0x3FB0] =	sst s10  }
0x32: {  	s10 =	sld [smem:$0x3FAE];
	_ =	sdelay $0x3  }
0x33: {  	p0 =	seq.s32 s10, $0x1;
	s10 =	sld [smem:$0x3FB0];
	_ =	sdelay $0x3  }
0x34: {  	[smem:$0x3FB0] =	sst s10  }
0x35: {  	s10 =	sld [smem:$0x3FAF];
	_ =	sdelay $0x3  }
0x36: {  	p1 =	seq.s32 s10, $0x1;
	s10 =	sld [smem:$0x3FB0];
	_ =	sdelay $0x3  }
0x37: {  	[smem:$0x3FB0] =	sst s10  }
0x38: {  	s10 =	sld [smem:$0x3FB1]  }
0x39: {  	_ = 	snop;
	(pc) =	sbr.ind lr, $3  }
0x3a: {  	_ = 	snop  }
0x3b: {  	_ = 	snop  }
0x3c: {  	p2 =	seq.s32 s10, $0x1;
	s10 =	sld [smem:$0x3FB0]  }
0x3d: {  	_ =	shalt  }
0x3e: {  	_ =	shalt  }
0x3f: {  	_ =	shalt  }
0x40: {  	_ =	shalt  }
0x41: {  	_ =	shalt  }
0x42: {  	_ =	shalt  }
0x43: {  	_ =	shalt  }
0x44: {  	_ =	shalt  }
0x45: {  	_ =	shalt  }
0x46: {  	_ =	shalt  }
0x47: {  	_ =	shalt  }
0x48: {  	_ =	shalt  }
0x49: {  	_ =	shalt  }
0x4a: {  	_ =	shalt  }
0x4b: {  	_ =	shalt  }
0x4c: {  	_ =	shalt  }
0x4d: {  	_ =	shalt  }
0x4e: {  	_ =	shalt  }
0x4f: {  	_ =	shalt  }
0x50: {  	_ =	shalt  }
0x51: {  	_ =	shalt  }
0x52: {  	_ =	shalt  }
0x53: {  	_ =	shalt  }
0x54: {  	_ =	shalt  }
0x55: {  	_ =	shalt  }
0x56: {  	_ =	shalt  }
0x57: {  	_ =	shalt  }
0x58: {  	_ =	shalt  }
0x59: {  	_ =	shalt  }
0x5a: {  	_ =	shalt  }
0x5b: {  	_ =	shalt  }
0x5c: {  	_ =	shalt  }
0x5d: {  	_ =	shalt  }
0x5e: {  	_ =	shalt  }
0x5f: {  	_ =	shalt  }
0x60: {  	_ =	shalt  }
0x61: {  	_ =	shalt  }
0x62: {  	_ =	shalt  }
0x63: {  	_ =	shalt  }
0x64: {  	_ =	shalt  }
0x65: {  	_ =	shalt  }
0x66: {  	_ =	shalt  }
0x67: {  	_ =	shalt  }
0x68: {  	_ =	shalt  }
0x69: {  	_ =	shalt  }
0x6a: {  	_ =	shalt  }
0x6b: {  	_ =	shalt  }
0x6c: {  	_ =	shalt  }
0x6d: {  	_ =	shalt  }
0x6e: {  	_ =	shalt  }
0x6f: {  	_ =	shalt  }
0x70: {  	_ =	shalt  }
0x71: {  	_ =	shalt  }
0x72: {  	_ =	shalt  }
0x73: {  	_ =	shalt  }
0x74: {  	_ =	shalt  }
0x75: {  	_ =	shalt  }
0x76: {  	_ =	shalt  }
0x77: {  	_ =	shalt  }
0x78: {  	_ =	shalt  }
0x79: {  	_ =	shalt  }
0x7a: {  	_ =	shalt  }
0x7b: {  	_ =	shalt  }
0x7c: {  	_ =	shalt  }
0x7d: {  	_ =	shalt  }
0x7e: {  	_ =	shalt  }
0x7f: {  	_ =	shalt  }
0x80: {  	_ =	shalt  }
0x81: {  	_ =	shalt  }
0x82: {  	_ =	shalt  }
0x83: {  	_ =	shalt  }
0x84: {  	_ =	shalt  }
0x85: {  	_ =	shalt  }
0x86: {  	_ =	shalt  }
0x87: {  	_ =	shalt  }
.Lfunc_end0:
.L_simem_size_0:
called_computation.2_lowered:
.L_overlay_start_0:
0x88: {  	s2 =	sld [smem:$0x3FD9]  }
0x89: {  	s3 =	sld [smem:$0x3FFE];
	_ =	sdelay $0x1  }
0x8a: {  	s1 =	srdreg.scid  }
0x8b: {  	s0 =	sand.u32 $0x1, s1  }
0x8c: {  	s17 =	sshll.u32 s0, $0xA;
	s2 =	sadd.s32 s3, s2  }
0x8d: {  	s2 =	sadd.s32 s2, s17  }
0x8e: {  	[smem:$0x3FBC] =	sst s2  }
0x8f: {  	_ = 	snop  }
0x90: {  	s18 =	sld [smem:$0x3FD0];
	(tm) =	ssettm $0x1  }
0x91: {  	s19 =	sld [smem:$0x3FFB];
	_ =	sdelay $0x3  }
0x92: {  	_ =	strace s19  }
0x93: {  	s2 =	sld [smem:$0x3FFC];
	_ =	sdelay $0x3  }
0x94: {  	_ =	strace s2  }
0x95: {  	s2 =	sld [smem:$0x3FFD];
	_ =	sdelay $0x3  }
0x96: {  	_ =	strace s2  }
0x97: {  	_ =	strace $0x8FFFFFFF  }
0x98: {  	s20 =	sld [smem:$0x3FDB];
	_ =	sdelay $0x1  }
0x99: {  	s4 =	simm.s32 $_scs_section_size  }
0x9a: {  	s5 =	simm.s32 $_size__tile_overlayer_lowered;
	s6 =	simm.s32 $_tile_overlayer_lowered  }
0x9b: {  	s7 =	simm.s32 $0x1BFF;
	s21 =	sshll.u32 s6, $0x1;
	s4 =	sadd.s32 s4, s20  }
0x9c: {  	s22 =	simm.s32 $0x0;
	s5 =	sshll.u32 s5, $0x1;
	s6 =	sadd.s32 s21, s4  }
0x9d: {  	[timem:s22], [sflag:s7] =	dma.local [hbm:s6], s5  }
0x9e: {  	_ =	swait.ge [sflag:s7], s5  }
0x9f: {  	s5 =	ssub.s32 $0x0, s5;
	[sflag:s7] =	ssyncset.done $0x0  }
0xa0: {  	[sflag:s7] =	ssyncadd.s32 s5;
	_ =	sdelay $0x1  }
0xa1: {  	s23 =	simm.s32 $0x1B8B  }
0xa2: {  	_ =	swait.ge [sflag:s23], $0x1  }
0xa3: {  	[sflag:s23] =	ssyncset.done $0x0  }
0xa4: {  	[sflag:s23] =	ssyncadd.s32 $0xFFFFFFFF  }
0xa5: {  	s5 =	sld [smem:$0x0]  }
0xa6: {  	s6 =	sand.u32 $0xFFFFFFFE, s1  }
0xa7: {  	p0 =	sne.s32 s1, s6  }
0xa8: {  	s6 =	sshll.u32 @p0 s6, $0xE  }
0xa9: {  	s6 =	sadd.s32 @p0 $0x11B8D, s6;
	s7 =	sshll.u32 @p0 s5, $0x11  }
0xaa: {  	s6 =	sor.u32 @p0 s7, s6  }
0xab: {  	[sflag:s6] =	ssyncadd.remote.s32 @p0 $0x1;
	_ =	sdelay $0x1  }
0xac: {  	s6 =	simm.s32 @p0 $0x1B8D  }
0xad: {  	_ =	swait.eq @p0 [sflag:s6], $0x1  }
0xae: {  	[sflag:s6] =	ssyncadd.s32 @p0 $0xFFFFFFFF  }
0xaf: {  	s7 =	sshll.u32 @!p0 s1, $0xE  }
0xb0: {  	s7 =	sor.u32 @!p0 $0x4000, s7;
	s6 =	simm.s32 @!p0 $0x1B8D  }
0xb1: {  	s5 =	sshll.u32 @!p0 s5, $0x11;
	s7 =	sadd.s32 @!p0 $0x11B8D, s7;
	_ =	swait.eq @!p0 [sflag:s6], $0x1  }
0xb2: {  	s5 =	sor.u32 @!p0 s5, s7;
	[sflag:s6] =	ssyncadd.s32 @!p0 $0xFFFFFFFF  }
0xb3: {  	s25 =	simm.s32 $0x1B8E;
	s24 =	sld [smem:$0x3FFE];
	[sflag:s5] =	ssyncadd.remote.s32 @!p0 $0x1  }
0xb4: {  	s26 =	simm.s32 $execute0_lowered;
	[smem:$0x3FD2] =	sst s25  }
0xb5: {  	s6 =	sshll.u32 s26, $0x1;
	_ =	strace $0x80000049;
	[dreg:$0x1] =	wrdreg $0xFFFFFFFF  }
0xb6: {  	s28 =	simm.s32 $_size_execute0_lowered;
	s4 =	sadd.s32 s4, s6;
	[dreg:$0x0] =	wrdreg $0x0  }
0xb7: {  	s6 =	sshll.u32 s28, $0x1;
	[dreg:$0x2] =	wrdreg s4  }
0xb8: {  	[dreg:$0x3] =	wrdreg s6  }
0xb9: {  	[dreg:$0x4] =	wrdreg $0xC0  }
0xba: {  	_ =	task [dreg:s22], $0x5FFFF  }
0xbb: {  	[dreg:$0x1] =	wrdreg $0xFFFFFFFF  }
0xbc: {  	[dreg:$0x0] =	wrdreg $0x60  }
0xbd: {  	[dreg:$0x2] =	wrdreg s18  }
0xbe: {  	[dreg:$0x3] =	wrdreg s24  }
0xbf: {  	[dreg:$0x4] =	wrdreg $0xA  }
0xc0: {  	_ =	task.clear_ibuf [dreg:s22], $0x5FFFF;
	_ =	strace $0x90000049  }
0xc1: {  	s29 =	simm.s32 $0xA;
	_ =	strace $0x8000004B  }
0xc2: {  	_ =	swait.ge [sflag:s29], $0x1  }
0xc3: {  	[sflag:s29] =	ssyncadd.s32 $0xFFFFFFFF  }
0xc4: {  	_ =	strace $0x9000004B  }
0xc5: {  	_ =	sfence  }
0xc6: {  	s30 =	sld [smem:$0x0];
	_ =	sdelay $0x2  }
0xc7: {  	s31 =	sshll.u32 s1, $0xD;
	s1 =	sshrl.u32 s1, $0x2  }
0xc8: {  	s4 =	sand.u32 $0x4000, s31;
	s1 =	sadd.s32 s1, s30  }
0xc9: {  	s0 =	sor.u32 s4, s0;
	s1 =	sshll.u32 s1, $0x11  }
0xca: {  	s0 =	sor.u32 s1, s0  }
0xcb: {  	s0 =	sadd.s32 $0x8F2B, s0  }
0xcc: {  	[sflag:s0] =	ssyncadd.remote.s32 $0x1  }
0xcd: {  	_ =	sfence.sel $0xFFFF  }
0xce: {  	[dreg:$0x0] =	wrdreg $0xFFFFFFFF;
	(pc) =	sbr.abs _section_cstart, $3  }
0xcf: {  	[dreg:$0x1] =	wrdreg $0xFFFFFFFF  }
0xd0: {  	_ =	task.clear_ibuf [dreg:s22], $0x2FFFF;
	_ =	strace $0x9FFFFFFF  }
0xd1: {  	(tm) =	ssettm $0x7FFFFFFF  }
tec
execute0_lowered:
.L_overlay_start_1:
0x0: {  	(tag) =	ssettag $0x1  }
0x1: {  	s2 =	rddreg [dreg:$0x0]  }
0x2: {  	s4 =	rddreg [dreg:$0x1]  }
0x3: {  	s0 =	rddreg [dreg:$0x2];
	s5 =	srdreg.scid  }
0x4: {  	s1 =	stileid.u32;
	s3 =	simm.s32 $0x0;
	s12 =	simm.s32 $0x5400  }
0x5: {  	s13 =	simm.s32 $0x100;
	s14 =	simm.s32 $0x6800;
	s15 =	simm.s32 $0x180  }
0x6: {  	s16 =	simm.s32 $0x7C00;
	s17 =	simm.s32 $0x5;
	s18 =	simm.s32 $0x0  }
0x7: {  	s5 =	sand.u32 $0x1, s5;
	s6 =	sshll.u32 s1, $0x1;
	[smem:$0x7FF] =	sst s3  }
0x8: {  	s9 =	smul.u32 $0x27100, s1;
	s10 =	sadd.s32 $0x29C800, s4;
	s6 =	sor.u32 s5, s6  }
0x9: {  	_ =	strace $0x8000004A;
	s8 =	ssub.s32 $0x2, s5;
	s11 =	smul.u32 $0x13880, s5  }
0xa: {  	s7 =	sshll.u32 s6, $0xB;
	s6 =	smul.u32 $0x13880, s6;
	s29 =	sshrl.u32 s8, $0x1  }
0xb: {  	s31 =	sadd.s32 s9, s10;
	s9 =	simm.s32 $0x28;
	s7 =	sadd.s32 s7, s4  }
0xc: {  	s30 =	ssub.s32 s8, s29;
	s8 =	simm.s32 $0x9;
	s4 =	sadd.s32 $0x28C800, s7  }
0xd: {  	s5 =	smax.u32 s30, $0x1;
	s6 =	sadd.s32 s10, s6;
	s7 =	sadd.s32 s11, s31  }
0xe: {  	s10 =	simm.s32 $0x4000;
	s11 =	simm.s32 $0x80;
	s7 =	sadd.s32 $0x280, s7  }
.LBB2_1:
0xf: {  	[tilespmem:s3], [sflag:$0x9] =	stream.linear.gather [hbm4b:s4+s3], $0x3E80, $0x38;
	[tilespmem:$0x9000] =	vst v63  }
0x10: {  	_ =	swait.ge [sflag:s8], $0x3E80  }
0x11: {  	[sflag:s8] =	ssyncset.done $0x0  }
0x12: {  	[sflag:s8] =	ssyncadd.s32 $0xFFFFC180  }
0x13: {  	[tilespmem:s10], [sflag:$0x1] =	stream.indirect.gather [hbm4b:s2+s9], $0x80, s3, s9, $0xb8;
	[tilespmem:$0x9000] =	vst v63  }
0x14: {  	_ = 	snop  }
0x15: {  	[tilespmem:s12], [sflag:$0x2] =	stream.indirect.gather [hbm4b:s2+s9], $0x80, s11, s9, $0xb8;
	[tilespmem:$0x9000] =	vst v63  }
0x16: {  	s19 =	simm.s32 $0x1  }
0x17: {  	[tilespmem:s14], [sflag:$0x3] =	stream.indirect.gather [hbm4b:s2+s9], $0x80, s13, s9, $0xb8;
	[tilespmem:$0x9000] =	vst v63  }
0x18: {  	_ =	swait.ge [sflag:s19], $0x1400  }
0x19: {  	[sflag:s19] =	ssyncset.done $0x0  }
0x1a: {  	[sflag:s19] =	ssyncadd.s32 $0xFFFFEC00  }
0x1b: {  	[hbm4b:s6+s3] =	stream.linear.scatter [tilespmem:s10], [sflag:$0x5], $0x1400, $0x38;
	[tilespmem:$0x9000] =	vst v63  }
0x1c: {  	s20 =	simm.s32 $0x200;
	s21 =	smov.u32 s7  }
0x1d: {  	[tilespmem:s16], [sflag:$0x4] =	stream.indirect.gather [hbm4b:s2+s9], $0x80, s15, s9, $0xb8;
	[tilespmem:$0x9000] =	vst v63  }
.LBB2_2:
0x1e: {  	s22 =	sand.u32 $0x3, s19  }
0x1f: {  	p0 =	sgt.s32 s22, $0x1  }
0x20: {  	p1 =	seq.s32 @p0 s22, $0x2  }
0x21: {  	p2 =	por !p1, !p0  }
0x22: {  	s23 =	simm.s32 @!p2 $0x3  }
0x23: {  	_ =	swait.ge @!p2 [sflag:s23], $0x1400  }
0x24: {  	s24 =	simm.s32 @!p2 $0x6800;
	[sflag:s23] =	ssyncset.done @!p2 $0x0  }
0x25: {  	p3 =	sgt.u32 @!p2 s19, $0x79;
	[sflag:s23] =	ssyncadd.s32 @!p2 $0xFFFFEC00;
	s23 =	simm.s32 @!p2 $0x0  }
0x26: {  	[hbm4b:s21+s23] =	stream.linear.scatter @!p2 [tilespmem:s24], [sflag:$0x7], $0x1400, $0x38;
	[tilespmem:$0x9000] =	vst v63  }
0x27: {  	p3 =	por @p0 p3, !p1;
	s23 =	simm.s32 @!p2 $0x6  }
0x28: {  	p3 =	por p3, !p0;
	_ =	swait.ge @!p2 [sflag:s23], $0x1400  }
0x29: {  	s24 =	simm.s32 @!p3 $0x5400;
	[sflag:s23] =	ssyncset.done @!p2 $0x0  }
0x2a: {  	[sflag:s23] =	ssyncadd.s32 @!p2 $0xFFFFEC00;
	s23 =	simm.s32 @!p3 $0x28;
	p2 =	por p1, !p0  }
0x2b: {  	[tilespmem:s24], [sflag:$0x2] =	stream.indirect.gather @!p3 [hbm4b:s2+s23], $0x80, s20, s23, $0xb8;
	[tilespmem:$0x9000] =	vst v63  }
0x2c: {  	s23 =	simm.s32 @!p2 $0x4  }
0x2d: {  	_ =	swait.ge @!p2 [sflag:s23], $0x1400  }
0x2e: {  	[sflag:s23] =	ssyncset.done @!p2 $0x0  }
0x2f: {  	s24 =	simm.s32 @!p2 $0x7C00;
	[sflag:s23] =	ssyncadd.s32 @!p2 $0xFFFFEC00;
	s23 =	simm.s32 @!p2 $0x0  }
0x30: {  	[hbm4b:s21+s23] =	stream.linear.scatter @!p2 [tilespmem:s24], [sflag:$0x8], $0x1400, $0x38;
	[tilespmem:$0x9000] =	vst v63  }
0x31: {  	p3 =	sgt.u32 @!p2 s19, $0x79;
	s23 =	simm.s32 @!p2 $0x7  }
0x32: {  	p1 =	por @p0 p3, p1;
	_ =	swait.ge @!p2 [sflag:s23], $0x1400  }
0x33: {  	p1 =	por p1, !p0;
	[sflag:s23] =	ssyncset.done @!p2 $0x0  }
0x34: {  	s24 =	simm.s32 @!p1 $0x6800;
	[sflag:s23] =	ssyncadd.s32 @!p2 $0xFFFFEC00;
	s23 =	simm.s32 @!p1 $0x28  }
0x35: {  	[tilespmem:s24], [sflag:$0x3] =	stream.indirect.gather @!p1 [hbm4b:s2+s23], $0x80, s20, s23, $0xb8;
	[tilespmem:$0x9000] =	vst v63  }
0x36: {  	p1 =	seq.s32 @!p0 s22, $0x0  }
0x37: {  	p2 =	por !p1, p0  }
0x38: {  	s22 =	simm.s32 @!p2 $0x1  }
0x39: {  	_ =	swait.ge @!p2 [sflag:s22], $0x1400  }
0x3a: {  	s23 =	simm.s32 @!p2 $0x4000;
	[sflag:s22] =	ssyncset.done @!p2 $0x0  }
0x3b: {  	p3 =	sgt.u32 @!p2 s19, $0x79;
	[sflag:s22] =	ssyncadd.s32 @!p2 $0xFFFFEC00;
	s22 =	simm.s32 @!p2 $0x0  }
0x3c: {  	[hbm4b:s21+s22] =	stream.linear.scatter @!p2 [tilespmem:s23], [sflag:$0x5], $0x1400, $0x38;
	[tilespmem:$0x9000] =	vst v63  }
0x3d: {  	p3 =	por @!p0 p3, !p1;
	s22 =	simm.s32 @!p2 $0x8  }
0x3e: {  	p3 =	por p3, p0;
	_ =	swait.ge @!p2 [sflag:s22], $0x1400  }
0x3f: {  	s23 =	simm.s32 @!p3 $0x7C00;
	[sflag:s22] =	ssyncset.done @!p2 $0x0  }
0x40: {  	[sflag:s22] =	ssyncadd.s32 @!p2 $0xFFFFEC00;
	s22 =	simm.s32 @!p3 $0x28;
	p2 =	por p1, p0  }
0x41: {  	[tilespmem:s23], [sflag:$0x4] =	stream.indirect.gather @!p3 [hbm4b:s2+s22], $0x80, s20, s22, $0xb8;
	[tilespmem:$0x9000] =	vst v63  }
0x42: {  	s22 =	simm.s32 @!p2 $0x2  }
0x43: {  	_ =	swait.ge @!p2 [sflag:s22], $0x1400  }
0x44: {  	[sflag:s22] =	ssyncset.done @!p2 $0x0  }
0x45: {  	s23 =	simm.s32 @!p2 $0x5400;
	[sflag:s22] =	ssyncadd.s32 @!p2 $0xFFFFEC00;
	s22 =	simm.s32 @!p2 $0x0  }
0x46: {  	[hbm4b:s21+s22] =	stream.linear.scatter @!p2 [tilespmem:s23], [sflag:$0x6], $0x1400, $0x38;
	[tilespmem:$0x9000] =	vst v63  }
0x47: {  	p3 =	sgt.u32 @!p2 s19, $0x79;
	s22 =	simm.s32 @!p2 $0x5  }
0x48: {  	p1 =	por @!p0 p3, p1;
	_ =	swait.ge @!p2 [sflag:s22], $0x1400  }
0x49: {  	s19 =	sadd.s32 $0x1, s19;
	p0 =	por p1, p0;
	[sflag:s22] =	ssyncset.done @!p2 $0x0  }
0x4a: {  	s23 =	simm.s32 @!p0 $0x4000;
	[sflag:s22] =	ssyncadd.s32 @!p2 $0xFFFFEC00;
	s22 =	simm.s32 @!p0 $0x28  }
0x4b: {  	[tilespmem:s23], [sflag:$0x1] =	stream.indirect.gather @!p0 [hbm4b:s2+s22], $0x80, s20, s22, $0xb8;
	[tilespmem:$0x9000] =	vst v63  }
0x4c: {  	p0 =	sne.s32 s19, $0x7D  }
.Ltmp0:
0x4d: {  	_ = 	snop;
	(pc) =	sbr.rel @p0 .LBB2_2-.Ltmp0, $2  }
0x4e: {  	_ =	sdelay $0x2  }
0x4f: {  	s21 =	sadd.s32 $0x280, s21;
	s20 =	sadd.s32 $0x80, s20  }
0x50: {  	s18 =	sadd.s32 $0x1, s18  }
0x51: {  	p0 =	sne.s32 s18, s5  }
.Ltmp1:
0x52: {  	_ = 	snop;
	(pc) =	sbr.rel @p0 .LBB2_1-.Ltmp1, $4  }
0x53: {  	_ = 	snop  }
0x54: {  	_ =	swait.ge [sflag:s17], $0x1400  }
0x55: {  	[sflag:s17] =	ssyncset.done $0x0  }
0x56: {  	[sflag:s17] =	ssyncadd.s32 $0xFFFFEC00  }
0x57: {  	_ =	sfence.sel $0x180000  }
0x58: {  	[bflag:$0x0] =	sbarrier.arrive $0xFFFF  }
0x59: {  	p0 =	sne.s32 s1, $0x0;
	_ =	strace $0x9000004A  }
0x5a: {  	s0 =	sadd.s32 @!p0 $0x100000, s0;
	[bflag:$0x2] =	sbarrier.arrive $0xFFFF  }
0x5b: {  	[sflag:s0] =	ssyncadd.tile.s32 @!p0 $0x1;
	_ =	shalt  }
.Lfunc_end2:
_tile_overlayer_lowered:
.L_overlay_start_2:
0x5c: {  	(tag) =	ssettag $0x2  }
0x5d: {  	s0 =	rddreg [dreg:$0x0];
	s2 =	stileid.u32  }
0x5e: {  	s1 =	rddreg [dreg:$0x1];
	p0 =	sne.s32 s2, $0x0  }
0x5f: {  	s3 =	rddreg [dreg:$0x2];
	[bflag:$0x3] =	sbarrier.arrive $0xFFFF;
	s2 =	simm.s32 @!p0 $0x1C09  }
0x60: {  	[timem:s3], [sflag:s2] =	dma.local @!p0 [hbm:s0], s1  }
0x61: {  	s0 =	simm.s32 @!p0 $0x9  }
0x62: {  	_ =	swait.ge @!p0 [sflag:s0], s1  }
0x63: {  	s1 =	ssub.s32 @!p0 $0x0, s1;
	[sflag:s0] =	ssyncset.done @!p0 $0x0  }
0x64: {  	[sflag:s0] =	ssyncadd.s32 @!p0 s1  }
0x65: {  	[bflag:$0x3] =	sbarrier.arrive $0xFFFF  }
0x66: {  	_ =	shalt  }

// kernel: kernel.16.cloned.1.call-start
scs
__scs_entry_jumppad:
0x0: {  	(pc) =	sbr.rel $0x88, $3  }
0x1: {  	(tag) =	ssettag $0x0;
	lr =	simm.s32 $0x1  }
0x2: {  	[smem:$0x3F95] =	sst lr;
	_ =	strace $0xD0000000  }
0x3: {  	_ = 	snop  }
0x4: {  	_ = 	snop  }
0x5: {  	_ = 	snop  }
0x6: {  	_ = 	snop  }
0x7: {  	_ = 	snop  }
__scs_overlays_trampoline_lowered:
0x8: {  	[smem:$0x3FA4] =	sst s0  }
0x9: {  	[smem:$0x3FA5] =	sst s1  }
0xa: {  	[smem:$0x3FA6] =	sst s2  }
0xb: {  	[smem:$0x3FA7] =	sst s3  }
0xc: {  	[smem:$0x3FA8] =	sst s4  }
0xd: {  	[smem:$0x3FA9] =	sst s5  }
0xe: {  	[smem:$0x3FAA] =	sst s6  }
0xf: {  	[smem:$0x3FAB] =	sst s7  }
0x10: {  	[smem:$0x3FAC] =	sst s8  }
0x11: {  	[smem:$0x3FAD] =	sst s9;
	s0 =	simm.s32 @!p0 $0x0  }
0x12: {  	s1 =	sld [smem:$0x3F93];
	s0 =	simm.s32 @p0 $0x1  }
0x13: {  	[smem:$0x3FAE] =	sst s0;
	s0 =	simm.s32 @!p1 $0x0  }
0x14: {  	s2 =	sld [smem:$0x3F92];
	s0 =	simm.s32 @p1 $0x1  }
0x15: {  	[smem:$0x3FAF] =	sst s0;
	s0 =	simm.s32 @!p2 $0x0  }
0x16: {  	s3 =	sld [smem:$0x3FDB];
	s0 =	simm.s32 @p2 $0x1  }
0x17: {  	s4 =	simm.s32 $0x1BF5;
	[smem:$0x3FB1] =	sst s0  }
0x18: {  	s0 =	sld [smem:$0x3F94];
	_ =	swait.ge [sflag:s4], $0x0  }
0x19: {  	s7 =	sld [smem:$0x3F95]  }
0x1a: {  	s8 =	sadd.s32 $0xFFFFE003, lr  }
0x1b: {  	s9 =	sadd.s32 $0xFFFFFEF7, lr;
	s5 =	simm.s32 $0xFFFFFFFF;
	p2 =	slt.u32 s8, $0xFFFFF086  }
0x1c: {  	p1 =	slt.u32 s9, $0xF7A;
	s5 =	simm.s32 @!p2 $0x0  }
0x1d: {  	s5 =	simm.s32 @p1 $0x1;
	p0 =	seq.s32 s7, s2  }
0x1e: {  	s7 =	smul.u32 @!p0 $0xF7A, s2;
	p2 =	seq.s32 @!p0 s5, $0x0  }
0x1f: {  	s9 =	smul.u32 $0xF7A, s1;
	s8 =	simm.s32 @!p0 $0x1BF5;
	p2 =	por !p2, p0  }
0x20: {  	[sflag:s8] =	ssyncset.s32 @!p0 $0xFFFFF086;
	s6 =	sadd.s32 @!p0 s3, s7;
	s7 =	simm.s32 @!p0 $0x108  }
0x21: {  	s3 =	sadd.s32 s3, s9;
	s6 =	sadd.s32 @!p0 $0x88, s6;
	s7 =	simm.s32 @p2 $0x1082  }
0x22: {  	[simem:s7], [sflag:s8] =	dma.local @!p0 [hbm:s6], $0xF7A  }
0x23: {  	s9 =	sor.u32 $0xD0000000, s2;
	s6 =	simm.s32 $0x108;
	_ =	swait.ge @!p0 [sflag:s8], $0x0  }
0x24: {  	s3 =	sadd.s32 $0x88, s3;
	s6 =	simm.s32 @!p1 $0x1082;
	[sflag:s4] =	ssyncset.s32 $0xFFFFF086  }
0x25: {  	[simem:s6], [sflag:s4] =	dma.local [hbm:s3], $0xF7A  }
0x26: {  	[smem:$0x3F95] =	sst s1;
	(tag) =	ssettag s2;
	_ =	strace s9  }
0x27: {  	s1 =	sld [smem:$0x3FA5]  }
0x28: {  	s2 =	sld [smem:$0x3FA6]  }
0x29: {  	s4 =	sld [smem:$0x3FA8]  }
0x2a: {  	p0 =	seq.s32 s5, $0x0;
	s5 =	sld [smem:$0x3FA9]  }
0x2b: {  	s6 =	sld [smem:$0x3FAA]  }
0x2c: {  	s7 =	sld [smem:$0x3FAB]  }
0x2d: {  	s3 =	simm.s32 $0x108;
	s8 =	sld [smem:$0x3FAC]  }
0x2e: {  	s3 =	simm.s32 @!p0 $0x1082;
	s9 =	sld [smem:$0x3FAD]  }
0x2f: {  	lr =	sadd.s32 s0, s3;
	s0 =	sld [smem:$0x3FA4]  }
0x30: {  	s3 =	sld [smem:$0x3FA7]  }
0x31: {  	[smem:$0x3FB0] =	sst s10  }
0x32: {  	s10 =	sld [smem:$0x3FAE];
	_ =	sdelay $0x3  }
0x33: {  	p0 =	seq.s32 s10, $0x1;
	s10 =	sld [smem:$0x3FB0];
	_ =	sdelay $0x3  }
0x34: {  	[smem:$0x3FB0] =	sst s10  }
0x35: {  	s10 =	sld [smem:$0x3FAF];
	_ =	sdelay $0x3  }
0x36: {  	p1 =	seq.s32 s10, $0x1;
	s10 =	sld [smem:$0x3FB0];
	_ =	sdelay $0x3  }
0x37: {  	[smem:$0x3FB0] =	sst s10  }
0x38: {  	s10 =	sld [smem:$0x3FB1]  }
0x39: {  	_ = 	snop;
	(pc) =	sbr.ind lr, $3  }
0x3a: {  	_ = 	snop  }
0x3b: {  	_ = 	snop  }
0x3c: {  	p2 =	seq.s32 s10, $0x1;
	s10 =	sld [smem:$0x3FB0]  }
0x3d: {  	_ =	shalt  }
0x3e: {  	_ =	shalt  }
0x3f: {  	_ =	shalt  }
0x40: {  	_ =	shalt  }
0x41: {  	_ =	shalt  }
0x42: {  	_ =	shalt  }
0x43: {  	_ =	shalt  }
0x44: {  	_ =	shalt  }
0x45: {  	_ =	shalt  }
0x46: {  	_ =	shalt  }
0x47: {  	_ =	shalt  }
0x48: {  	_ =	shalt  }
0x49: {  	_ =	shalt  }
0x4a: {  	_ =	shalt  }
0x4b: {  	_ =	shalt  }
0x4c: {  	_ =	shalt  }
0x4d: {  	_ =	shalt  }
0x4e: {  	_ =	shalt  }
0x4f: {  	_ =	shalt  }
0x50: {  	_ =	shalt  }
0x51: {  	_ =	shalt  }
0x52: {  	_ =	shalt  }
0x53: {  	_ =	shalt  }
0x54: {  	_ =	shalt  }
0x55: {  	_ =	shalt  }
0x56: {  	_ =	shalt  }
0x57: {  	_ =	shalt  }
0x58: {  	_ =	shalt  }
0x59: {  	_ =	shalt  }
0x5a: {  	_ =	shalt  }
0x5b: {  	_ =	shalt  }
0x5c: {  	_ =	shalt  }
0x5d: {  	_ =	shalt  }
0x5e: {  	_ =	shalt  }
0x5f: {  	_ =	shalt  }
0x60: {  	_ =	shalt  }
0x61: {  	_ =	shalt  }
0x62: {  	_ =	shalt  }
0x63: {  	_ =	shalt  }
0x64: {  	_ =	shalt  }
0x65: {  	_ =	shalt  }
0x66: {  	_ =	shalt  }
0x67: {  	_ =	shalt  }
0x68: {  	_ =	shalt  }
0x69: {  	_ =	shalt  }
0x6a: {  	_ =	shalt  }
0x6b: {  	_ =	shalt  }
0x6c: {  	_ =	shalt  }
0x6d: {  	_ =	shalt  }
0x6e: {  	_ =	shalt  }
0x6f: {  	_ =	shalt  }
0x70: {  	_ =	shalt  }
0x71: {  	_ =	shalt  }
0x72: {  	_ =	shalt  }
0x73: {  	_ =	shalt  }
0x74: {  	_ =	shalt  }
0x75: {  	_ =	shalt  }
0x76: {  	_ =	shalt  }
0x77: {  	_ =	shalt  }
0x78: {  	_ =	shalt  }
0x79: {  	_ =	shalt  }
0x7a: {  	_ =	shalt  }
0x7b: {  	_ =	shalt  }
0x7c: {  	_ =	shalt  }
0x7d: {  	_ =	shalt  }
0x7e: {  	_ =	shalt  }
0x7f: {  	_ =	shalt  }
0x80: {  	_ =	shalt  }
0x81: {  	_ =	shalt  }
0x82: {  	_ =	shalt  }
0x83: {  	_ =	shalt  }
0x84: {  	_ =	shalt  }
0x85: {  	_ =	shalt  }
0x86: {  	_ =	shalt  }
0x87: {  	_ =	shalt  }
.Lfunc_end0:
.L_simem_size_0:
called_computation.3_lowered:
.L_overlay_start_0:
0x88: {  	s2 =	sld [smem:$0x3FD9]  }
0x89: {  	s3 =	sld [smem:$0x3FFE];
	_ =	sdelay $0x1  }
0x8a: {  	s1 =	srdreg.scid  }
0x8b: {  	s0 =	sand.u32 $0x1, s1  }
0x8c: {  	s17 =	sshll.u32 s0, $0xA;
	s2 =	sadd.s32 s3, s2  }
0x8d: {  	s2 =	sadd.s32 s2, s17  }
0x8e: {  	[smem:$0x3FBC] =	sst s2  }
0x8f: {  	_ = 	snop  }
0x90: {  	s2 =	sld [smem:$0x3FD0];
	(tm) =	ssettm $0x1  }
0x91: {  	s18 =	sld [smem:$0x3FFB];
	_ =	sdelay $0x3  }
0x92: {  	_ =	strace s18  }
0x93: {  	s3 =	sld [smem:$0x3FFC];
	_ =	sdelay $0x3  }
0x94: {  	_ =	strace s3  }
0x95: {  	s3 =	sld [smem:$0x3FFD];
	_ =	sdelay $0x3  }
0x96: {  	_ =	strace s3  }
0x97: {  	_ =	strace $0x8FFFFFFF  }
0x98: {  	s19 =	sld [smem:$0x3FDB];
	_ =	sdelay $0x1  }
0x99: {  	s4 =	simm.s32 $_scs_section_size  }
0x9a: {  	s5 =	simm.s32 $_size__tile_overlayer_lowered;
	s6 =	simm.s32 $_tile_overlayer_lowered  }
0x9b: {  	s22 =	simm.s32 $0x1BFF;
	s21 =	sshll.u32 s6, $0x1;
	s3 =	sadd.s32 s4, s19  }
0x9c: {  	s7 =	simm.s32 $0x0;
	s20 =	sshll.u32 s5, $0x1;
	s5 =	sadd.s32 s21, s3  }
0x9d: {  	[timem:s7], [sflag:s22] =	dma.local [hbm:s5], s20  }
0x9e: {  	_ =	swait.ge [sflag:s22], s20  }
0x9f: {  	s4 =	ssub.s32 $0x0, s20;
	[sflag:s22] =	ssyncset.done $0x0  }
0xa0: {  	[sflag:s22] =	ssyncadd.s32 s4;
	_ =	sdelay $0x1  }
0xa1: {  	s23 =	simm.s32 $0x1B8B  }
0xa2: {  	_ =	swait.ge [sflag:s23], $0x1  }
0xa3: {  	[sflag:s23] =	ssyncset.done $0x0  }
0xa4: {  	s25 =	simm.s32 $0x1B8E;
	s24 =	sld [smem:$0x3FFE];
	[sflag:s23] =	ssyncadd.s32 $0xFFFFFFFF  }
0xa5: {  	s26 =	simm.s32 $execute0_lowered;
	[smem:$0x3FD2] =	sst s25  }
0xa6: {  	s5 =	sshll.u32 s26, $0x1;
	_ =	strace $0x8000004F;
	[dreg:$0x1] =	wrdreg $0xFFFFFFFF  }
0xa7: {  	s28 =	simm.s32 $_size_execute0_lowered;
	s3 =	sadd.s32 s3, s5;
	[dreg:$0x0] =	wrdreg $0x0  }
0xa8: {  	s5 =	sshll.u32 s28, $0x1;
	[dreg:$0x2] =	wrdreg s3  }
0xa9: {  	[dreg:$0x3] =	wrdreg s5  }
0xaa: {  	[dreg:$0x4] =	wrdreg $0xC0  }
0xab: {  	_ =	task [dreg:s7], $0x5FFFF  }
0xac: {  	[dreg:$0x1] =	wrdreg $0xFFFFFFFF  }
0xad: {  	[dreg:$0x0] =	wrdreg $0x60  }
0xae: {  	[dreg:$0x2] =	wrdreg s2  }
0xaf: {  	[dreg:$0x3] =	wrdreg s24  }
0xb0: {  	[dreg:$0x4] =	wrdreg $0x9  }
0xb1: {  	_ =	task.clear_ibuf [dreg:s7], $0x5FFFF;
	_ =	strace $0x9000004F  }
0xb2: {  	s29 =	simm.s32 $0x9;
	_ =	strace $0x80000051  }
0xb3: {  	_ =	swait.ge [sflag:s29], $0x1  }
0xb4: {  	[sflag:s29] =	ssyncadd.s32 $0xFFFFFFFF  }
0xb5: {  	_ =	strace $0x90000051  }
0xb6: {  	_ =	sfence  }
0xb7: {  	s30 =	sld [smem:$0x0];
	_ =	sdelay $0x2  }
0xb8: {  	s31 =	sshll.u32 s1, $0xD;
	s1 =	sshrl.u32 s1, $0x2  }
0xb9: {  	s3 =	sand.u32 $0x4000, s31;
	s1 =	sadd.s32 s1, s30  }
0xba: {  	s0 =	sor.u32 s3, s0;
	s1 =	sshll.u32 s1, $0x11  }
0xbb: {  	s0 =	sor.u32 s1, s0  }
0xbc: {  	s0 =	sadd.s32 $0x8F2B, s0  }
0xbd: {  	[sflag:s0] =	ssyncadd.remote.s32 $0x1  }
0xbe: {  	_ =	sfence.sel $0xFFFF  }
0xbf: {  	[dreg:$0x0] =	wrdreg $0xFFFFFFFF;
	(pc) =	sbr.abs _section_cstart, $3  }
0xc0: {  	[dreg:$0x1] =	wrdreg $0xFFFFFFFF  }
0xc1: {  	_ =	task.clear_ibuf [dreg:s7], $0x2FFFF;
	_ =	strace $0x9FFFFFFF  }
0xc2: {  	(tm) =	ssettm $0x7FFFFFFF  }
0xc3: {  	_ =	shalt  }
tec
execute0_lowered:
.L_overlay_start_1:
0x0: {  	(tag) =	ssettag $0x1  }
0x1: {  	s18 =	rddreg [dreg:$0x0]  }
0x2: {  	s3 =	srdreg.scid;
	s1 =	stileid.u32  }
0x3: {  	s5 =	rddreg [dreg:$0x1];
	s15 =	sand.u32 $0x1, s3;
	s28 =	sshll.u32 s1, $0x1  }
0x4: {  	s0 =	rddreg [dreg:$0x2];
	s2 =	simm.s32 $0x0;
	s16 =	sor.u32 s15, s28  }
0x5: {  	[smem:$0x7FF] =	sst s2;
	s17 =	sadd.s32 $0x1A00, s5;
	s3 =	sshll.u32 s16, $0x4  }
0x6: {  	s4 =	simm.s32 $0x3;
	_ =	strace $0x80000050;
	s3 =	sadd.s32 s17, s3  }
0x7: {  	[tilespmem:s2], [sflag:$0x3] =	stream.linear.gather [hbm4b:s3+s2], $0x80, $0x38;
	[tilespmem:$0x2880] =	vst v63  }
0x8: {  	s7 =	simm.s32 $0x80;
	s6 =	smul.u32 $0x500, s16;
	_ =	swait.ge [sflag:s4], $0x80  }
0x9: {  	s8 =	simm.s32 $0x1;
	s5 =	sadd.s32 $0x2200, s5;
	[sflag:s4] =	ssyncset.done $0x0  }
0xa: {  	s12 =	sor.u32 $0x20, s16;
	s6 =	sadd.s32 s18, s6;
	[sflag:s4] =	ssyncadd.s32 $0xFFFFFF80  }
0xb: {  	[tilespmem:s7], [sflag:$0x1] =	stream.linear.gather [hbm4b:s6+s2], $0x2800, $0x38;
	[tilespmem:$0x2880] =	vst v63  }
0xc: {  	s9 =	sshll.u32 s16, $0x7;
	s10 =	sshll.u32 s12, $0x7;
	_ =	swait.ge [sflag:s8], $0x2800  }
0xd: {  	s19 =	sand.u32 $0x380, s9;
	s9 =	simm.s32 $0x50;
	[sflag:s8] =	ssyncset.done $0x0  }
0xe: {  	s11 =	sand.u32 $0x1C00, s10;
	s10 =	simm.s32 $0x2;
	[sflag:s8] =	ssyncadd.s32 $0xFFFFD800  }
0xf: {  	[hbm4b:s5+s9] =	stream.indirect.scatter [tilespmem:s7], [sflag:$0x2], $0x80, s2, s9, $0xb8;
	[tilespmem:$0x2880] =	vst v63  }
0x10: {  	s11 =	sor.u32 s19, s11;
	_ =	swait.ge [sflag:s10], $0x2800  }
0x11: {  	s11 =	sshrl.u32 s11, $0x3;
	[sflag:s10] =	ssyncset.done $0x0  }
0x12: {  	s11 =	sadd.s32 s17, s11;
	[sflag:s10] =	ssyncadd.s32 $0xFFFFD800  }
0x13: {  	[tilespmem:s2], [sflag:$0x3] =	stream.linear.gather [hbm4b:s11+s2], $0x80, $0x38;
	[tilespmem:$0x2880] =	vst v63  }
0x14: {  	s12 =	smul.u32 $0x500, s12;
	_ =	swait.ge [sflag:s4], $0x80  }
0x15: {  	[sflag:s4] =	ssyncset.done $0x0  }
0x16: {  	s12 =	sadd.s32 s18, s12;
	[sflag:s4] =	ssyncadd.s32 $0xFFFFFF80  }
0x17: {  	[tilespmem:s7], [sflag:$0x1] =	stream.linear.gather [hbm4b:s12+s2], $0x2800, $0x38;
	[tilespmem:$0x2880] =	vst v63  }
0x18: {  	s14 =	sor.u32 $0x40, s16;
	_ =	swait.ge [sflag:s8], $0x2800  }
0x19: {  	s13 =	sshll.u32 s14, $0x7;
	[sflag:s8] =	ssyncset.done $0x0  }
0x1a: {  	s13 =	sand.u32 $0x2C00, s13;
	[sflag:s8] =	ssyncadd.s32 $0xFFFFD800  }
0x1b: {  	[hbm4b:s5+s9] =	stream.indirect.scatter [tilespmem:s7], [sflag:$0x2], $0x80, s2, s9, $0xb8;
	[tilespmem:$0x2880] =	vst v63  }
0x1c: {  	s13 =	sor.u32 s19, s13;
	_ =	swait.ge [sflag:s10], $0x2800  }
0x1d: {  	s13 =	sshrl.u32 s13, $0x3;
	[sflag:s10] =	ssyncset.done $0x0  }
0x1e: {  	s13 =	sadd.s32 s17, s13;
	[sflag:s10] =	ssyncadd.s32 $0xFFFFD800  }
0x1f: {  	[tilespmem:s2], [sflag:$0x3] =	stream.linear.gather [hbm4b:s13+s2], $0x80, $0x38;
	[tilespmem:$0x2880] =	vst v63  }
0x20: {  	s14 =	smul.u32 $0x500, s14;
	_ =	swait.ge [sflag:s4], $0x80  }
0x21: {  	[sflag:s4] =	ssyncset.done $0x0  }
0x22: {  	s14 =	sadd.s32 s18, s14;
	[sflag:s4] =	ssyncadd.s32 $0xFFFFFF80  }
0x23: {  	[tilespmem:s7], [sflag:$0x1] =	stream.linear.gather [hbm4b:s14+s2], $0x2800, $0x38;
	[tilespmem:$0x2880] =	vst v63  }
0x24: {  	s29 =	ssub.s32 $0x2, s15;
	s20 =	sor.u32 $0x60, s16;
	_ =	swait.ge [sflag:s8], $0x2800  }
0x25: {  	p0 =	sgt.u32 s16, $0x1C;
	s21 =	sshll.u32 s20, $0x7;
	[sflag:s8] =	ssyncset.done $0x0  }
0x26: {  	s31 =	sshrl.u32 s29, $0x1;
	s21 =	sand.u32 $0x3C00, s21;
	[sflag:s8] =	ssyncadd.s32 $0xFFFFD800  }
0x27: {  	[hbm4b:s5+s9] =	stream.indirect.scatter [tilespmem:s7], [sflag:$0x2], $0x80, s2, s9, $0xb8;
	[tilespmem:$0x2880] =	vst v63  }
0x28: {  	s30 =	smul.u32 $0x500, s20;
	s19 =	sor.u32 s19, s21;
	_ =	swait.ge [sflag:s10], $0x2800  }
0x29: {  	s16 =	simm.s32 @!p0 $0x0;
	s19 =	sshrl.u32 s19, $0x3;
	[sflag:s10] =	ssyncset.done $0x0  }
0x2a: {  	s15 =	sadd.s32 s17, s19;
	s17 =	simm.s32 @!p0 $0x3;
	[sflag:s10] =	ssyncadd.s32 $0xFFFFD800  }
0x2b: {  	[tilespmem:s16], [sflag:$0x3] =	stream.linear.gather @!p0 [hbm4b:s15+s16], $0x80, $0x38;
	[tilespmem:$0x2880] =	vst v63  }
0x2c: {  	s20 =	simm.s32 @!p0 $0x1;
	s21 =	ssub.s32 s29, s31;
	_ =	swait.ge @!p0 [sflag:s17], $0x80  }
0x2d: {  	s18 =	sadd.s32 s18, s30;
	s21 =	smax.u32 s21, $0x1;
	[sflag:s17] =	ssyncset.done @!p0 $0x0  }
0x2e: {  	s19 =	simm.s32 @!p0 $0x80;
	s22 =	sadd.s32 $0xFFFFFFFF, s21;
	[sflag:s17] =	ssyncadd.s32 @!p0 $0xFFFFFF80  }
0x2f: {  	[tilespmem:s19], [sflag:$0x1] =	stream.linear.gather @!p0 [hbm4b:s18+s16], $0x2800, $0x38;
	[tilespmem:$0x2880] =	vst v63  }
0x30: {  	p1 =	sne.s32 s22, $0x0;
	_ =	swait.ge @!p0 [sflag:s20], $0x2800  }
.Ltmp0:
0x31: {  	[sflag:s20] =	ssyncset.done @!p0 $0x0;
	(pc) =	sbr.rel @!p1 .LBB2_2-.Ltmp0, $4  }
0x32: {  	s23 =	simm.s32 @!p0 $0x50;
	s21 =	simm.s32 @!p0 $0x2;
	[sflag:s20] =	ssyncadd.s32 @!p0 $0xFFFFD800  }
0x33: {  	[hbm4b:s5+s23] =	stream.indirect.scatter @!p0 [tilespmem:s19], [sflag:$0x2], $0x80, s16, s23, $0xb8;
	[tilespmem:$0x2880] =	vst v63  }
0x34: {  	_ =	swait.ge @!p0 [sflag:s21], $0x2800  }
0x35: {  	[sflag:s21] =	ssyncset.done @!p0 $0x0  }
.LBB2_1:
0x36: {  	s22 =	sadd.s32 $0xFFFFFFFF, s22;
	[sflag:s21] =	ssyncadd.s32 @!p0 $0xFFFFD800  }
0x37: {  	[tilespmem:s2], [sflag:$0x3] =	stream.linear.gather [hbm4b:s3+s2], $0x80, $0x38;
	[tilespmem:$0x2880] =	vst v63  }
0x38: {  	p1 =	sne.s32 s22, $0x0;
	_ =	swait.ge [sflag:s4], $0x80  }
0x39: {  	[sflag:s4] =	ssyncset.done $0x0  }
0x3a: {  	[sflag:s4] =	ssyncadd.s32 $0xFFFFFF80  }
0x3b: {  	[tilespmem:s7], [sflag:$0x1] =	stream.linear.gather [hbm4b:s6+s2], $0x2800, $0x38;
	[tilespmem:$0x2880] =	vst v63  }
0x3c: {  	_ =	swait.ge [sflag:s8], $0x2800  }
0x3d: {  	[sflag:s8] =	ssyncset.done $0x0  }
0x3e: {  	[sflag:s8] =	ssyncadd.s32 $0xFFFFD800  }
0x3f: {  	[hbm4b:s5+s9] =	stream.indirect.scatter [tilespmem:s7], [sflag:$0x2], $0x80, s2, s9, $0xb8;
	[tilespmem:$0x2880] =	vst v63  }
0x40: {  	_ =	swait.ge [sflag:s10], $0x2800  }
0x41: {  	[sflag:s10] =	ssyncset.done $0x0  }
0x42: {  	[sflag:s10] =	ssyncadd.s32 $0xFFFFD800  }
0x43: {  	[tilespmem:s2], [sflag:$0x3] =	stream.linear.gather [hbm4b:s11+s2], $0x80, $0x38;
	[tilespmem:$0x2880] =	vst v63  }
0x44: {  	_ =	swait.ge [sflag:s4], $0x80  }
0x45: {  	[sflag:s4] =	ssyncset.done $0x0  }
0x46: {  	[sflag:s4] =	ssyncadd.s32 $0xFFFFFF80  }
0x47: {  	[tilespmem:s7], [sflag:$0x1] =	stream.linear.gather [hbm4b:s12+s2], $0x2800, $0x38;
	[tilespmem:$0x2880] =	vst v63  }
0x48: {  	_ =	swait.ge [sflag:s8], $0x2800  }
0x49: {  	[sflag:s8] =	ssyncset.done $0x0  }
0x4a: {  	[sflag:s8] =	ssyncadd.s32 $0xFFFFD800  }
0x4b: {  	[hbm4b:s5+s9] =	stream.indirect.scatter [tilespmem:s7], [sflag:$0x2], $0x80, s2, s9, $0xb8;
	[tilespmem:$0x2880] =	vst v63  }
0x4c: {  	_ =	swait.ge [sflag:s10], $0x2800  }
0x4d: {  	[sflag:s10] =	ssyncset.done $0x0  }
0x4e: {  	[sflag:s10] =	ssyncadd.s32 $0xFFFFD800  }
0x4f: {  	[tilespmem:s2], [sflag:$0x3] =	stream.linear.gather [hbm4b:s13+s2], $0x80, $0x38;
	[tilespmem:$0x2880] =	vst v63  }
0x50: {  	_ =	swait.ge [sflag:s4], $0x80  }
0x51: {  	[sflag:s4] =	ssyncset.done $0x0  }
0x52: {  	[sflag:s4] =	ssyncadd.s32 $0xFFFFFF80  }
0x53: {  	[tilespmem:s7], [sflag:$0x1] =	stream.linear.gather [hbm4b:s14+s2], $0x2800, $0x38;
	[tilespmem:$0x2880] =	vst v63  }
0x54: {  	_ =	swait.ge [sflag:s8], $0x2800  }
0x55: {  	[sflag:s8] =	ssyncset.done $0x0  }
0x56: {  	[sflag:s8] =	ssyncadd.s32 $0xFFFFD800  }
0x57: {  	[hbm4b:s5+s9] =	stream.indirect.scatter [tilespmem:s7], [sflag:$0x2], $0x80, s2, s9, $0xb8;
	[tilespmem:$0x2880] =	vst v63  }
0x58: {  	_ =	swait.ge [sflag:s10], $0x2800  }
0x59: {  	[sflag:s10] =	ssyncset.done $0x0  }
0x5a: {  	[sflag:s10] =	ssyncadd.s32 $0xFFFFD800  }
0x5b: {  	[tilespmem:s16], [sflag:$0x3] =	stream.linear.gather @!p0 [hbm4b:s15+s16], $0x80, $0x38;
	[tilespmem:$0x2880] =	vst v63  }
0x5c: {  	_ =	swait.ge @!p0 [sflag:s17], $0x80  }
0x5d: {  	[sflag:s17] =	ssyncset.done @!p0 $0x0  }
0x5e: {  	[sflag:s17] =	ssyncadd.s32 @!p0 $0xFFFFFF80  }
0x5f: {  	[tilespmem:s19], [sflag:$0x1] =	stream.linear.gather @!p0 [hbm4b:s18+s16], $0x2800, $0x38;
	[tilespmem:$0x2880] =	vst v63  }
0x60: {  	_ =	swait.ge @!p0 [sflag:s20], $0x2800  }
.Ltmp1:
0x61: {  	[sflag:s20] =	ssyncset.done @!p0 $0x0;
	(pc) =	sbr.rel @p1 .LBB2_1-.Ltmp1, $4  }
0x62: {  	[sflag:s20] =	ssyncadd.s32 @!p0 $0xFFFFD800  }
0x63: {  	[hbm4b:s5+s23] =	stream.indirect.scatter @!p0 [tilespmem:s19], [sflag:$0x2], $0x80, s16, s23, $0xb8;
	[tilespmem:$0x2880] =	vst v63  }
0x64: {  	_ =	swait.ge @!p0 [sflag:s21], $0x2800  }
0x65: {  	[sflag:s21] =	ssyncset.done @!p0 $0x0  }
.LBB2_2:
0x66: {  	[sflag:s21] =	ssyncadd.s32 @!p0 $0xFFFFD800  }
0x67: {  	_ =	sfence.sel $0x180000  }
0x68: {  	[bflag:$0x0] =	sbarrier.arrive $0xFFFF  }
0x69: {  	p0 =	sne.s32 s1, $0x0;
	_ =	strace $0x90000050  }
0x6a: {  	s0 =	sadd.s32 @!p0 $0x100000, s0;
	[bflag:$0x2] =	sbarrier.arrive $0xFFFF  }
0x6b: {  	[sflag:s0] =	ssyncadd.tile.s32 @!p0 $0x1;
	_ =	shalt  }
.Lfunc_end2:
_tile_overlayer_lowered:
.L_overlay_start_2:
0x6c: {  	(tag) =	ssettag $0x2  }
0x6d: {  	s0 =	rddreg [dreg:$0x0];
	s2 =	stileid.u32  }
0x6e: {  	s1 =	rddreg [dreg:$0x1];
	p0 =	sne.s32 s2, $0x0  }
0x6f: {  	s3 =	rddreg [dreg:$0x2];
	[bflag:$0x3] =	sbarrier.arrive $0xFFFF;
	s2 =	simm.s32 @!p0 $0x1C03  }
0x70: {  	[timem:s3], [sflag:s2] =	dma.local @!p0 [hbm:s0], s1  }
0x71: {  	s0 =	simm.s32 @!p0 $0x3  }
0x72: {  	_ =	swait.ge @!p0 [sflag:s0], s1  }
0x73: {  	s1 =	ssub.s32 @!p0 $0x0, s1;
	[sflag:s0] =	ssyncset.done @!p0 $0x0  }
0x74: {  	[sflag:s0] =	ssyncadd.s32 @!p0 s1  }
0x75: {  	[bflag:$0x3] =	sbarrier.arrive $0xFFFF  }
0x76: {  	_ =	shalt  }

</sc_bundles>
